<compile_context>
chip_gen: v7x
topology: tpu7x:2x2x1
jax: 0.10.2.dev20260603
libtpu: 0.0.44.dev20260713+nightly
codegen_flags: <defaults>
</compile_context>

<pallas_src>
import functools

import jax
import jax.numpy as jnp
from jax import lax
from jax.experimental import pallas as pl
from jax.experimental.pallas import tpu as pltpu
from jax.experimental.pallas import tpu_sc as plsc

VOCAB = 1000000
MAXLEN = 200
EMBED = 32
BATCH = 4096

NC = 2
NS = 16
NW = NC * NS
L = 16

SEQ_PER_W = BATCH // NW
NCH = 2
CH = MAXLEN // NCH
NB = 4
NT = SEQ_PER_W // NB
ROWS = MAXLEN * EMBED // 128


def _body(x_hbm, tok_hbm, pos_hbm, out_hbm, idx_v, pos_v, gbuf, obuf,
          gsems, osems):
    wid = lax.axis_index("s") * NC + lax.axis_index("c")

    pltpu.sync_copy(x_hbm.at[wid], idx_v)
    pltpu.sync_copy(pos_hbm, pos_v)

    def issue_gather(k, b):
        for j in range(NCH):
            pltpu.async_copy(
                tok_hbm.at[idx_v.at[k].at[j]], gbuf.at[b].at[j], gsems[b]
            )

    def wait_gather(k, b):
        for j in range(NCH):
            pltpu.make_async_copy(
                tok_hbm.at[idx_v.at[k].at[j]], gbuf.at[b].at[j], gsems[b]
            ).wait()

    def out_slice(k):
        return out_hbm.at[pl.ds((wid * SEQ_PER_W + k) * ROWS, ROWS)]

    for b in range(NB):
        issue_gather(b, b)

    def outer(t, carry):
        for b in range(NB):
            k = t * NB + b
            wait_gather(k, b)

            @pl.when(t > 0)
            def _():
                pltpu.make_async_copy(obuf.at[b], out_slice(k - NB),
                                      osems[b]).wait()

            def add_body(q, c):
                for j in range(NCH):
                    for rr in range(4):
                        for h in range(EMBED // L):
                            o = pl.ds((rr * EMBED + h * L) % 128, L)
                            g = pl.ds(h * L, L)
                            obuf[b, j * (CH // 4) + q, o] = (
                                gbuf[b, j, q * 4 + rr, g]
                                + pos_v[j * (CH // 4) + q, o]
                            )
                return c

            lax.fori_loop(0, CH // 4, add_body, 0)
            pltpu.async_copy(obuf.at[b], out_slice(k), osems[b])

            @pl.when(t < NT - 1)
            def _():
                issue_gather(k + NB, b)
        return carry

    lax.fori_loop(0, NT, outer, 0)

    for b in range(NB):
        pltpu.make_async_copy(obuf.at[b], out_slice((NT - 1) * NB + b),
                              osems[b]).wait()


@jax.jit
def kernel(x, token_table, pos_table):
    x4 = x.reshape(NW, SEQ_PER_W, NCH, CH).astype(jnp.int32)
    pos2 = pos_table.reshape(ROWS, 128)
    mesh = plsc.VectorSubcoreMesh(
        core_axis_name="c", subcore_axis_name="s", num_cores=NC, num_subcores=NS
    )
    run = pl.kernel(
        _body,
        out_type=jax.ShapeDtypeStruct((BATCH * ROWS, 128), jnp.float32),
        mesh=mesh,
        scratch_types=[
            pltpu.VMEM((SEQ_PER_W, NCH, CH), jnp.int32),
            pltpu.VMEM((ROWS, 128), jnp.float32),
            pltpu.VMEM((NB, NCH, CH, EMBED), jnp.float32),
            pltpu.VMEM((NB, ROWS, 128), jnp.float32),
            [pltpu.SemaphoreType.DMA] * NB,
            [pltpu.SemaphoreType.DMA] * NB,
        ],
        compiler_params=pltpu.CompilerParams(use_tc_tiling_on_sc=False),
    )
    out = run(x4, token_table, pos2)
    return out.reshape(BATCH, MAXLEN, EMBED)

# --- scband reference (transcript-rebuilt; emitter-appended) ---
"""Pipeline reference for scband-token-and-position-embedding-82746839925393 (READ-ONLY COPY).

The authoritative reference and input builder live on the scoring server;
editing this copy changes nothing except your own understanding.
"""

import jax, jax.numpy as jnp
import numpy as np

VOCAB = 1000000
MAXLEN = 200
EMBED = 32
BATCH = 4096

def setup_inputs(seed: int = 0) -> dict:
    key = jax.random.key(seed)
    k1, k2, k3 = jax.random.split(key, 3)
    x = jax.random.randint(k1, (BATCH, MAXLEN), 0, VOCAB, dtype=jnp.int64 if jax.config.jax_enable_x64 else jnp.int32)
    token_table = jax.random.normal(k2, (VOCAB, EMBED), dtype=jnp.float32) * 0.02
    pos_table = jax.random.normal(k3, (MAXLEN, EMBED), dtype=jnp.float32) * 0.02
    return {"x": x, "token_table": token_table, "pos_table": pos_table}

def reference(x, token_table, pos_table):
    maxlen = x.shape[-1]
    positions = jnp.arange(0, maxlen, 1)
    pos_emb = jnp.take(pos_table, positions, axis=0)  # [maxlen, embed]
    tok_emb = jnp.take(token_table, x, axis=0)        # [batch, maxlen, embed]
    return tok_emb + pos_emb

if __name__ == "__main__":
    import jax
    _d = setup_inputs()
    print(jax.jit(kernel)(*tuple(_d.values())))

</pallas_src>

<mosaic_0001>
#map = affine_map<(d0, d1) -> (0, 0, 0, 0)>
#map1 = affine_map<(d0, d1) -> (0, 0)>
module attributes {stable_mosaic.version = 14 : i64} {
  func.func @_body(%arg0: i32, %arg1: i32, %arg2: memref<32x128x2x100xi32, #tpu.memory_space<hbm>>, %arg3: memref<1000000x32xf32, #tpu.memory_space<hbm>>, %arg4: memref<50x128xf32, #tpu.memory_space<hbm>>, %arg5: memref<204800x128xf32, #tpu.memory_space<hbm>>, %arg6: memref<128x2x100xi32, #tpu.memory_space<vmem>>, %arg7: memref<50x128xf32, #tpu.memory_space<vmem>>, %arg8: memref<4x2x100x32xf32, #tpu.memory_space<vmem>>, %arg9: memref<4x50x128xf32, #tpu.memory_space<vmem>>, %arg10: memref<!tpu.dma_semaphore, #tpu.memory_space<semaphore_mem>>, %arg11: memref<!tpu.dma_semaphore, #tpu.memory_space<semaphore_mem>>, %arg12: memref<!tpu.dma_semaphore, #tpu.memory_space<semaphore_mem>>, %arg13: memref<!tpu.dma_semaphore, #tpu.memory_space<semaphore_mem>>, %arg14: memref<!tpu.dma_semaphore, #tpu.memory_space<semaphore_mem>>, %arg15: memref<!tpu.dma_semaphore, #tpu.memory_space<semaphore_mem>>, %arg16: memref<!tpu.dma_semaphore, #tpu.memory_space<semaphore_mem>>, %arg17: memref<!tpu.dma_semaphore, #tpu.memory_space<semaphore_mem>>) attributes {dimension_semantics = [#tpu.dimension_semantics<core_parallel>, #tpu.dimension_semantics<subcore_parallel>], iteration_bounds = array<i64: 2, 16>, scalar_prefetch = 0 : i64, scratch_operands = 12 : i64, tpu.core_type = #tpu.core_type<sc_vector_subcore>, window_params = [{transform_indices = #map}, {transform_indices = #map1}, {transform_indices = #map1}, {transform_indices = #map1}]} {
    %mul3A = arith.constant 2 : i32
    %mul3A_0 = arith.muli %arg1, %mul3A : i32
    %add3A = arith.addi %mul3A_0, %arg0 : i32
    "tpu.region"() ({
      %run_scoped3A = tpu.sem_alloc : memref<!tpu.dma_semaphore, #tpu.memory_space<semaphore_mem>>
      %dma_start3A_264 = arith.constant 0 : i32
      %dma_start3A_265 = arith.constant 0 : i32
      %dma_start3A_266 = arith.constant 0 : i32
      %dma_start3A_267 = tpu.memref_slice %arg2[%add3A, %dma_start3A_264, %dma_start3A_265, %dma_start3A_266] : memref<32x128x2x100xi32, #tpu.memory_space<hbm>> -> memref<1x128x2x100xi32, #tpu.memory_space<hbm>>
      %dma_start3A_268 = tpu.memref_squeeze %dma_start3A_267 : memref<1x128x2x100xi32, #tpu.memory_space<hbm>> -> memref<128x2x100xi32, #tpu.memory_space<hbm>>
      %dma_start3A_269 = arith.constant 0 : i32
      %dma_start3A_270 = arith.constant 0 : i32
      %dma_start3A_271 = arith.constant 0 : i32
      %dma_start3A_272 = tpu.memref_slice %arg2[%add3A, %dma_start3A_269, %dma_start3A_270, %dma_start3A_271] : memref<32x128x2x100xi32, #tpu.memory_space<hbm>> -> memref<1x128x2x100xi32, #tpu.memory_space<hbm>>
      %dma_start3A_273 = tpu.memref_squeeze %dma_start3A_272 : memref<1x128x2x100xi32, #tpu.memory_space<hbm>> -> memref<128x2x100xi32, #tpu.memory_space<hbm>>
      tpu.enqueue_dma source(%dma_start3A_273 : memref<128x2x100xi32, #tpu.memory_space<hbm>>) target(%arg6 : memref<128x2x100xi32, #tpu.memory_space<vmem>>) target_semaphore(%run_scoped3A : memref<!tpu.dma_semaphore, #tpu.memory_space<semaphore_mem>>)
      %dma_wait3A_274 = arith.constant 0 : i32
      %dma_wait3A_275 = arith.constant 0 : i32
      %dma_wait3A_276 = arith.constant 0 : i32
      %dma_wait3A_277 = tpu.memref_slice %arg2[%add3A, %dma_wait3A_274, %dma_wait3A_275, %dma_wait3A_276] : memref<32x128x2x100xi32, #tpu.memory_space<hbm>> -> memref<1x128x2x100xi32, #tpu.memory_space<hbm>>
      %dma_wait3A_278 = tpu.memref_squeeze %dma_wait3A_277 : memref<1x128x2x100xi32, #tpu.memory_space<hbm>> -> memref<128x2x100xi32, #tpu.memory_space<hbm>>
      %dma_wait3A_279 = arith.constant 0 : i32
      %dma_wait3A_280 = arith.constant 0 : i32
      %dma_wait3A_281 = arith.constant 0 : i32
      %dma_wait3A_282 = tpu.memref_slice %arg2[%add3A, %dma_wait3A_279, %dma_wait3A_280, %dma_wait3A_281] : memref<32x128x2x100xi32, #tpu.memory_space<hbm>> -> memref<1x128x2x100xi32, #tpu.memory_space<hbm>>
      %dma_wait3A_283 = tpu.memref_squeeze %dma_wait3A_282 : memref<1x128x2x100xi32, #tpu.memory_space<hbm>> -> memref<128x2x100xi32, #tpu.memory_space<hbm>>
      tpu.wait_dma2 semaphore(%run_scoped3A : memref<!tpu.dma_semaphore, #tpu.memory_space<semaphore_mem>>) src(%dma_wait3A_283 : memref<128x2x100xi32, #tpu.memory_space<hbm>>) dst(%arg6 : memref<128x2x100xi32, #tpu.memory_space<vmem>>)
      tpu.yield
    }) : () -> ()
    "tpu.region"() ({
      %run_scoped3A = tpu.sem_alloc : memref<!tpu.dma_semaphore, #tpu.memory_space<semaphore_mem>>
      tpu.enqueue_dma source(%arg4 : memref<50x128xf32, #tpu.memory_space<hbm>>) target(%arg7 : memref<50x128xf32, #tpu.memory_space<vmem>>) target_semaphore(%run_scoped3A : memref<!tpu.dma_semaphore, #tpu.memory_space<semaphore_mem>>)
      tpu.wait_dma2 semaphore(%run_scoped3A : memref<!tpu.dma_semaphore, #tpu.memory_space<semaphore_mem>>) src(%arg4 : memref<50x128xf32, #tpu.memory_space<hbm>>) dst(%arg7 : memref<50x128xf32, #tpu.memory_space<vmem>>)
      tpu.yield
    }) : () -> ()
    %dma_start3A = arith.constant 0 : i32
    %dma_start3A_1 = arith.constant 0 : i32
    %dma_start3A_2 = arith.constant 0 : i32
    %dma_start3A_3 = arith.constant 0 : i32
    %dma_start3A_4 = arith.constant 0 : i32
    %dma_start3A_5 = arith.constant 0 : i32
    %dma_start3A_6 = arith.constant 0 : i32
    %dma_start3A_7 = tpu.memref_slice %arg8[%dma_start3A_2, %dma_start3A_4, %dma_start3A_5, %dma_start3A_6] : memref<4x2x100x32xf32, #tpu.memory_space<vmem>> -> memref<1x2x100x32xf32, #tpu.memory_space<vmem>>
    %dma_start3A_8 = tpu.memref_squeeze %dma_start3A_7 : memref<1x2x100x32xf32, #tpu.memory_space<vmem>> -> memref<2x100x32xf32, #tpu.memory_space<vmem>>
    %dma_start3A_9 = arith.constant 0 : i32
    %dma_start3A_10 = arith.constant 0 : i32
    %dma_start3A_11 = tpu.memref_slice %dma_start3A_8[%dma_start3A_3, %dma_start3A_9, %dma_start3A_10] : memref<2x100x32xf32, #tpu.memory_space<vmem>> -> memref<1x100x32xf32, #tpu.memory_space<vmem>>
    %dma_start3A_12 = tpu.memref_squeeze %dma_start3A_11 : memref<1x100x32xf32, #tpu.memory_space<vmem>> -> memref<100x32xf32, #tpu.memory_space<vmem>>
    %dma_start3A_13 = arith.constant 0 : i32
    %dma_start3A_14 = arith.constant 0 : i32
    %dma_start3A_15 = tpu.memref_slice %arg6[%dma_start3A, %dma_start3A_13, %dma_start3A_14] : memref<128x2x100xi32, #tpu.memory_space<vmem>> -> memref<1x2x100xi32, #tpu.memory_space<vmem>>
    %dma_start3A_16 = tpu.memref_squeeze %dma_start3A_15 : memref<1x2x100xi32, #tpu.memory_space<vmem>> -> memref<2x100xi32, #tpu.memory_space<vmem>>
    %dma_start3A_17 = arith.constant 0 : i32
    %dma_start3A_18 = tpu.memref_slice %dma_start3A_16[%dma_start3A_1, %dma_start3A_17] : memref<2x100xi32, #tpu.memory_space<vmem>> -> memref<1x100xi32, #tpu.memory_space<vmem>>
    %dma_start3A_19 = tpu.memref_squeeze %dma_start3A_18 : memref<1x100xi32, #tpu.memory_space<vmem>> -> memref<100xi32, #tpu.memory_space<vmem>>
    %dma_start3A_20 = arith.constant 0 : i32
    %dma_start3A_21 = arith.constant 0 : i32
    %dma_start3A_22 = tpu.memref_slice %arg3[%dma_start3A_20, %dma_start3A_21] : memref<1000000x32xf32, #tpu.memory_space<hbm>> -> memref<1000000x32xf32, #tpu.memory_space<hbm>>
    tpu.enqueue_indirect_dma source(%dma_start3A_22 : memref<1000000x32xf32, #tpu.memory_space<hbm>>) target(%dma_start3A_12 : memref<100x32xf32, #tpu.memory_space<vmem>>) offsets(%dma_start3A_19 : memref<100xi32, #tpu.memory_space<vmem>>) semaphore(%arg10 : memref<!tpu.dma_semaphore, #tpu.memory_space<semaphore_mem>>)
    %dma_start3A_23 = arith.constant 0 : i32
    %dma_start3A_24 = arith.constant 1 : i32
    %dma_start3A_25 = arith.constant 0 : i32
    %dma_start3A_26 = arith.constant 1 : i32
    %dma_start3A_27 = arith.constant 0 : i32
    %dma_start3A_28 = arith.constant 0 : i32
    %dma_start3A_29 = arith.constant 0 : i32
    %dma_start3A_30 = tpu.memref_slice %arg8[%dma_start3A_25, %dma_start3A_27, %dma_start3A_28, %dma_start3A_29] : memref<4x2x100x32xf32, #tpu.memory_space<vmem>> -> memref<1x2x100x32xf32, #tpu.memory_space<vmem>>
    %dma_start3A_31 = tpu.memref_squeeze %dma_start3A_30 : memref<1x2x100x32xf32, #tpu.memory_space<vmem>> -> memref<2x100x32xf32, #tpu.memory_space<vmem>>
    %dma_start3A_32 = arith.constant 0 : i32
    %dma_start3A_33 = arith.constant 0 : i32
    %dma_start3A_34 = tpu.memref_slice %dma_start3A_31[%dma_start3A_26, %dma_start3A_32, %dma_start3A_33] : memref<2x100x32xf32, #tpu.memory_space<vmem>> -> memref<1x100x32xf32, #tpu.memory_space<vmem>>
    %dma_start3A_35 = tpu.memref_squeeze %dma_start3A_34 : memref<1x100x32xf32, #tpu.memory_space<vmem>> -> memref<100x32xf32, #tpu.memory_space<vmem>>
    %dma_start3A_36 = arith.constant 0 : i32
    %dma_start3A_37 = arith.constant 0 : i32
    %dma_start3A_38 = tpu.memref_slice %arg6[%dma_start3A_23, %dma_start3A_36, %dma_start3A_37] : memref<128x2x100xi32, #tpu.memory_space<vmem>> -> memref<1x2x100xi32, #tpu.memory_space<vmem>>
    %dma_start3A_39 = tpu.memref_squeeze %dma_start3A_38 : memref<1x2x100xi32, #tpu.memory_space<vmem>> -> memref<2x100xi32, #tpu.memory_space<vmem>>
    %dma_start3A_40 = arith.constant 0 : i32
    %dma_start3A_41 = tpu.memref_slice %dma_start3A_39[%dma_start3A_24, %dma_start3A_40] : memref<2x100xi32, #tpu.memory_space<vmem>> -> memref<1x100xi32, #tpu.memory_space<vmem>>
    %dma_start3A_42 = tpu.memref_squeeze %dma_start3A_41 : memref<1x100xi32, #tpu.memory_space<vmem>> -> memref<100xi32, #tpu.memory_space<vmem>>
    %dma_start3A_43 = arith.constant 0 : i32
    %dma_start3A_44 = arith.constant 0 : i32
    %dma_start3A_45 = tpu.memref_slice %arg3[%dma_start3A_43, %dma_start3A_44] : memref<1000000x32xf32, #tpu.memory_space<hbm>> -> memref<1000000x32xf32, #tpu.memory_space<hbm>>
    tpu.enqueue_indirect_dma source(%dma_start3A_45 : memref<1000000x32xf32, #tpu.memory_space<hbm>>) target(%dma_start3A_35 : memref<100x32xf32, #tpu.memory_space<vmem>>) offsets(%dma_start3A_42 : memref<100xi32, #tpu.memory_space<vmem>>) semaphore(%arg10 : memref<!tpu.dma_semaphore, #tpu.memory_space<semaphore_mem>>)
    %dma_start3A_46 = arith.constant 1 : i32
    %dma_start3A_47 = arith.constant 0 : i32
    %dma_start3A_48 = arith.constant 1 : i32
    %dma_start3A_49 = arith.constant 0 : i32
    %dma_start3A_50 = arith.constant 0 : i32
    %dma_start3A_51 = arith.constant 0 : i32
    %dma_start3A_52 = arith.constant 0 : i32
    %dma_start3A_53 = tpu.memref_slice %arg8[%dma_start3A_48, %dma_start3A_50, %dma_start3A_51, %dma_start3A_52] : memref<4x2x100x32xf32, #tpu.memory_space<vmem>> -> memref<1x2x100x32xf32, #tpu.memory_space<vmem>>
    %dma_start3A_54 = tpu.memref_squeeze %dma_start3A_53 : memref<1x2x100x32xf32, #tpu.memory_space<vmem>> -> memref<2x100x32xf32, #tpu.memory_space<vmem>>
    %dma_start3A_55 = arith.constant 0 : i32
    %dma_start3A_56 = arith.constant 0 : i32
    %dma_start3A_57 = tpu.memref_slice %dma_start3A_54[%dma_start3A_49, %dma_start3A_55, %dma_start3A_56] : memref<2x100x32xf32, #tpu.memory_space<vmem>> -> memref<1x100x32xf32, #tpu.memory_space<vmem>>
    %dma_start3A_58 = tpu.memref_squeeze %dma_start3A_57 : memref<1x100x32xf32, #tpu.memory_space<vmem>> -> memref<100x32xf32, #tpu.memory_space<vmem>>
    %dma_start3A_59 = arith.constant 0 : i32
    %dma_start3A_60 = arith.constant 0 : i32
    %dma_start3A_61 = tpu.memref_slice %arg6[%dma_start3A_46, %dma_start3A_59, %dma_start3A_60] : memref<128x2x100xi32, #tpu.memory_space<vmem>> -> memref<1x2x100xi32, #tpu.memory_space<vmem>>
    %dma_start3A_62 = tpu.memref_squeeze %dma_start3A_61 : memref<1x2x100xi32, #tpu.memory_space<vmem>> -> memref<2x100xi32, #tpu.memory_space<vmem>>
    %dma_start3A_63 = arith.constant 0 : i32
    %dma_start3A_64 = tpu.memref_slice %dma_start3A_62[%dma_start3A_47, %dma_start3A_63] : memref<2x100xi32, #tpu.memory_space<vmem>> -> memref<1x100xi32, #tpu.memory_space<vmem>>
    %dma_start3A_65 = tpu.memref_squeeze %dma_start3A_64 : memref<1x100xi32, #tpu.memory_space<vmem>> -> memref<100xi32, #tpu.memory_space<vmem>>
    %dma_start3A_66 = arith.constant 0 : i32
    %dma_start3A_67 = arith.constant 0 : i32
    %dma_start3A_68 = tpu.memref_slice %arg3[%dma_start3A_66, %dma_start3A_67] : memref<1000000x32xf32, #tpu.memory_space<hbm>> -> memref<1000000x32xf32, #tpu.memory_space<hbm>>
    tpu.enqueue_indirect_dma source(%dma_start3A_68 : memref<1000000x32xf32, #tpu.memory_space<hbm>>) target(%dma_start3A_58 : memref<100x32xf32, #tpu.memory_space<vmem>>) offsets(%dma_start3A_65 : memref<100xi32, #tpu.memory_space<vmem>>) semaphore(%arg11 : memref<!tpu.dma_semaphore, #tpu.memory_space<semaphore_mem>>)
    %dma_start3A_69 = arith.constant 1 : i32
    %dma_start3A_70 = arith.constant 1 : i32
    %dma_start3A_71 = arith.constant 1 : i32
    %dma_start3A_72 = arith.constant 1 : i32
    %dma_start3A_73 = arith.constant 0 : i32
    %dma_start3A_74 = arith.constant 0 : i32
    %dma_start3A_75 = arith.constant 0 : i32
    %dma_start3A_76 = tpu.memref_slice %arg8[%dma_start3A_71, %dma_start3A_73, %dma_start3A_74, %dma_start3A_75] : memref<4x2x100x32xf32, #tpu.memory_space<vmem>> -> memref<1x2x100x32xf32, #tpu.memory_space<vmem>>
    %dma_start3A_77 = tpu.memref_squeeze %dma_start3A_76 : memref<1x2x100x32xf32, #tpu.memory_space<vmem>> -> memref<2x100x32xf32, #tpu.memory_space<vmem>>
    %dma_start3A_78 = arith.constant 0 : i32
    %dma_start3A_79 = arith.constant 0 : i32
    %dma_start3A_80 = tpu.memref_slice %dma_start3A_77[%dma_start3A_72, %dma_start3A_78, %dma_start3A_79] : memref<2x100x32xf32, #tpu.memory_space<vmem>> -> memref<1x100x32xf32, #tpu.memory_space<vmem>>
    %dma_start3A_81 = tpu.memref_squeeze %dma_start3A_80 : memref<1x100x32xf32, #tpu.memory_space<vmem>> -> memref<100x32xf32, #tpu.memory_space<vmem>>
    %dma_start3A_82 = arith.constant 0 : i32
    %dma_start3A_83 = arith.constant 0 : i32
    %dma_start3A_84 = tpu.memref_slice %arg6[%dma_start3A_69, %dma_start3A_82, %dma_start3A_83] : memref<128x2x100xi32, #tpu.memory_space<vmem>> -> memref<1x2x100xi32, #tpu.memory_space<vmem>>
    %dma_start3A_85 = tpu.memref_squeeze %dma_start3A_84 : memref<1x2x100xi32, #tpu.memory_space<vmem>> -> memref<2x100xi32, #tpu.memory_space<vmem>>
    %dma_start3A_86 = arith.constant 0 : i32
    %dma_start3A_87 = tpu.memref_slice %dma_start3A_85[%dma_start3A_70, %dma_start3A_86] : memref<2x100xi32, #tpu.memory_space<vmem>> -> memref<1x100xi32, #tpu.memory_space<vmem>>
    %dma_start3A_88 = tpu.memref_squeeze %dma_start3A_87 : memref<1x100xi32, #tpu.memory_space<vmem>> -> memref<100xi32, #tpu.memory_space<vmem>>
    %dma_start3A_89 = arith.constant 0 : i32
    %dma_start3A_90 = arith.constant 0 : i32
    %dma_start3A_91 = tpu.memref_slice %arg3[%dma_start3A_89, %dma_start3A_90] : memref<1000000x32xf32, #tpu.memory_space<hbm>> -> memref<1000000x32xf32, #tpu.memory_space<hbm>>
    tpu.enqueue_indirect_dma source(%dma_start3A_91 : memref<1000000x32xf32, #tpu.memory_space<hbm>>) target(%dma_start3A_81 : memref<100x32xf32, #tpu.memory_space<vmem>>) offsets(%dma_start3A_88 : memref<100xi32, #tpu.memory_space<vmem>>) semaphore(%arg11 : memref<!tpu.dma_semaphore, #tpu.memory_space<semaphore_mem>>)
    %dma_start3A_92 = arith.constant 2 : i32
    %dma_start3A_93 = arith.constant 0 : i32
    %dma_start3A_94 = arith.constant 2 : i32
    %dma_start3A_95 = arith.constant 0 : i32
    %dma_start3A_96 = arith.constant 0 : i32
    %dma_start3A_97 = arith.constant 0 : i32
    %dma_start3A_98 = arith.constant 0 : i32
    %dma_start3A_99 = tpu.memref_slice %arg8[%dma_start3A_94, %dma_start3A_96, %dma_start3A_97, %dma_start3A_98] : memref<4x2x100x32xf32, #tpu.memory_space<vmem>> -> memref<1x2x100x32xf32, #tpu.memory_space<vmem>>
    %dma_start3A_100 = tpu.memref_squeeze %dma_start3A_99 : memref<1x2x100x32xf32, #tpu.memory_space<vmem>> -> memref<2x100x32xf32, #tpu.memory_space<vmem>>
    %dma_start3A_101 = arith.constant 0 : i32
    %dma_start3A_102 = arith.constant 0 : i32
    %dma_start3A_103 = tpu.memref_slice %dma_start3A_100[%dma_start3A_95, %dma_start3A_101, %dma_start3A_102] : memref<2x100x32xf32, #tpu.memory_space<vmem>> -> memref<1x100x32xf32, #tpu.memory_space<vmem>>
    %dma_start3A_104 = tpu.memref_squeeze %dma_start3A_103 : memref<1x100x32xf32, #tpu.memory_space<vmem>> -> memref<100x32xf32, #tpu.memory_space<vmem>>
    %dma_start3A_105 = arith.constant 0 : i32
    %dma_start3A_106 = arith.constant 0 : i32
    %dma_start3A_107 = tpu.memref_slice %arg6[%dma_start3A_92, %dma_start3A_105, %dma_start3A_106] : memref<128x2x100xi32, #tpu.memory_space<vmem>> -> memref<1x2x100xi32, #tpu.memory_space<vmem>>
    %dma_start3A_108 = tpu.memref_squeeze %dma_start3A_107 : memref<1x2x100xi32, #tpu.memory_space<vmem>> -> memref<2x100xi32, #tpu.memory_space<vmem>>
    %dma_start3A_109 = arith.constant 0 : i32
    %dma_start3A_110 = tpu.memref_slice %dma_start3A_108[%dma_start3A_93, %dma_start3A_109] : memref<2x100xi32, #tpu.memory_space<vmem>> -> memref<1x100xi32, #tpu.memory_space<vmem>>
    %dma_start3A_111 = tpu.memref_squeeze %dma_start3A_110 : memref<1x100xi32, #tpu.memory_space<vmem>> -> memref<100xi32, #tpu.memory_space<vmem>>
    %dma_start3A_112 = arith.constant 0 : i32
    %dma_start3A_113 = arith.constant 0 : i32
    %dma_start3A_114 = tpu.memref_slice %arg3[%dma_start3A_112, %dma_start3A_113] : memref<1000000x32xf32, #tpu.memory_space<hbm>> -> memref<1000000x32xf32, #tpu.memory_space<hbm>>
    tpu.enqueue_indirect_dma source(%dma_start3A_114 : memref<1000000x32xf32, #tpu.memory_space<hbm>>) target(%dma_start3A_104 : memref<100x32xf32, #tpu.memory_space<vmem>>) offsets(%dma_start3A_111 : memref<100xi32, #tpu.memory_space<vmem>>) semaphore(%arg12 : memref<!tpu.dma_semaphore, #tpu.memory_space<semaphore_mem>>)
    %dma_start3A_115 = arith.constant 2 : i32
    %dma_start3A_116 = arith.constant 1 : i32
    %dma_start3A_117 = arith.constant 2 : i32
    %dma_start3A_118 = arith.constant 1 : i32
    %dma_start3A_119 = arith.constant 0 : i32
    %dma_start3A_120 = arith.constant 0 : i32
    %dma_start3A_121 = arith.constant 0 : i32
    %dma_start3A_122 = tpu.memref_slice %arg8[%dma_start3A_117, %dma_start3A_119, %dma_start3A_120, %dma_start3A_121] : memref<4x2x100x32xf32, #tpu.memory_space<vmem>> -> memref<1x2x100x32xf32, #tpu.memory_space<vmem>>
    %dma_start3A_123 = tpu.memref_squeeze %dma_start3A_122 : memref<1x2x100x32xf32, #tpu.memory_space<vmem>> -> memref<2x100x32xf32, #tpu.memory_space<vmem>>
    %dma_start3A_124 = arith.constant 0 : i32
    %dma_start3A_125 = arith.constant 0 : i32
    %dma_start3A_126 = tpu.memref_slice %dma_start3A_123[%dma_start3A_118, %dma_start3A_124, %dma_start3A_125] : memref<2x100x32xf32, #tpu.memory_space<vmem>> -> memref<1x100x32xf32, #tpu.memory_space<vmem>>
    %dma_start3A_127 = tpu.memref_squeeze %dma_start3A_126 : memref<1x100x32xf32, #tpu.memory_space<vmem>> -> memref<100x32xf32, #tpu.memory_space<vmem>>
    %dma_start3A_128 = arith.constant 0 : i32
    %dma_start3A_129 = arith.constant 0 : i32
    %dma_start3A_130 = tpu.memref_slice %arg6[%dma_start3A_115, %dma_start3A_128, %dma_start3A_129] : memref<128x2x100xi32, #tpu.memory_space<vmem>> -> memref<1x2x100xi32, #tpu.memory_space<vmem>>
    %dma_start3A_131 = tpu.memref_squeeze %dma_start3A_130 : memref<1x2x100xi32, #tpu.memory_space<vmem>> -> memref<2x100xi32, #tpu.memory_space<vmem>>
    %dma_start3A_132 = arith.constant 0 : i32
    %dma_start3A_133 = tpu.memref_slice %dma_start3A_131[%dma_start3A_116, %dma_start3A_132] : memref<2x100xi32, #tpu.memory_space<vmem>> -> memref<1x100xi32, #tpu.memory_space<vmem>>
    %dma_start3A_134 = tpu.memref_squeeze %dma_start3A_133 : memref<1x100xi32, #tpu.memory_space<vmem>> -> memref<100xi32, #tpu.memory_space<vmem>>
    %dma_start3A_135 = arith.constant 0 : i32
    %dma_start3A_136 = arith.constant 0 : i32
    %dma_start3A_137 = tpu.memref_slice %arg3[%dma_start3A_135, %dma_start3A_136] : memref<1000000x32xf32, #tpu.memory_space<hbm>> -> memref<1000000x32xf32, #tpu.memory_space<hbm>>
    tpu.enqueue_indirect_dma source(%dma_start3A_137 : memref<1000000x32xf32, #tpu.memory_space<hbm>>) target(%dma_start3A_127 : memref<100x32xf32, #tpu.memory_space<vmem>>) offsets(%dma_start3A_134 : memref<100xi32, #tpu.memory_space<vmem>>) semaphore(%arg12 : memref<!tpu.dma_semaphore, #tpu.memory_space<semaphore_mem>>)
    %dma_start3A_138 = arith.constant 3 : i32
    %dma_start3A_139 = arith.constant 0 : i32
    %dma_start3A_140 = arith.constant 3 : i32
    %dma_start3A_141 = arith.constant 0 : i32
    %dma_start3A_142 = arith.constant 0 : i32
    %dma_start3A_143 = arith.constant 0 : i32
    %dma_start3A_144 = arith.constant 0 : i32
    %dma_start3A_145 = tpu.memref_slice %arg8[%dma_start3A_140, %dma_start3A_142, %dma_start3A_143, %dma_start3A_144] : memref<4x2x100x32xf32, #tpu.memory_space<vmem>> -> memref<1x2x100x32xf32, #tpu.memory_space<vmem>>
    %dma_start3A_146 = tpu.memref_squeeze %dma_start3A_145 : memref<1x2x100x32xf32, #tpu.memory_space<vmem>> -> memref<2x100x32xf32, #tpu.memory_space<vmem>>
    %dma_start3A_147 = arith.constant 0 : i32
    %dma_start3A_148 = arith.constant 0 : i32
    %dma_start3A_149 = tpu.memref_slice %dma_start3A_146[%dma_start3A_141, %dma_start3A_147, %dma_start3A_148] : memref<2x100x32xf32, #tpu.memory_space<vmem>> -> memref<1x100x32xf32, #tpu.memory_space<vmem>>
    %dma_start3A_150 = tpu.memref_squeeze %dma_start3A_149 : memref<1x100x32xf32, #tpu.memory_space<vmem>> -> memref<100x32xf32, #tpu.memory_space<vmem>>
    %dma_start3A_151 = arith.constant 0 : i32
    %dma_start3A_152 = arith.constant 0 : i32
    %dma_start3A_153 = tpu.memref_slice %arg6[%dma_start3A_138, %dma_start3A_151, %dma_start3A_152] : memref<128x2x100xi32, #tpu.memory_space<vmem>> -> memref<1x2x100xi32, #tpu.memory_space<vmem>>
    %dma_start3A_154 = tpu.memref_squeeze %dma_start3A_153 : memref<1x2x100xi32, #tpu.memory_space<vmem>> -> memref<2x100xi32, #tpu.memory_space<vmem>>
    %dma_start3A_155 = arith.constant 0 : i32
    %dma_start3A_156 = tpu.memref_slice %dma_start3A_154[%dma_start3A_139, %dma_start3A_155] : memref<2x100xi32, #tpu.memory_space<vmem>> -> memref<1x100xi32, #tpu.memory_space<vmem>>
    %dma_start3A_157 = tpu.memref_squeeze %dma_start3A_156 : memref<1x100xi32, #tpu.memory_space<vmem>> -> memref<100xi32, #tpu.memory_space<vmem>>
    %dma_start3A_158 = arith.constant 0 : i32
    %dma_start3A_159 = arith.constant 0 : i32
    %dma_start3A_160 = tpu.memref_slice %arg3[%dma_start3A_158, %dma_start3A_159] : memref<1000000x32xf32, #tpu.memory_space<hbm>> -> memref<1000000x32xf32, #tpu.memory_space<hbm>>
    tpu.enqueue_indirect_dma source(%dma_start3A_160 : memref<1000000x32xf32, #tpu.memory_space<hbm>>) target(%dma_start3A_150 : memref<100x32xf32, #tpu.memory_space<vmem>>) offsets(%dma_start3A_157 : memref<100xi32, #tpu.memory_space<vmem>>) semaphore(%arg13 : memref<!tpu.dma_semaphore, #tpu.memory_space<semaphore_mem>>)
    %dma_start3A_161 = arith.constant 3 : i32
    %dma_start3A_162 = arith.constant 1 : i32
    %dma_start3A_163 = arith.constant 3 : i32
    %dma_start3A_164 = arith.constant 1 : i32
    %dma_start3A_165 = arith.constant 0 : i32
    %dma_start3A_166 = arith.constant 0 : i32
    %dma_start3A_167 = arith.constant 0 : i32
    %dma_start3A_168 = tpu.memref_slice %arg8[%dma_start3A_163, %dma_start3A_165, %dma_start3A_166, %dma_start3A_167] : memref<4x2x100x32xf32, #tpu.memory_space<vmem>> -> memref<1x2x100x32xf32, #tpu.memory_space<vmem>>
    %dma_start3A_169 = tpu.memref_squeeze %dma_start3A_168 : memref<1x2x100x32xf32, #tpu.memory_space<vmem>> -> memref<2x100x32xf32, #tpu.memory_space<vmem>>
    %dma_start3A_170 = arith.constant 0 : i32
    %dma_start3A_171 = arith.constant 0 : i32
    %dma_start3A_172 = tpu.memref_slice %dma_start3A_169[%dma_start3A_164, %dma_start3A_170, %dma_start3A_171] : memref<2x100x32xf32, #tpu.memory_space<vmem>> -> memref<1x100x32xf32, #tpu.memory_space<vmem>>
    %dma_start3A_173 = tpu.memref_squeeze %dma_start3A_172 : memref<1x100x32xf32, #tpu.memory_space<vmem>> -> memref<100x32xf32, #tpu.memory_space<vmem>>
    %dma_start3A_174 = arith.constant 0 : i32
    %dma_start3A_175 = arith.constant 0 : i32
    %dma_start3A_176 = tpu.memref_slice %arg6[%dma_start3A_161, %dma_start3A_174, %dma_start3A_175] : memref<128x2x100xi32, #tpu.memory_space<vmem>> -> memref<1x2x100xi32, #tpu.memory_space<vmem>>
    %dma_start3A_177 = tpu.memref_squeeze %dma_start3A_176 : memref<1x2x100xi32, #tpu.memory_space<vmem>> -> memref<2x100xi32, #tpu.memory_space<vmem>>
    %dma_start3A_178 = arith.constant 0 : i32
    %dma_start3A_179 = tpu.memref_slice %dma_start3A_177[%dma_start3A_162, %dma_start3A_178] : memref<2x100xi32, #tpu.memory_space<vmem>> -> memref<1x100xi32, #tpu.memory_space<vmem>>
    %dma_start3A_180 = tpu.memref_squeeze %dma_start3A_179 : memref<1x100xi32, #tpu.memory_space<vmem>> -> memref<100xi32, #tpu.memory_space<vmem>>
    %dma_start3A_181 = arith.constant 0 : i32
    %dma_start3A_182 = arith.constant 0 : i32
    %dma_start3A_183 = tpu.memref_slice %arg3[%dma_start3A_181, %dma_start3A_182] : memref<1000000x32xf32, #tpu.memory_space<hbm>> -> memref<1000000x32xf32, #tpu.memory_space<hbm>>
    tpu.enqueue_indirect_dma source(%dma_start3A_183 : memref<1000000x32xf32, #tpu.memory_space<hbm>>) target(%dma_start3A_173 : memref<100x32xf32, #tpu.memory_space<vmem>>) offsets(%dma_start3A_180 : memref<100xi32, #tpu.memory_space<vmem>>) semaphore(%arg13 : memref<!tpu.dma_semaphore, #tpu.memory_space<semaphore_mem>>)
    %scan3A = arith.constant 0 : i32
    %scan3A_184 = arith.constant 0 : i32
    %scan3A_185 = arith.constant 32 : i32
    %scan3A_186 = arith.addi %scan3A_184, %scan3A_185 : i32
    %scan3A_187 = arith.constant 1 : i32
    scf.for %scan3A_264 = %scan3A_184 to %scan3A_186 step %scan3A_187  : i32 {
      %mul3A_265 = arith.constant 4 : i32
      %mul3A_266 = arith.muli %scan3A_264, %mul3A_265 : i32
      %add3A_267 = arith.constant 0 : i32
      %add3A_268 = arith.addi %mul3A_266, %add3A_267 : i32
      %dma_wait3A_269 = arith.constant 0 : i32
      %dma_wait3A_270 = arith.constant 0 : i32
      %dma_wait3A_271 = arith.constant 0 : i32
      %dma_wait3A_272 = arith.constant 0 : i32
      %dma_wait3A_273 = arith.constant 0 : i32
      %dma_wait3A_274 = arith.constant 0 : i32
      %dma_wait3A_275 = tpu.memref_slice %arg8[%dma_wait3A_270, %dma_wait3A_272, %dma_wait3A_273, %dma_wait3A_274] : memref<4x2x100x32xf32, #tpu.memory_space<vmem>> -> memref<1x2x100x32xf32, #tpu.memory_space<vmem>>
      %dma_wait3A_276 = tpu.memref_squeeze %dma_wait3A_275 : memref<1x2x100x32xf32, #tpu.memory_space<vmem>> -> memref<2x100x32xf32, #tpu.memory_space<vmem>>
      %dma_wait3A_277 = arith.constant 0 : i32
      %dma_wait3A_278 = arith.constant 0 : i32
      %dma_wait3A_279 = tpu.memref_slice %dma_wait3A_276[%dma_wait3A_271, %dma_wait3A_277, %dma_wait3A_278] : memref<2x100x32xf32, #tpu.memory_space<vmem>> -> memref<1x100x32xf32, #tpu.memory_space<vmem>>
      %dma_wait3A_280 = tpu.memref_squeeze %dma_wait3A_279 : memref<1x100x32xf32, #tpu.memory_space<vmem>> -> memref<100x32xf32, #tpu.memory_space<vmem>>
      %dma_wait3A_281 = arith.constant 0 : i32
      %dma_wait3A_282 = arith.constant 0 : i32
      %dma_wait3A_283 = tpu.memref_slice %arg6[%add3A_268, %dma_wait3A_281, %dma_wait3A_282] : memref<128x2x100xi32, #tpu.memory_space<vmem>> -> memref<1x2x100xi32, #tpu.memory_space<vmem>>
      %dma_wait3A_284 = tpu.memref_squeeze %dma_wait3A_283 : memref<1x2x100xi32, #tpu.memory_space<vmem>> -> memref<2x100xi32, #tpu.memory_space<vmem>>
      %dma_wait3A_285 = arith.constant 0 : i32
      %dma_wait3A_286 = tpu.memref_slice %dma_wait3A_284[%dma_wait3A_269, %dma_wait3A_285] : memref<2x100xi32, #tpu.memory_space<vmem>> -> memref<1x100xi32, #tpu.memory_space<vmem>>
      %dma_wait3A_287 = tpu.memref_squeeze %dma_wait3A_286 : memref<1x100xi32, #tpu.memory_space<vmem>> -> memref<100xi32, #tpu.memory_space<vmem>>
      %dma_wait3A_288 = arith.constant 0 : i32
      %dma_wait3A_289 = arith.constant 0 : i32
      %dma_wait3A_290 = tpu.memref_slice %arg3[%dma_wait3A_288, %dma_wait3A_289] : memref<1000000x32xf32, #tpu.memory_space<hbm>> -> memref<1000000x32xf32, #tpu.memory_space<hbm>>
      tpu.wait_indirect_dma semaphore(%arg10 : memref<!tpu.dma_semaphore, #tpu.memory_space<semaphore_mem>>) src(%dma_wait3A_290 : memref<1000000x32xf32, #tpu.memory_space<hbm>>) dst(%dma_wait3A_280 : memref<100x32xf32, #tpu.memory_space<vmem>>)
      %dma_wait3A_291 = arith.constant 1 : i32
      %dma_wait3A_292 = arith.constant 0 : i32
      %dma_wait3A_293 = arith.constant 1 : i32
      %dma_wait3A_294 = arith.constant 0 : i32
      %dma_wait3A_295 = arith.constant 0 : i32
      %dma_wait3A_296 = arith.constant 0 : i32
      %dma_wait3A_297 = tpu.memref_slice %arg8[%dma_wait3A_292, %dma_wait3A_294, %dma_wait3A_295, %dma_wait3A_296] : memref<4x2x100x32xf32, #tpu.memory_space<vmem>> -> memref<1x2x100x32xf32, #tpu.memory_space<vmem>>
      %dma_wait3A_298 = tpu.memref_squeeze %dma_wait3A_297 : memref<1x2x100x32xf32, #tpu.memory_space<vmem>> -> memref<2x100x32xf32, #tpu.memory_space<vmem>>
      %dma_wait3A_299 = arith.constant 0 : i32
      %dma_wait3A_300 = arith.constant 0 : i32
      %dma_wait3A_301 = tpu.memref_slice %dma_wait3A_298[%dma_wait3A_293, %dma_wait3A_299, %dma_wait3A_300] : memref<2x100x32xf32, #tpu.memory_space<vmem>> -> memref<1x100x32xf32, #tpu.memory_space<vmem>>
      %dma_wait3A_302 = tpu.memref_squeeze %dma_wait3A_301 : memref<1x100x32xf32, #tpu.memory_space<vmem>> -> memref<100x32xf32, #tpu.memory_space<vmem>>
      %dma_wait3A_303 = arith.constant 0 : i32
      %dma_wait3A_304 = arith.constant 0 : i32
      %dma_wait3A_305 = tpu.memref_slice %arg6[%add3A_268, %dma_wait3A_303, %dma_wait3A_304] : memref<128x2x100xi32, #tpu.memory_space<vmem>> -> memref<1x2x100xi32, #tpu.memory_space<vmem>>
      %dma_wait3A_306 = tpu.memref_squeeze %dma_wait3A_305 : memref<1x2x100xi32, #tpu.memory_space<vmem>> -> memref<2x100xi32, #tpu.memory_space<vmem>>
      %dma_wait3A_307 = arith.constant 0 : i32
      %dma_wait3A_308 = tpu.memref_slice %dma_wait3A_306[%dma_wait3A_291, %dma_wait3A_307] : memref<2x100xi32, #tpu.memory_space<vmem>> -> memref<1x100xi32, #tpu.memory_space<vmem>>
      %dma_wait3A_309 = tpu.memref_squeeze %dma_wait3A_308 : memref<1x100xi32, #tpu.memory_space<vmem>> -> memref<100xi32, #tpu.memory_space<vmem>>
      %dma_wait3A_310 = arith.constant 0 : i32
      %dma_wait3A_311 = arith.constant 0 : i32
      %dma_wait3A_312 = tpu.memref_slice %arg3[%dma_wait3A_310, %dma_wait3A_311] : memref<1000000x32xf32, #tpu.memory_space<hbm>> -> memref<1000000x32xf32, #tpu.memory_space<hbm>>
      tpu.wait_indirect_dma semaphore(%arg10 : memref<!tpu.dma_semaphore, #tpu.memory_space<semaphore_mem>>) src(%dma_wait3A_312 : memref<1000000x32xf32, #tpu.memory_space<hbm>>) dst(%dma_wait3A_302 : memref<100x32xf32, #tpu.memory_space<vmem>>)
      %gt3A = arith.constant 0 : i32
      %gt3A_313 = arith.cmpi sgt, %scan3A_264, %gt3A : i32
      %convert_element_type3A = arith.extui %gt3A_313 : i1 to i32
      %cond3A = arith.constant 0 : i32
      %cond3A_314 = arith.cmpi ne, %convert_element_type3A, %cond3A : i32
      scf.if %cond3A_314 {
        %sub3A = arith.constant 4 : i32
        %sub3A_589 = arith.subi %add3A_268, %sub3A : i32
        %mul3A_590 = arith.constant 128 : i32
        %mul3A_591 = arith.muli %add3A, %mul3A_590 : i32
        %add3A_592 = arith.addi %mul3A_591, %sub3A_589 : i32
        %mul3A_593 = arith.constant 50 : i32
        %mul3A_594 = arith.muli %add3A_592, %mul3A_593 : i32
        %dma_wait3A_595 = arith.constant 0 : i32
        %dma_wait3A_596 = arith.constant 0 : i32
        %dma_wait3A_597 = arith.constant 0 : i32
        %dma_wait3A_598 = tpu.memref_slice %arg9[%dma_wait3A_595, %dma_wait3A_596, %dma_wait3A_597] : memref<4x50x128xf32, #tpu.memory_space<vmem>> -> memref<1x50x128xf32, #tpu.memory_space<vmem>>
        %dma_wait3A_599 = tpu.memref_squeeze %dma_wait3A_598 : memref<1x50x128xf32, #tpu.memory_space<vmem>> -> memref<50x128xf32, #tpu.memory_space<vmem>>
        %dma_wait3A_600 = arith.constant 0 : i32
        %dma_wait3A_601 = tpu.memref_slice %arg5[%mul3A_594, %dma_wait3A_600] : memref<204800x128xf32, #tpu.memory_space<hbm>> -> memref<50x128xf32, #tpu.memory_space<hbm>>
        %dma_wait3A_602 = arith.constant 0 : i32
        %dma_wait3A_603 = tpu.memref_slice %arg5[%mul3A_594, %dma_wait3A_602] : memref<204800x128xf32, #tpu.memory_space<hbm>> -> memref<50x128xf32, #tpu.memory_space<hbm>>
        %dma_wait3A_604 = arith.constant 0 : i32
        %dma_wait3A_605 = arith.constant 0 : i32
        %dma_wait3A_606 = tpu.memref_slice %arg9[%dma_wait3A_595, %dma_wait3A_604, %dma_wait3A_605] : memref<4x50x128xf32, #tpu.memory_space<vmem>> -> memref<1x50x128xf32, #tpu.memory_space<vmem>>
        %dma_wait3A_607 = tpu.memref_squeeze %dma_wait3A_606 : memref<1x50x128xf32, #tpu.memory_space<vmem>> -> memref<50x128xf32, #tpu.memory_space<vmem>>
        tpu.wait_dma2 semaphore(%arg14 : memref<!tpu.dma_semaphore, #tpu.memory_space<semaphore_mem>>) src(%dma_wait3A_607 : memref<50x128xf32, #tpu.memory_space<vmem>>) dst(%dma_wait3A_603 : memref<50x128xf32, #tpu.memory_space<hbm>>)
      } else {
      }
      %scan3A_315 = arith.constant 0 : i32
      %scan3A_316 = arith.constant 0 : i32
      %scan3A_317 = arith.constant 25 : i32
      %scan3A_318 = arith.addi %scan3A_316, %scan3A_317 : i32
      %scan3A_319 = arith.constant 1 : i32
      scf.for %scan3A_589 = %scan3A_316 to %scan3A_318 step %scan3A_319  : i32 {
        %mul3A_590 = arith.constant 4 : i32
        %mul3A_591 = arith.muli %scan3A_589, %mul3A_590 : i32
        %add3A_592 = arith.constant 0 : i32
        %add3A_593 = arith.addi %mul3A_591, %add3A_592 : i32
        %get3A = arith.constant 0 : i32
        %get3A_594 = arith.constant 0 : i32
        %get3A_595 = arith.index_cast %get3A : i32 to index
        %get3A_596 = arith.index_cast %get3A_594 : i32 to index
        %get3A_597 = arith.index_cast %add3A_593 : i32 to index
        %get3A_598 = arith.constant 0 : index
        %get3A_599 = tpu.vector_load %arg8[%get3A_595, %get3A_596, %get3A_597, %get3A_598] {strides = array<i32>} : memref<4x2x100x32xf32, #tpu.memory_space<vmem>>, vector<1x1x1x16xf32>,
        %get3A_600 = vector.shape_cast %get3A_599 : vector<1x1x1x16xf32> to vector<16xf32>
        %add3A_601 = arith.constant 0 : i32
        %add3A_602 = arith.addi %add3A_601, %scan3A_589 : i32
        %get3A_603 = arith.index_cast %add3A_602 : i32 to index
        %get3A_604 = arith.constant 0 : index
        %get3A_605 = tpu.vector_load %arg7[%get3A_603, %get3A_604] {strides = array<i32>} : memref<50x128xf32, #tpu.memory_space<vmem>>, vector<1x16xf32>,
        %get3A_606 = vector.shape_cast %get3A_605 : vector<1x16xf32> to vector<16xf32>
        %add3A_607 = arith.addf %get3A_600, %get3A_606 : vector<16xf32>
        %add3A_608 = arith.constant 0 : i32
        %add3A_609 = arith.addi %add3A_608, %scan3A_589 : i32
        %swap3A = arith.constant 0 : i32
        %swap3A_610 = arith.index_cast %swap3A : i32 to index
        %swap3A_611 = arith.index_cast %add3A_609 : i32 to index
        %swap3A_612 = arith.constant 0 : index
        %swap3A_613 = tpu.vector_load %arg9[%swap3A_610, %swap3A_611, %swap3A_612] {strides = array<i32>} : memref<4x50x128xf32, #tpu.memory_space<vmem>>, vector<1x1x16xf32>,
        %swap3A_614 = vector.shape_cast %swap3A_613 : vector<1x1x16xf32> to vector<16xf32>
        %swap3A_615 = vector.shape_cast %add3A_607 : vector<16xf32> to vector<1x1x16xf32>
        tpu.vector_store %arg9[%swap3A_610, %swap3A_611, %swap3A_612], %swap3A_615 {strides = array<i32>} : memref<4x50x128xf32, #tpu.memory_space<vmem>>, vector<1x1x16xf32>,
        %mul3A_616 = arith.constant 4 : i32
        %mul3A_617 = arith.muli %scan3A_589, %mul3A_616 : i32
        %add3A_618 = arith.constant 0 : i32
        %add3A_619 = arith.addi %mul3A_617, %add3A_618 : i32
        %get3A_620 = arith.constant 0 : i32
        %get3A_621 = arith.constant 0 : i32
        %get3A_622 = arith.index_cast %get3A_620 : i32 to index
        %get3A_623 = arith.index_cast %get3A_621 : i32 to index
        %get3A_624 = arith.index_cast %add3A_619 : i32 to index
        %get3A_625 = arith.constant 16 : index
        %get3A_626 = tpu.vector_load %arg8[%get3A_622, %get3A_623, %get3A_624, %get3A_625] {strides = array<i32>} : memref<4x2x100x32xf32, #tpu.memory_space<vmem>>, vector<1x1x1x16xf32>,
        %get3A_627 = vector.shape_cast %get3A_626 : vector<1x1x1x16xf32> to vector<16xf32>
        %add3A_628 = arith.constant 0 : i32
        %add3A_629 = arith.addi %add3A_628, %scan3A_589 : i32
        %get3A_630 = arith.index_cast %add3A_629 : i32 to index
        %get3A_631 = arith.constant 16 : index
        %get3A_632 = tpu.vector_load %arg7[%get3A_630, %get3A_631] {strides = array<i32>} : memref<50x128xf32, #tpu.memory_space<vmem>>, vector<1x16xf32>,
        %get3A_633 = vector.shape_cast %get3A_632 : vector<1x16xf32> to vector<16xf32>
        %add3A_634 = arith.addf %get3A_627, %get3A_633 : vector<16xf32>
        %add3A_635 = arith.constant 0 : i32
        %add3A_636 = arith.addi %add3A_635, %scan3A_589 : i32
        %swap3A_637 = arith.constant 0 : i32
        %swap3A_638 = arith.index_cast %swap3A_637 : i32 to index
        %swap3A_639 = arith.index_cast %add3A_636 : i32 to index
        %swap3A_640 = arith.constant 16 : index
        %swap3A_641 = tpu.vector_load %arg9[%swap3A_638, %swap3A_639, %swap3A_640] {strides = array<i32>} : memref<4x50x128xf32, #tpu.memory_space<vmem>>, vector<1x1x16xf32>,
        %swap3A_642 = vector.shape_cast %swap3A_641 : vector<1x1x16xf32> to vector<16xf32>
        %swap3A_643 = vector.shape_cast %add3A_634 : vector<16xf32> to vector<1x1x16xf32>
        tpu.vector_store %arg9[%swap3A_638, %swap3A_639, %swap3A_640], %swap3A_643 {strides = array<i32>} : memref<4x50x128xf32, #tpu.memory_space<vmem>>, vector<1x1x16xf32>,
        %mul3A_644 = arith.constant 4 : i32
        %mul3A_645 = arith.muli %scan3A_589, %mul3A_644 : i32
        %add3A_646 = arith.constant 1 : i32
        %add3A_647 = arith.addi %mul3A_645, %add3A_646 : i32
        %get3A_648 = arith.constant 0 : i32
        %get3A_649 = arith.constant 0 : i32
        %get3A_650 = arith.index_cast %get3A_648 : i32 to index
        %get3A_651 = arith.index_cast %get3A_649 : i32 to index
        %get3A_652 = arith.index_cast %add3A_647 : i32 to index
        %get3A_653 = arith.constant 0 : index
        %get3A_654 = tpu.vector_load %arg8[%get3A_650, %get3A_651, %get3A_652, %get3A_653] {strides = array<i32>} : memref<4x2x100x32xf32, #tpu.memory_space<vmem>>, vector<1x1x1x16xf32>,
        %get3A_655 = vector.shape_cast %get3A_654 : vector<1x1x1x16xf32> to vector<16xf32>
        %add3A_656 = arith.constant 0 : i32
        %add3A_657 = arith.addi %add3A_656, %scan3A_589 : i32
        %get3A_658 = arith.index_cast %add3A_657 : i32 to index
        %get3A_659 = arith.constant 32 : index
        %get3A_660 = tpu.vector_load %arg7[%get3A_658, %get3A_659] {strides = array<i32>} : memref<50x128xf32, #tpu.memory_space<vmem>>, vector<1x16xf32>,
        %get3A_661 = vector.shape_cast %get3A_660 : vector<1x16xf32> to vector<16xf32>
        %add3A_662 = arith.addf %get3A_655, %get3A_661 : vector<16xf32>
        %add3A_663 = arith.constant 0 : i32
        %add3A_664 = arith.addi %add3A_663, %scan3A_589 : i32
        %swap3A_665 = arith.constant 0 : i32
        %swap3A_666 = arith.index_cast %swap3A_665 : i32 to index
        %swap3A_667 = arith.index_cast %add3A_664 : i32 to index
        %swap3A_668 = arith.constant 32 : index
        %swap3A_669 = tpu.vector_load %arg9[%swap3A_666, %swap3A_667, %swap3A_668] {strides = array<i32>} : memref<4x50x128xf32, #tpu.memory_space<vmem>>, vector<1x1x16xf32>,
        %swap3A_670 = vector.shape_cast %swap3A_669 : vector<1x1x16xf32> to vector<16xf32>
        %swap3A_671 = vector.shape_cast %add3A_662 : vector<16xf32> to vector<1x1x16xf32>
        tpu.vector_store %arg9[%swap3A_666, %swap3A_667, %swap3A_668], %swap3A_671 {strides = array<i32>} : memref<4x50x128xf32, #tpu.memory_space<vmem>>, vector<1x1x16xf32>,
        %mul3A_672 = arith.constant 4 : i32
        %mul3A_673 = arith.muli %scan3A_589, %mul3A_672 : i32
        %add3A_674 = arith.constant 1 : i32
        %add3A_675 = arith.addi %mul3A_673, %add3A_674 : i32
        %get3A_676 = arith.constant 0 : i32
        %get3A_677 = arith.constant 0 : i32
        %get3A_678 = arith.index_cast %get3A_676 : i32 to index
        %get3A_679 = arith.index_cast %get3A_677 : i32 to index
        %get3A_680 = arith.index_cast %add3A_675 : i32 to index
        %get3A_681 = arith.constant 16 : index
        %get3A_682 = tpu.vector_load %arg8[%get3A_678, %get3A_679, %get3A_680, %get3A_681] {strides = array<i32>} : memref<4x2x100x32xf32, #tpu.memory_space<vmem>>, vector<1x1x1x16xf32>,
        %get3A_683 = vector.shape_cast %get3A_682 : vector<1x1x1x16xf32> to vector<16xf32>
        %add3A_684 = arith.constant 0 : i32
        %add3A_685 = arith.addi %add3A_684, %scan3A_589 : i32
        %get3A_686 = arith.index_cast %add3A_685 : i32 to index
        %get3A_687 = arith.constant 48 : index
        %get3A_688 = tpu.vector_load %arg7[%get3A_686, %get3A_687] {strides = array<i32>} : memref<50x128xf32, #tpu.memory_space<vmem>>, vector<1x16xf32>,
        %get3A_689 = vector.shape_cast %get3A_688 : vector<1x16xf32> to vector<16xf32>
        %add3A_690 = arith.addf %get3A_683, %get3A_689 : vector<16xf32>
        %add3A_691 = arith.constant 0 : i32
        %add3A_692 = arith.addi %add3A_691, %scan3A_589 : i32
        %swap3A_693 = arith.constant 0 : i32
        %swap3A_694 = arith.index_cast %swap3A_693 : i32 to index
        %swap3A_695 = arith.index_cast %add3A_692 : i32 to index
        %swap3A_696 = arith.constant 48 : index
        %swap3A_697 = tpu.vector_load %arg9[%swap3A_694, %swap3A_695, %swap3A_696] {strides = array<i32>} : memref<4x50x128xf32, #tpu.memory_space<vmem>>, vector<1x1x16xf32>,
        %swap3A_698 = vector.shape_cast %swap3A_697 : vector<1x1x16xf32> to vector<16xf32>
        %swap3A_699 = vector.shape_cast %add3A_690 : vector<16xf32> to vector<1x1x16xf32>
        tpu.vector_store %arg9[%swap3A_694, %swap3A_695, %swap3A_696], %swap3A_699 {strides = array<i32>} : memref<4x50x128xf32, #tpu.memory_space<vmem>>, vector<1x1x16xf32>,
        %mul3A_700 = arith.constant 4 : i32
        %mul3A_701 = arith.muli %scan3A_589, %mul3A_700 : i32
        %add3A_702 = arith.constant 2 : i32
        %add3A_703 = arith.addi %mul3A_701, %add3A_702 : i32
        %get3A_704 = arith.constant 0 : i32
        %get3A_705 = arith.constant 0 : i32
        %get3A_706 = arith.index_cast %get3A_704 : i32 to index
        %get3A_707 = arith.index_cast %get3A_705 : i32 to index
        %get3A_708 = arith.index_cast %add3A_703 : i32 to index
        %get3A_709 = arith.constant 0 : index
        %get3A_710 = tpu.vector_load %arg8[%get3A_706, %get3A_707, %get3A_708, %get3A_709] {strides = array<i32>} : memref<4x2x100x32xf32, #tpu.memory_space<vmem>>, vector<1x1x1x16xf32>,
        %get3A_711 = vector.shape_cast %get3A_710 : vector<1x1x1x16xf32> to vector<16xf32>
        %add3A_712 = arith.constant 0 : i32
        %add3A_713 = arith.addi %add3A_712, %scan3A_589 : i32
        %get3A_714 = arith.index_cast %add3A_713 : i32 to index
        %get3A_715 = arith.constant 64 : index
        %get3A_716 = tpu.vector_load %arg7[%get3A_714, %get3A_715] {strides = array<i32>} : memref<50x128xf32, #tpu.memory_space<vmem>>, vector<1x16xf32>,
        %get3A_717 = vector.shape_cast %get3A_716 : vector<1x16xf32> to vector<16xf32>
        %add3A_718 = arith.addf %get3A_711, %get3A_717 : vector<16xf32>
        %add3A_719 = arith.constant 0 : i32
        %add3A_720 = arith.addi %add3A_719, %scan3A_589 : i32
        %swap3A_721 = arith.constant 0 : i32
        %swap3A_722 = arith.index_cast %swap3A_721 : i32 to index
        %swap3A_723 = arith.index_cast %add3A_720 : i32 to index
        %swap3A_724 = arith.constant 64 : index
        %swap3A_725 = tpu.vector_load %arg9[%swap3A_722, %swap3A_723, %swap3A_724] {strides = array<i32>} : memref<4x50x128xf32, #tpu.memory_space<vmem>>, vector<1x1x16xf32>,
        %swap3A_726 = vector.shape_cast %swap3A_725 : vector<1x1x16xf32> to vector<16xf32>
        %swap3A_727 = vector.shape_cast %add3A_718 : vector<16xf32> to vector<1x1x16xf32>
        tpu.vector_store %arg9[%swap3A_722, %swap3A_723, %swap3A_724], %swap3A_727 {strides = array<i32>} : memref<4x50x128xf32, #tpu.memory_space<vmem>>, vector<1x1x16xf32>,
        %mul3A_728 = arith.constant 4 : i32
        %mul3A_729 = arith.muli %scan3A_589, %mul3A_728 : i32
        %add3A_730 = arith.constant 2 : i32
        %add3A_731 = arith.addi %mul3A_729, %add3A_730 : i32
        %get3A_732 = arith.constant 0 : i32
        %get3A_733 = arith.constant 0 : i32
        %get3A_734 = arith.index_cast %get3A_732 : i32 to index
        %get3A_735 = arith.index_cast %get3A_733 : i32 to index
        %get3A_736 = arith.index_cast %add3A_731 : i32 to index
        %get3A_737 = arith.constant 16 : index
        %get3A_738 = tpu.vector_load %arg8[%get3A_734, %get3A_735, %get3A_736, %get3A_737] {strides = array<i32>} : memref<4x2x100x32xf32, #tpu.memory_space<vmem>>, vector<1x1x1x16xf32>,
        %get3A_739 = vector.shape_cast %get3A_738 : vector<1x1x1x16xf32> to vector<16xf32>
        %add3A_740 = arith.constant 0 : i32
        %add3A_741 = arith.addi %add3A_740, %scan3A_589 : i32
        %get3A_742 = arith.index_cast %add3A_741 : i32 to index
        %get3A_743 = arith.constant 80 : index
        %get3A_744 = tpu.vector_load %arg7[%get3A_742, %get3A_743] {strides = array<i32>} : memref<50x128xf32, #tpu.memory_space<vmem>>, vector<1x16xf32>,
        %get3A_745 = vector.shape_cast %get3A_744 : vector<1x16xf32> to vector<16xf32>
        %add3A_746 = arith.addf %get3A_739, %get3A_745 : vector<16xf32>
        %add3A_747 = arith.constant 0 : i32
        %add3A_748 = arith.addi %add3A_747, %scan3A_589 : i32
        %swap3A_749 = arith.constant 0 : i32
        %swap3A_750 = arith.index_cast %swap3A_749 : i32 to index
        %swap3A_751 = arith.index_cast %add3A_748 : i32 to index
        %swap3A_752 = arith.constant 80 : index
        %swap3A_753 = tpu.vector_load %arg9[%swap3A_750, %swap3A_751, %swap3A_752] {strides = array<i32>} : memref<4x50x128xf32, #tpu.memory_space<vmem>>, vector<1x1x16xf32>,
        %swap3A_754 = vector.shape_cast %swap3A_753 : vector<1x1x16xf32> to vector<16xf32>
        %swap3A_755 = vector.shape_cast %add3A_746 : vector<16xf32> to vector<1x1x16xf32>
        tpu.vector_store %arg9[%swap3A_750, %swap3A_751, %swap3A_752], %swap3A_755 {strides = array<i32>} : memref<4x50x128xf32, #tpu.memory_space<vmem>>, vector<1x1x16xf32>,
        %mul3A_756 = arith.constant 4 : i32
        %mul3A_757 = arith.muli %scan3A_589, %mul3A_756 : i32
        %add3A_758 = arith.constant 3 : i32
        %add3A_759 = arith.addi %mul3A_757, %add3A_758 : i32
        %get3A_760 = arith.constant 0 : i32
        %get3A_761 = arith.constant 0 : i32
        %get3A_762 = arith.index_cast %get3A_760 : i32 to index
        %get3A_763 = arith.index_cast %get3A_761 : i32 to index
        %get3A_764 = arith.index_cast %add3A_759 : i32 to index
        %get3A_765 = arith.constant 0 : index
        %get3A_766 = tpu.vector_load %arg8[%get3A_762, %get3A_763, %get3A_764, %get3A_765] {strides = array<i32>} : memref<4x2x100x32xf32, #tpu.memory_space<vmem>>, vector<1x1x1x16xf32>,
        %get3A_767 = vector.shape_cast %get3A_766 : vector<1x1x1x16xf32> to vector<16xf32>
        %add3A_768 = arith.constant 0 : i32
        %add3A_769 = arith.addi %add3A_768, %scan3A_589 : i32
        %get3A_770 = arith.index_cast %add3A_769 : i32 to index
        %get3A_771 = arith.constant 96 : index
        %get3A_772 = tpu.vector_load %arg7[%get3A_770, %get3A_771] {strides = array<i32>} : memref<50x128xf32, #tpu.memory_space<vmem>>, vector<1x16xf32>,
        %get3A_773 = vector.shape_cast %get3A_772 : vector<1x16xf32> to vector<16xf32>
        %add3A_774 = arith.addf %get3A_767, %get3A_773 : vector<16xf32>
        %add3A_775 = arith.constant 0 : i32
        %add3A_776 = arith.addi %add3A_775, %scan3A_589 : i32
        %swap3A_777 = arith.constant 0 : i32
        %swap3A_778 = arith.index_cast %swap3A_777 : i32 to index
        %swap3A_779 = arith.index_cast %add3A_776 : i32 to index
        %swap3A_780 = arith.constant 96 : index
        %swap3A_781 = tpu.vector_load %arg9[%swap3A_778, %swap3A_779, %swap3A_780] {strides = array<i32>} : memref<4x50x128xf32, #tpu.memory_space<vmem>>, vector<1x1x16xf32>,
        %swap3A_782 = vector.shape_cast %swap3A_781 : vector<1x1x16xf32> to vector<16xf32>
        %swap3A_783 = vector.shape_cast %add3A_774 : vector<16xf32> to vector<1x1x16xf32>
        tpu.vector_store %arg9[%swap3A_778, %swap3A_779, %swap3A_780], %swap3A_783 {strides = array<i32>} : memref<4x50x128xf32, #tpu.memory_space<vmem>>, vector<1x1x16xf32>,
        %mul3A_784 = arith.constant 4 : i32
        %mul3A_785 = arith.muli %scan3A_589, %mul3A_784 : i32
        %add3A_786 = arith.constant 3 : i32
        %add3A_787 = arith.addi %mul3A_785, %add3A_786 : i32
        %get3A_788 = arith.constant 0 : i32
        %get3A_789 = arith.constant 0 : i32
        %get3A_790 = arith.index_cast %get3A_788 : i32 to index
        %get3A_791 = arith.index_cast %get3A_789 : i32 to index
        %get3A_792 = arith.index_cast %add3A_787 : i32 to index
        %get3A_793 = arith.constant 16 : index
        %get3A_794 = tpu.vector_load %arg8[%get3A_790, %get3A_791, %get3A_792, %get3A_793] {strides = array<i32>} : memref<4x2x100x32xf32, #tpu.memory_space<vmem>>, vector<1x1x1x16xf32>,
        %get3A_795 = vector.shape_cast %get3A_794 : vector<1x1x1x16xf32> to vector<16xf32>
        %add3A_796 = arith.constant 0 : i32
        %add3A_797 = arith.addi %add3A_796, %scan3A_589 : i32
        %get3A_798 = arith.index_cast %add3A_797 : i32 to index
        %get3A_799 = arith.constant 112 : index
        %get3A_800 = tpu.vector_load %arg7[%get3A_798, %get3A_799] {strides = array<i32>} : memref<50x128xf32, #tpu.memory_space<vmem>>, vector<1x16xf32>,
        %get3A_801 = vector.shape_cast %get3A_800 : vector<1x16xf32> to vector<16xf32>
        %add3A_802 = arith.addf %get3A_795, %get3A_801 : vector<16xf32>
        %add3A_803 = arith.constant 0 : i32
        %add3A_804 = arith.addi %add3A_803, %scan3A_589 : i32
        %swap3A_805 = arith.constant 0 : i32
        %swap3A_806 = arith.index_cast %swap3A_805 : i32 to index
        %swap3A_807 = arith.index_cast %add3A_804 : i32 to index
        %swap3A_808 = arith.constant 112 : index
        %swap3A_809 = tpu.vector_load %arg9[%swap3A_806, %swap3A_807, %swap3A_808] {strides = array<i32>} : memref<4x50x128xf32, #tpu.memory_space<vmem>>, vector<1x1x16xf32>,
        %swap3A_810 = vector.shape_cast %swap3A_809 : vector<1x1x16xf32> to vector<16xf32>
        %swap3A_811 = vector.shape_cast %add3A_802 : vector<16xf32> to vector<1x1x16xf32>
        tpu.vector_store %arg9[%swap3A_806, %swap3A_807, %swap3A_808], %swap3A_811 {strides = array<i32>} : memref<4x50x128xf32, #tpu.memory_space<vmem>>, vector<1x1x16xf32>,
        %mul3A_812 = arith.constant 4 : i32
        %mul3A_813 = arith.muli %scan3A_589, %mul3A_812 : i32
        %add3A_814 = arith.constant 0 : i32
        %add3A_815 = arith.addi %mul3A_813, %add3A_814 : i32
        %get3A_816 = arith.constant 0 : i32
        %get3A_817 = arith.constant 1 : i32
        %get3A_818 = arith.index_cast %get3A_816 : i32 to index
        %get3A_819 = arith.index_cast %get3A_817 : i32 to index
        %get3A_820 = arith.index_cast %add3A_815 : i32 to index
        %get3A_821 = arith.constant 0 : index
        %get3A_822 = tpu.vector_load %arg8[%get3A_818, %get3A_819, %get3A_820, %get3A_821] {strides = array<i32>} : memref<4x2x100x32xf32, #tpu.memory_space<vmem>>, vector<1x1x1x16xf32>,
        %get3A_823 = vector.shape_cast %get3A_822 : vector<1x1x1x16xf32> to vector<16xf32>
        %add3A_824 = arith.constant 25 : i32
        %add3A_825 = arith.addi %add3A_824, %scan3A_589 : i32
        %get3A_826 = arith.index_cast %add3A_825 : i32 to index
        %get3A_827 = arith.constant 0 : index
        %get3A_828 = tpu.vector_load %arg7[%get3A_826, %get3A_827] {strides = array<i32>} : memref<50x128xf32, #tpu.memory_space<vmem>>, vector<1x16xf32>,
        %get3A_829 = vector.shape_cast %get3A_828 : vector<1x16xf32> to vector<16xf32>
        %add3A_830 = arith.addf %get3A_823, %get3A_829 : vector<16xf32>
        %add3A_831 = arith.constant 25 : i32
        %add3A_832 = arith.addi %add3A_831, %scan3A_589 : i32
        %swap3A_833 = arith.constant 0 : i32
        %swap3A_834 = arith.index_cast %swap3A_833 : i32 to index
        %swap3A_835 = arith.index_cast %add3A_832 : i32 to index
        %swap3A_836 = arith.constant 0 : index
        %swap3A_837 = tpu.vector_load %arg9[%swap3A_834, %swap3A_835, %swap3A_836] {strides = array<i32>} : memref<4x50x128xf32, #tpu.memory_space<vmem>>, vector<1x1x16xf32>,
        %swap3A_838 = vector.shape_cast %swap3A_837 : vector<1x1x16xf32> to vector<16xf32>
        %swap3A_839 = vector.shape_cast %add3A_830 : vector<16xf32> to vector<1x1x16xf32>
        tpu.vector_store %arg9[%swap3A_834, %swap3A_835, %swap3A_836], %swap3A_839 {strides = array<i32>} : memref<4x50x128xf32, #tpu.memory_space<vmem>>, vector<1x1x16xf32>,
        %mul3A_840 = arith.constant 4 : i32
        %mul3A_841 = arith.muli %scan3A_589, %mul3A_840 : i32
        %add3A_842 = arith.constant 0 : i32
        %add3A_843 = arith.addi %mul3A_841, %add3A_842 : i32
        %get3A_844 = arith.constant 0 : i32
        %get3A_845 = arith.constant 1 : i32
        %get3A_846 = arith.index_cast %get3A_844 : i32 to index
        %get3A_847 = arith.index_cast %get3A_845 : i32 to index
        %get3A_848 = arith.index_cast %add3A_843 : i32 to index
        %get3A_849 = arith.constant 16 : index
        %get3A_850 = tpu.vector_load %arg8[%get3A_846, %get3A_847, %get3A_848, %get3A_849] {strides = array<i32>} : memref<4x2x100x32xf32, #tpu.memory_space<vmem>>, vector<1x1x1x16xf32>,
        %get3A_851 = vector.shape_cast %get3A_850 : vector<1x1x1x16xf32> to vector<16xf32>
        %add3A_852 = arith.constant 25 : i32
        %add3A_853 = arith.addi %add3A_852, %scan3A_589 : i32
        %get3A_854 = arith.index_cast %add3A_853 : i32 to index
        %get3A_855 = arith.constant 16 : index
        %get3A_856 = tpu.vector_load %arg7[%get3A_854, %get3A_855] {strides = array<i32>} : memref<50x128xf32, #tpu.memory_space<vmem>>, vector<1x16xf32>,
        %get3A_857 = vector.shape_cast %get3A_856 : vector<1x16xf32> to vector<16xf32>
        %add3A_858 = arith.addf %get3A_851, %get3A_857 : vector<16xf32>
        %add3A_859 = arith.constant 25 : i32
        %add3A_860 = arith.addi %add3A_859, %scan3A_589 : i32
        %swap3A_861 = arith.constant 0 : i32
        %swap3A_862 = arith.index_cast %swap3A_861 : i32 to index
        %swap3A_863 = arith.index_cast %add3A_860 : i32 to index
        %swap3A_864 = arith.constant 16 : index
        %swap3A_865 = tpu.vector_load %arg9[%swap3A_862, %swap3A_863, %swap3A_864] {strides = array<i32>} : memref<4x50x128xf32, #tpu.memory_space<vmem>>, vector<1x1x16xf32>,
        %swap3A_866 = vector.shape_cast %swap3A_865 : vector<1x1x16xf32> to vector<16xf32>
        %swap3A_867 = vector.shape_cast %add3A_858 : vector<16xf32> to vector<1x1x16xf32>
        tpu.vector_store %arg9[%swap3A_862, %swap3A_863, %swap3A_864], %swap3A_867 {strides = array<i32>} : memref<4x50x128xf32, #tpu.memory_space<vmem>>, vector<1x1x16xf32>,
        %mul3A_868 = arith.constant 4 : i32
        %mul3A_869 = arith.muli %scan3A_589, %mul3A_868 : i32
        %add3A_870 = arith.constant 1 : i32
        %add3A_871 = arith.addi %mul3A_869, %add3A_870 : i32
        %get3A_872 = arith.constant 0 : i32
        %get3A_873 = arith.constant 1 : i32
        %get3A_874 = arith.index_cast %get3A_872 : i32 to index
        %get3A_875 = arith.index_cast %get3A_873 : i32 to index
        %get3A_876 = arith.index_cast %add3A_871 : i32 to index
        %get3A_877 = arith.constant 0 : index
        %get3A_878 = tpu.vector_load %arg8[%get3A_874, %get3A_875, %get3A_876, %get3A_877] {strides = array<i32>} : memref<4x2x100x32xf32, #tpu.memory_space<vmem>>, vector<1x1x1x16xf32>,
        %get3A_879 = vector.shape_cast %get3A_878 : vector<1x1x1x16xf32> to vector<16xf32>
        %add3A_880 = arith.constant 25 : i32
        %add3A_881 = arith.addi %add3A_880, %scan3A_589 : i32
        %get3A_882 = arith.index_cast %add3A_881 : i32 to index
        %get3A_883 = arith.constant 32 : index
        %get3A_884 = tpu.vector_load %arg7[%get3A_882, %get3A_883] {strides = array<i32>} : memref<50x128xf32, #tpu.memory_space<vmem>>, vector<1x16xf32>,
        %get3A_885 = vector.shape_cast %get3A_884 : vector<1x16xf32> to vector<16xf32>
        %add3A_886 = arith.addf %get3A_879, %get3A_885 : vector<16xf32>
        %add3A_887 = arith.constant 25 : i32
        %add3A_888 = arith.addi %add3A_887, %scan3A_589 : i32
        %swap3A_889 = arith.constant 0 : i32
        %swap3A_890 = arith.index_cast %swap3A_889 : i32 to index
        %swap3A_891 = arith.index_cast %add3A_888 : i32 to index
        %swap3A_892 = arith.constant 32 : index
        %swap3A_893 = tpu.vector_load %arg9[%swap3A_890, %swap3A_891, %swap3A_892] {strides = array<i32>} : memref<4x50x128xf32, #tpu.memory_space<vmem>>, vector<1x1x16xf32>,
        %swap3A_894 = vector.shape_cast %swap3A_893 : vector<1x1x16xf32> to vector<16xf32>
        %swap3A_895 = vector.shape_cast %add3A_886 : vector<16xf32> to vector<1x1x16xf32>
        tpu.vector_store %arg9[%swap3A_890, %swap3A_891, %swap3A_892], %swap3A_895 {strides = array<i32>} : memref<4x50x128xf32, #tpu.memory_space<vmem>>, vector<1x1x16xf32>,
        %mul3A_896 = arith.constant 4 : i32
        %mul3A_897 = arith.muli %scan3A_589, %mul3A_896 : i32
        %add3A_898 = arith.constant 1 : i32
        %add3A_899 = arith.addi %mul3A_897, %add3A_898 : i32
        %get3A_900 = arith.constant 0 : i32
        %get3A_901 = arith.constant 1 : i32
        %get3A_902 = arith.index_cast %get3A_900 : i32 to index
        %get3A_903 = arith.index_cast %get3A_901 : i32 to index
        %get3A_904 = arith.index_cast %add3A_899 : i32 to index
        %get3A_905 = arith.constant 16 : index
        %get3A_906 = tpu.vector_load %arg8[%get3A_902, %get3A_903, %get3A_904, %get3A_905] {strides = array<i32>} : memref<4x2x100x32xf32, #tpu.memory_space<vmem>>, vector<1x1x1x16xf32>,
        %get3A_907 = vector.shape_cast %get3A_906 : vector<1x1x1x16xf32> to vector<16xf32>
        %add3A_908 = arith.constant 25 : i32
        %add3A_909 = arith.addi %add3A_908, %scan3A_589 : i32
        %get3A_910 = arith.index_cast %add3A_909 : i32 to index
        %get3A_911 = arith.constant 48 : index
        %get3A_912 = tpu.vector_load %arg7[%get3A_910, %get3A_911] {strides = array<i32>} : memref<50x128xf32, #tpu.memory_space<vmem>>, vector<1x16xf32>,
        %get3A_913 = vector.shape_cast %get3A_912 : vector<1x16xf32> to vector<16xf32>
        %add3A_914 = arith.addf %get3A_907, %get3A_913 : vector<16xf32>
        %add3A_915 = arith.constant 25 : i32
        %add3A_916 = arith.addi %add3A_915, %scan3A_589 : i32
        %swap3A_917 = arith.constant 0 : i32
        %swap3A_918 = arith.index_cast %swap3A_917 : i32 to index
        %swap3A_919 = arith.index_cast %add3A_916 : i32 to index
        %swap3A_920 = arith.constant 48 : index
        %swap3A_921 = tpu.vector_load %arg9[%swap3A_918, %swap3A_919, %swap3A_920] {strides = array<i32>} : memref<4x50x128xf32, #tpu.memory_space<vmem>>, vector<1x1x16xf32>,
        %swap3A_922 = vector.shape_cast %swap3A_921 : vector<1x1x16xf32> to vector<16xf32>
        %swap3A_923 = vector.shape_cast %add3A_914 : vector<16xf32> to vector<1x1x16xf32>
        tpu.vector_store %arg9[%swap3A_918, %swap3A_919, %swap3A_920], %swap3A_923 {strides = array<i32>} : memref<4x50x128xf32, #tpu.memory_space<vmem>>, vector<1x1x16xf32>,
        %mul3A_924 = arith.constant 4 : i32
        %mul3A_925 = arith.muli %scan3A_589, %mul3A_924 : i32
        %add3A_926 = arith.constant 2 : i32
        %add3A_927 = arith.addi %mul3A_925, %add3A_926 : i32
        %get3A_928 = arith.constant 0 : i32
        %get3A_929 = arith.constant 1 : i32
        %get3A_930 = arith.index_cast %get3A_928 : i32 to index
        %get3A_931 = arith.index_cast %get3A_929 : i32 to index
        %get3A_932 = arith.index_cast %add3A_927 : i32 to index
        %get3A_933 = arith.constant 0 : index
        %get3A_934 = tpu.vector_load %arg8[%get3A_930, %get3A_931, %get3A_932, %get3A_933] {strides = array<i32>} : memref<4x2x100x32xf32, #tpu.memory_space<vmem>>, vector<1x1x1x16xf32>,
        %get3A_935 = vector.shape_cast %get3A_934 : vector<1x1x1x16xf32> to vector<16xf32>
        %add3A_936 = arith.constant 25 : i32
        %add3A_937 = arith.addi %add3A_936, %scan3A_589 : i32
        %get3A_938 = arith.index_cast %add3A_937 : i32 to index
        %get3A_939 = arith.constant 64 : index
        %get3A_940 = tpu.vector_load %arg7[%get3A_938, %get3A_939] {strides = array<i32>} : memref<50x128xf32, #tpu.memory_space<vmem>>, vector<1x16xf32>,
        %get3A_941 = vector.shape_cast %get3A_940 : vector<1x16xf32> to vector<16xf32>
        %add3A_942 = arith.addf %get3A_935, %get3A_941 : vector<16xf32>
        %add3A_943 = arith.constant 25 : i32
        %add3A_944 = arith.addi %add3A_943, %scan3A_589 : i32
        %swap3A_945 = arith.constant 0 : i32
        %swap3A_946 = arith.index_cast %swap3A_945 : i32 to index
        %swap3A_947 = arith.index_cast %add3A_944 : i32 to index
        %swap3A_948 = arith.constant 64 : index
        %swap3A_949 = tpu.vector_load %arg9[%swap3A_946, %swap3A_947, %swap3A_948] {strides = array<i32>} : memref<4x50x128xf32, #tpu.memory_space<vmem>>, vector<1x1x16xf32>,
        %swap3A_950 = vector.shape_cast %swap3A_949 : vector<1x1x16xf32> to vector<16xf32>
        %swap3A_951 = vector.shape_cast %add3A_942 : vector<16xf32> to vector<1x1x16xf32>
        tpu.vector_store %arg9[%swap3A_946, %swap3A_947, %swap3A_948], %swap3A_951 {strides = array<i32>} : memref<4x50x128xf32, #tpu.memory_space<vmem>>, vector<1x1x16xf32>,
        %mul3A_952 = arith.constant 4 : i32
        %mul3A_953 = arith.muli %scan3A_589, %mul3A_952 : i32
        %add3A_954 = arith.constant 2 : i32
        %add3A_955 = arith.addi %mul3A_953, %add3A_954 : i32
        %get3A_956 = arith.constant 0 : i32
        %get3A_957 = arith.constant 1 : i32
        %get3A_958 = arith.index_cast %get3A_956 : i32 to index
        %get3A_959 = arith.index_cast %get3A_957 : i32 to index
        %get3A_960 = arith.index_cast %add3A_955 : i32 to index
        %get3A_961 = arith.constant 16 : index
        %get3A_962 = tpu.vector_load %arg8[%get3A_958, %get3A_959, %get3A_960, %get3A_961] {strides = array<i32>} : memref<4x2x100x32xf32, #tpu.memory_space<vmem>>, vector<1x1x1x16xf32>,
        %get3A_963 = vector.shape_cast %get3A_962 : vector<1x1x1x16xf32> to vector<16xf32>
        %add3A_964 = arith.constant 25 : i32
        %add3A_965 = arith.addi %add3A_964, %scan3A_589 : i32
        %get3A_966 = arith.index_cast %add3A_965 : i32 to index
        %get3A_967 = arith.constant 80 : index
        %get3A_968 = tpu.vector_load %arg7[%get3A_966, %get3A_967] {strides = array<i32>} : memref<50x128xf32, #tpu.memory_space<vmem>>, vector<1x16xf32>,
        %get3A_969 = vector.shape_cast %get3A_968 : vector<1x16xf32> to vector<16xf32>
        %add3A_970 = arith.addf %get3A_963, %get3A_969 : vector<16xf32>
        %add3A_971 = arith.constant 25 : i32
        %add3A_972 = arith.addi %add3A_971, %scan3A_589 : i32
        %swap3A_973 = arith.constant 0 : i32
        %swap3A_974 = arith.index_cast %swap3A_973 : i32 to index
        %swap3A_975 = arith.index_cast %add3A_972 : i32 to index
        %swap3A_976 = arith.constant 80 : index
        %swap3A_977 = tpu.vector_load %arg9[%swap3A_974, %swap3A_975, %swap3A_976] {strides = array<i32>} : memref<4x50x128xf32, #tpu.memory_space<vmem>>, vector<1x1x16xf32>,
        %swap3A_978 = vector.shape_cast %swap3A_977 : vector<1x1x16xf32> to vector<16xf32>
        %swap3A_979 = vector.shape_cast %add3A_970 : vector<16xf32> to vector<1x1x16xf32>
        tpu.vector_store %arg9[%swap3A_974, %swap3A_975, %swap3A_976], %swap3A_979 {strides = array<i32>} : memref<4x50x128xf32, #tpu.memory_space<vmem>>, vector<1x1x16xf32>,
        %mul3A_980 = arith.constant 4 : i32
        %mul3A_981 = arith.muli %scan3A_589, %mul3A_980 : i32
        %add3A_982 = arith.constant 3 : i32
        %add3A_983 = arith.addi %mul3A_981, %add3A_982 : i32
        %get3A_984 = arith.constant 0 : i32
        %get3A_985 = arith.constant 1 : i32
        %get3A_986 = arith.index_cast %get3A_984 : i32 to index
        %get3A_987 = arith.index_cast %get3A_985 : i32 to index
        %get3A_988 = arith.index_cast %add3A_983 : i32 to index
        %get3A_989 = arith.constant 0 : index
        %get3A_990 = tpu.vector_load %arg8[%get3A_986, %get3A_987, %get3A_988, %get3A_989] {strides = array<i32>} : memref<4x2x100x32xf32, #tpu.memory_space<vmem>>, vector<1x1x1x16xf32>,
        %get3A_991 = vector.shape_cast %get3A_990 : vector<1x1x1x16xf32> to vector<16xf32>
        %add3A_992 = arith.constant 25 : i32
        %add3A_993 = arith.addi %add3A_992, %scan3A_589 : i32
        %get3A_994 = arith.index_cast %add3A_993 : i32 to index
        %get3A_995 = arith.constant 96 : index
        %get3A_996 = tpu.vector_load %arg7[%get3A_994, %get3A_995] {strides = array<i32>} : memref<50x128xf32, #tpu.memory_space<vmem>>, vector<1x16xf32>,
        %get3A_997 = vector.shape_cast %get3A_996 : vector<1x16xf32> to vector<16xf32>
        %add3A_998 = arith.addf %get3A_991, %get3A_997 : vector<16xf32>
        %add3A_999 = arith.constant 25 : i32
        %add3A_1000 = arith.addi %add3A_999, %scan3A_589 : i32
        %swap3A_1001 = arith.constant 0 : i32
        %swap3A_1002 = arith.index_cast %swap3A_1001 : i32 to index
        %swap3A_1003 = arith.index_cast %add3A_1000 : i32 to index
        %swap3A_1004 = arith.constant 96 : index
        %swap3A_1005 = tpu.vector_load %arg9[%swap3A_1002, %swap3A_1003, %swap3A_1004] {strides = array<i32>} : memref<4x50x128xf32, #tpu.memory_space<vmem>>, vector<1x1x16xf32>,
        %swap3A_1006 = vector.shape_cast %swap3A_1005 : vector<1x1x16xf32> to vector<16xf32>
        %swap3A_1007 = vector.shape_cast %add3A_998 : vector<16xf32> to vector<1x1x16xf32>
        tpu.vector_store %arg9[%swap3A_1002, %swap3A_1003, %swap3A_1004], %swap3A_1007 {strides = array<i32>} : memref<4x50x128xf32, #tpu.memory_space<vmem>>, vector<1x1x16xf32>,
        %mul3A_1008 = arith.constant 4 : i32
        %mul3A_1009 = arith.muli %scan3A_589, %mul3A_1008 : i32
        %add3A_1010 = arith.constant 3 : i32
        %add3A_1011 = arith.addi %mul3A_1009, %add3A_1010 : i32
        %get3A_1012 = arith.constant 0 : i32
        %get3A_1013 = arith.constant 1 : i32
        %get3A_1014 = arith.index_cast %get3A_1012 : i32 to index
        %get3A_1015 = arith.index_cast %get3A_1013 : i32 to index
        %get3A_1016 = arith.index_cast %add3A_1011 : i32 to index
        %get3A_1017 = arith.constant 16 : index
        %get3A_1018 = tpu.vector_load %arg8[%get3A_1014, %get3A_1015, %get3A_1016, %get3A_1017] {strides = array<i32>} : memref<4x2x100x32xf32, #tpu.memory_space<vmem>>, vector<1x1x1x16xf32>,
        %get3A_1019 = vector.shape_cast %get3A_1018 : vector<1x1x1x16xf32> to vector<16xf32>
        %add3A_1020 = arith.constant 25 : i32
        %add3A_1021 = arith.addi %add3A_1020, %scan3A_589 : i32
        %get3A_1022 = arith.index_cast %add3A_1021 : i32 to index
        %get3A_1023 = arith.constant 112 : index
        %get3A_1024 = tpu.vector_load %arg7[%get3A_1022, %get3A_1023] {strides = array<i32>} : memref<50x128xf32, #tpu.memory_space<vmem>>, vector<1x16xf32>,
        %get3A_1025 = vector.shape_cast %get3A_1024 : vector<1x16xf32> to vector<16xf32>
        %add3A_1026 = arith.addf %get3A_1019, %get3A_1025 : vector<16xf32>
        %add3A_1027 = arith.constant 25 : i32
        %add3A_1028 = arith.addi %add3A_1027, %scan3A_589 : i32
        %swap3A_1029 = arith.constant 0 : i32
        %swap3A_1030 = arith.index_cast %swap3A_1029 : i32 to index
        %swap3A_1031 = arith.index_cast %add3A_1028 : i32 to index
        %swap3A_1032 = arith.constant 112 : index
        %swap3A_1033 = tpu.vector_load %arg9[%swap3A_1030, %swap3A_1031, %swap3A_1032] {strides = array<i32>} : memref<4x50x128xf32, #tpu.memory_space<vmem>>, vector<1x1x16xf32>,
        %swap3A_1034 = vector.shape_cast %swap3A_1033 : vector<1x1x16xf32> to vector<16xf32>
        %swap3A_1035 = vector.shape_cast %add3A_1026 : vector<16xf32> to vector<1x1x16xf32>
        tpu.vector_store %arg9[%swap3A_1030, %swap3A_1031, %swap3A_1032], %swap3A_1035 {strides = array<i32>} : memref<4x50x128xf32, #tpu.memory_space<vmem>>, vector<1x1x16xf32>,
      }
      %scan3A_320 = arith.constant 25 : i32
      %mul3A_321 = arith.constant 128 : i32
      %mul3A_322 = arith.muli %add3A, %mul3A_321 : i32
      %add3A_323 = arith.addi %mul3A_322, %add3A_268 : i32
      %mul3A_324 = arith.constant 50 : i32
      %mul3A_325 = arith.muli %add3A_323, %mul3A_324 : i32
      %dma_start3A_326 = arith.constant 0 : i32
      %dma_start3A_327 = arith.constant 0 : i32
      %dma_start3A_328 = arith.constant 0 : i32
      %dma_start3A_329 = tpu.memref_slice %arg9[%dma_start3A_326, %dma_start3A_327, %dma_start3A_328] : memref<4x50x128xf32, #tpu.memory_space<vmem>> -> memref<1x50x128xf32, #tpu.memory_space<vmem>>
      %dma_start3A_330 = tpu.memref_squeeze %dma_start3A_329 : memref<1x50x128xf32, #tpu.memory_space<vmem>> -> memref<50x128xf32, #tpu.memory_space<vmem>>
      %dma_start3A_331 = arith.constant 0 : i32
      %dma_start3A_332 = tpu.memref_slice %arg5[%mul3A_325, %dma_start3A_331] : memref<204800x128xf32, #tpu.memory_space<hbm>> -> memref<50x128xf32, #tpu.memory_space<hbm>>
      %dma_start3A_333 = arith.constant 0 : i32
      %dma_start3A_334 = tpu.memref_slice %arg5[%mul3A_325, %dma_start3A_333] : memref<204800x128xf32, #tpu.memory_space<hbm>> -> memref<50x128xf32, #tpu.memory_space<hbm>>
      %dma_start3A_335 = arith.constant 0 : i32
      %dma_start3A_336 = arith.constant 0 : i32
      %dma_start3A_337 = tpu.memref_slice %arg9[%dma_start3A_326, %dma_start3A_335, %dma_start3A_336] : memref<4x50x128xf32, #tpu.memory_space<vmem>> -> memref<1x50x128xf32, #tpu.memory_space<vmem>>
      %dma_start3A_338 = tpu.memref_squeeze %dma_start3A_337 : memref<1x50x128xf32, #tpu.memory_space<vmem>> -> memref<50x128xf32, #tpu.memory_space<vmem>>
      tpu.enqueue_dma source(%dma_start3A_338 : memref<50x128xf32, #tpu.memory_space<vmem>>) target(%dma_start3A_334 : memref<50x128xf32, #tpu.memory_space<hbm>>) target_semaphore(%arg14 : memref<!tpu.dma_semaphore, #tpu.memory_space<semaphore_mem>>)
      %lt3A = arith.constant 31 : i32
      %lt3A_339 = arith.cmpi slt, %scan3A_264, %lt3A : i32
      %convert_element_type3A_340 = arith.extui %lt3A_339 : i1 to i32
      %cond3A_341 = arith.constant 0 : i32
      %cond3A_342 = arith.cmpi ne, %convert_element_type3A_340, %cond3A_341 : i32
      scf.if %cond3A_342 {
        %add3A_589 = arith.constant 4 : i32
        %add3A_590 = arith.addi %add3A_268, %add3A_589 : i32
        %dma_start3A_591 = arith.constant 0 : i32
        %dma_start3A_592 = arith.constant 0 : i32
        %dma_start3A_593 = arith.constant 0 : i32
        %dma_start3A_594 = arith.constant 0 : i32
        %dma_start3A_595 = arith.constant 0 : i32
        %dma_start3A_596 = arith.constant 0 : i32
        %dma_start3A_597 = tpu.memref_slice %arg8[%dma_start3A_592, %dma_start3A_594, %dma_start3A_595, %dma_start3A_596] : memref<4x2x100x32xf32, #tpu.memory_space<vmem>> -> memref<1x2x100x32xf32, #tpu.memory_space<vmem>>
        %dma_start3A_598 = tpu.memref_squeeze %dma_start3A_597 : memref<1x2x100x32xf32, #tpu.memory_space<vmem>> -> memref<2x100x32xf32, #tpu.memory_space<vmem>>
        %dma_start3A_599 = arith.constant 0 : i32
        %dma_start3A_600 = arith.constant 0 : i32
        %dma_start3A_601 = tpu.memref_slice %dma_start3A_598[%dma_start3A_593, %dma_start3A_599, %dma_start3A_600] : memref<2x100x32xf32, #tpu.memory_space<vmem>> -> memref<1x100x32xf32, #tpu.memory_space<vmem>>
        %dma_start3A_602 = tpu.memref_squeeze %dma_start3A_601 : memref<1x100x32xf32, #tpu.memory_space<vmem>> -> memref<100x32xf32, #tpu.memory_space<vmem>>
        %dma_start3A_603 = arith.constant 0 : i32
        %dma_start3A_604 = arith.constant 0 : i32
        %dma_start3A_605 = tpu.memref_slice %arg6[%add3A_590, %dma_start3A_603, %dma_start3A_604] : memref<128x2x100xi32, #tpu.memory_space<vmem>> -> memref<1x2x100xi32, #tpu.memory_space<vmem>>
        %dma_start3A_606 = tpu.memref_squeeze %dma_start3A_605 : memref<1x2x100xi32, #tpu.memory_space<vmem>> -> memref<2x100xi32, #tpu.memory_space<vmem>>
        %dma_start3A_607 = arith.constant 0 : i32
        %dma_start3A_608 = tpu.memref_slice %dma_start3A_606[%dma_start3A_591, %dma_start3A_607] : memref<2x100xi32, #tpu.memory_space<vmem>> -> memref<1x100xi32, #tpu.memory_space<vmem>>
        %dma_start3A_609 = tpu.memref_squeeze %dma_start3A_608 : memref<1x100xi32, #tpu.memory_space<vmem>> -> memref<100xi32, #tpu.memory_space<vmem>>
        %dma_start3A_610 = arith.constant 0 : i32
        %dma_start3A_611 = arith.constant 0 : i32
        %dma_start3A_612 = tpu.memref_slice %arg3[%dma_start3A_610, %dma_start3A_611] : memref<1000000x32xf32, #tpu.memory_space<hbm>> -> memref<1000000x32xf32, #tpu.memory_space<hbm>>
        tpu.enqueue_indirect_dma source(%dma_start3A_612 : memref<1000000x32xf32, #tpu.memory_space<hbm>>) target(%dma_start3A_602 : memref<100x32xf32, #tpu.memory_space<vmem>>) offsets(%dma_start3A_609 : memref<100xi32, #tpu.memory_space<vmem>>) semaphore(%arg10 : memref<!tpu.dma_semaphore, #tpu.memory_space<semaphore_mem>>)
        %dma_start3A_613 = arith.constant 1 : i32
        %dma_start3A_614 = arith.constant 0 : i32
        %dma_start3A_615 = arith.constant 1 : i32
        %dma_start3A_616 = arith.constant 0 : i32
        %dma_start3A_617 = arith.constant 0 : i32
        %dma_start3A_618 = arith.constant 0 : i32
        %dma_start3A_619 = tpu.memref_slice %arg8[%dma_start3A_614, %dma_start3A_616, %dma_start3A_617, %dma_start3A_618] : memref<4x2x100x32xf32, #tpu.memory_space<vmem>> -> memref<1x2x100x32xf32, #tpu.memory_space<vmem>>
        %dma_start3A_620 = tpu.memref_squeeze %dma_start3A_619 : memref<1x2x100x32xf32, #tpu.memory_space<vmem>> -> memref<2x100x32xf32, #tpu.memory_space<vmem>>
        %dma_start3A_621 = arith.constant 0 : i32
        %dma_start3A_622 = arith.constant 0 : i32
        %dma_start3A_623 = tpu.memref_slice %dma_start3A_620[%dma_start3A_615, %dma_start3A_621, %dma_start3A_622] : memref<2x100x32xf32, #tpu.memory_space<vmem>> -> memref<1x100x32xf32, #tpu.memory_space<vmem>>
        %dma_start3A_624 = tpu.memref_squeeze %dma_start3A_623 : memref<1x100x32xf32, #tpu.memory_space<vmem>> -> memref<100x32xf32, #tpu.memory_space<vmem>>
        %dma_start3A_625 = arith.constant 0 : i32
        %dma_start3A_626 = arith.constant 0 : i32
        %dma_start3A_627 = tpu.memref_slice %arg6[%add3A_590, %dma_start3A_625, %dma_start3A_626] : memref<128x2x100xi32, #tpu.memory_space<vmem>> -> memref<1x2x100xi32, #tpu.memory_space<vmem>>
        %dma_start3A_628 = tpu.memref_squeeze %dma_start3A_627 : memref<1x2x100xi32, #tpu.memory_space<vmem>> -> memref<2x100xi32, #tpu.memory_space<vmem>>
        %dma_start3A_629 = arith.constant 0 : i32
        %dma_start3A_630 = tpu.memref_slice %dma_start3A_628[%dma_start3A_613, %dma_start3A_629] : memref<2x100xi32, #tpu.memory_space<vmem>> -> memref<1x100xi32, #tpu.memory_space<vmem>>
        %dma_start3A_631 = tpu.memref_squeeze %dma_start3A_630 : memref<1x100xi32, #tpu.memory_space<vmem>> -> memref<100xi32, #tpu.memory_space<vmem>>
        %dma_start3A_632 = arith.constant 0 : i32
        %dma_start3A_633 = arith.constant 0 : i32
        %dma_start3A_634 = tpu.memref_slice %arg3[%dma_start3A_632, %dma_start3A_633] : memref<1000000x32xf32, #tpu.memory_space<hbm>> -> memref<1000000x32xf32, #tpu.memory_space<hbm>>
        tpu.enqueue_indirect_dma source(%dma_start3A_634 : memref<1000000x32xf32, #tpu.memory_space<hbm>>) target(%dma_start3A_624 : memref<100x32xf32, #tpu.memory_space<vmem>>) offsets(%dma_start3A_631 : memref<100xi32, #tpu.memory_space<vmem>>) semaphore(%arg10 : memref<!tpu.dma_semaphore, #tpu.memory_space<semaphore_mem>>)
      } else {
      }
      %mul3A_343 = arith.constant 4 : i32
      %mul3A_344 = arith.muli %scan3A_264, %mul3A_343 : i32
      %add3A_345 = arith.constant 1 : i32
      %add3A_346 = arith.addi %mul3A_344, %add3A_345 : i32
      %dma_wait3A_347 = arith.constant 0 : i32
      %dma_wait3A_348 = arith.constant 1 : i32
      %dma_wait3A_349 = arith.constant 0 : i32
      %dma_wait3A_350 = arith.constant 0 : i32
      %dma_wait3A_351 = arith.constant 0 : i32
      %dma_wait3A_352 = arith.constant 0 : i32
      %dma_wait3A_353 = tpu.memref_slice %arg8[%dma_wait3A_348, %dma_wait3A_350, %dma_wait3A_351, %dma_wait3A_352] : memref<4x2x100x32xf32, #tpu.memory_space<vmem>> -> memref<1x2x100x32xf32, #tpu.memory_space<vmem>>
      %dma_wait3A_354 = tpu.memref_squeeze %dma_wait3A_353 : memref<1x2x100x32xf32, #tpu.memory_space<vmem>> -> memref<2x100x32xf32, #tpu.memory_space<vmem>>
      %dma_wait3A_355 = arith.constant 0 : i32
      %dma_wait3A_356 = arith.constant 0 : i32
      %dma_wait3A_357 = tpu.memref_slice %dma_wait3A_354[%dma_wait3A_349, %dma_wait3A_355, %dma_wait3A_356] : memref<2x100x32xf32, #tpu.memory_space<vmem>> -> memref<1x100x32xf32, #tpu.memory_space<vmem>>
      %dma_wait3A_358 = tpu.memref_squeeze %dma_wait3A_357 : memref<1x100x32xf32, #tpu.memory_space<vmem>> -> memref<100x32xf32, #tpu.memory_space<vmem>>
      %dma_wait3A_359 = arith.constant 0 : i32
      %dma_wait3A_360 = arith.constant 0 : i32
      %dma_wait3A_361 = tpu.memref_slice %arg6[%add3A_346, %dma_wait3A_359, %dma_wait3A_360] : memref<128x2x100xi32, #tpu.memory_space<vmem>> -> memref<1x2x100xi32, #tpu.memory_space<vmem>>
      %dma_wait3A_362 = tpu.memref_squeeze %dma_wait3A_361 : memref<1x2x100xi32, #tpu.memory_space<vmem>> -> memref<2x100xi32, #tpu.memory_space<vmem>>
      %dma_wait3A_363 = arith.constant 0 : i32
      %dma_wait3A_364 = tpu.memref_slice %dma_wait3A_362[%dma_wait3A_347, %dma_wait3A_363] : memref<2x100xi32, #tpu.memory_space<vmem>> -> memref<1x100xi32, #tpu.memory_space<vmem>>
      %dma_wait3A_365 = tpu.memref_squeeze %dma_wait3A_364 : memref<1x100xi32, #tpu.memory_space<vmem>> -> memref<100xi32, #tpu.memory_space<vmem>>
      %dma_wait3A_366 = arith.constant 0 : i32
      %dma_wait3A_367 = arith.constant 0 : i32
      %dma_wait3A_368 = tpu.memref_slice %arg3[%dma_wait3A_366, %dma_wait3A_367] : memref<1000000x32xf32, #tpu.memory_space<hbm>> -> memref<1000000x32xf32, #tpu.memory_space<hbm>>
      tpu.wait_indirect_dma semaphore(%arg11 : memref<!tpu.dma_semaphore, #tpu.memory_space<semaphore_mem>>) src(%dma_wait3A_368 : memref<1000000x32xf32, #tpu.memory_space<hbm>>) dst(%dma_wait3A_358 : memref<100x32xf32, #tpu.memory_space<vmem>>)
      %dma_wait3A_369 = arith.constant 1 : i32
      %dma_wait3A_370 = arith.constant 1 : i32
      %dma_wait3A_371 = arith.constant 1 : i32
      %dma_wait3A_372 = arith.constant 0 : i32
      %dma_wait3A_373 = arith.constant 0 : i32
      %dma_wait3A_374 = arith.constant 0 : i32
      %dma_wait3A_375 = tpu.memref_slice %arg8[%dma_wait3A_370, %dma_wait3A_372, %dma_wait3A_373, %dma_wait3A_374] : memref<4x2x100x32xf32, #tpu.memory_space<vmem>> -> memref<1x2x100x32xf32, #tpu.memory_space<vmem>>
      %dma_wait3A_376 = tpu.memref_squeeze %dma_wait3A_375 : memref<1x2x100x32xf32, #tpu.memory_space<vmem>> -> memref<2x100x32xf32, #tpu.memory_space<vmem>>
      %dma_wait3A_377 = arith.constant 0 : i32
      %dma_wait3A_378 = arith.constant 0 : i32
      %dma_wait3A_379 = tpu.memref_slice %dma_wait3A_376[%dma_wait3A_371, %dma_wait3A_377, %dma_wait3A_378] : memref<2x100x32xf32, #tpu.memory_space<vmem>> -> memref<1x100x32xf32, #tpu.memory_space<vmem>>
      %dma_wait3A_380 = tpu.memref_squeeze %dma_wait3A_379 : memref<1x100x32xf32, #tpu.memory_space<vmem>> -> memref<100x32xf32, #tpu.memory_space<vmem>>
      %dma_wait3A_381 = arith.constant 0 : i32
      %dma_wait3A_382 = arith.constant 0 : i32
      %dma_wait3A_383 = tpu.memref_slice %arg6[%add3A_346, %dma_wait3A_381, %dma_wait3A_382] : memref<128x2x100xi32, #tpu.memory_space<vmem>> -> memref<1x2x100xi32, #tpu.memory_space<vmem>>
      %dma_wait3A_384 = tpu.memref_squeeze %dma_wait3A_383 : memref<1x2x100xi32, #tpu.memory_space<vmem>> -> memref<2x100xi32, #tpu.memory_space<vmem>>
      %dma_wait3A_385 = arith.constant 0 : i32
      %dma_wait3A_386 = tpu.memref_slice %dma_wait3A_384[%dma_wait3A_369, %dma_wait3A_385] : memref<2x100xi32, #tpu.memory_space<vmem>> -> memref<1x100xi32, #tpu.memory_space<vmem>>
      %dma_wait3A_387 = tpu.memref_squeeze %dma_wait3A_386 : memref<1x100xi32, #tpu.memory_space<vmem>> -> memref<100xi32, #tpu.memory_space<vmem>>
      %dma_wait3A_388 = arith.constant 0 : i32
      %dma_wait3A_389 = arith.constant 0 : i32
      %dma_wait3A_390 = tpu.memref_slice %arg3[%dma_wait3A_388, %dma_wait3A_389] : memref<1000000x32xf32, #tpu.memory_space<hbm>> -> memref<1000000x32xf32, #tpu.memory_space<hbm>>
      tpu.wait_indirect_dma semaphore(%arg11 : memref<!tpu.dma_semaphore, #tpu.memory_space<semaphore_mem>>) src(%dma_wait3A_390 : memref<1000000x32xf32, #tpu.memory_space<hbm>>) dst(%dma_wait3A_380 : memref<100x32xf32, #tpu.memory_space<vmem>>)
      %gt3A_391 = arith.constant 0 : i32
      %gt3A_392 = arith.cmpi sgt, %scan3A_264, %gt3A_391 : i32
      %convert_element_type3A_393 = arith.extui %gt3A_392 : i1 to i32
      %cond3A_394 = arith.constant 0 : i32
      %cond3A_395 = arith.cmpi ne, %convert_element_type3A_393, %cond3A_394 : i32
      scf.if %cond3A_395 {
        %sub3A = arith.constant 4 : i32
        %sub3A_589 = arith.subi %add3A_346, %sub3A : i32
        %mul3A_590 = arith.constant 128 : i32
        %mul3A_591 = arith.muli %add3A, %mul3A_590 : i32
        %add3A_592 = arith.addi %mul3A_591, %sub3A_589 : i32
        %mul3A_593 = arith.constant 50 : i32
        %mul3A_594 = arith.muli %add3A_592, %mul3A_593 : i32
        %dma_wait3A_595 = arith.constant 1 : i32
        %dma_wait3A_596 = arith.constant 0 : i32
        %dma_wait3A_597 = arith.constant 0 : i32
        %dma_wait3A_598 = tpu.memref_slice %arg9[%dma_wait3A_595, %dma_wait3A_596, %dma_wait3A_597] : memref<4x50x128xf32, #tpu.memory_space<vmem>> -> memref<1x50x128xf32, #tpu.memory_space<vmem>>
        %dma_wait3A_599 = tpu.memref_squeeze %dma_wait3A_598 : memref<1x50x128xf32, #tpu.memory_space<vmem>> -> memref<50x128xf32, #tpu.memory_space<vmem>>
        %dma_wait3A_600 = arith.constant 0 : i32
        %dma_wait3A_601 = tpu.memref_slice %arg5[%mul3A_594, %dma_wait3A_600] : memref<204800x128xf32, #tpu.memory_space<hbm>> -> memref<50x128xf32, #tpu.memory_space<hbm>>
        %dma_wait3A_602 = arith.constant 0 : i32
        %dma_wait3A_603 = tpu.memref_slice %arg5[%mul3A_594, %dma_wait3A_602] : memref<204800x128xf32, #tpu.memory_space<hbm>> -> memref<50x128xf32, #tpu.memory_space<hbm>>
        %dma_wait3A_604 = arith.constant 0 : i32
        %dma_wait3A_605 = arith.constant 0 : i32
        %dma_wait3A_606 = tpu.memref_slice %arg9[%dma_wait3A_595, %dma_wait3A_604, %dma_wait3A_605] : memref<4x50x128xf32, #tpu.memory_space<vmem>> -> memref<1x50x128xf32, #tpu.memory_space<vmem>>
        %dma_wait3A_607 = tpu.memref_squeeze %dma_wait3A_606 : memref<1x50x128xf32, #tpu.memory_space<vmem>> -> memref<50x128xf32, #tpu.memory_space<vmem>>
        tpu.wait_dma2 semaphore(%arg15 : memref<!tpu.dma_semaphore, #tpu.memory_space<semaphore_mem>>) src(%dma_wait3A_607 : memref<50x128xf32, #tpu.memory_space<vmem>>) dst(%dma_wait3A_603 : memref<50x128xf32, #tpu.memory_space<hbm>>)
      } else {
      }
      %scan3A_396 = arith.constant 0 : i32
      %scan3A_397 = arith.constant 0 : i32
      %scan3A_398 = arith.constant 25 : i32
      %scan3A_399 = arith.addi %scan3A_397, %scan3A_398 : i32
      %scan3A_400 = arith.constant 1 : i32
      scf.for %scan3A_589 = %scan3A_397 to %scan3A_399 step %scan3A_400  : i32 {
        %mul3A_590 = arith.constant 4 : i32
        %mul3A_591 = arith.muli %scan3A_589, %mul3A_590 : i32
        %add3A_592 = arith.constant 0 : i32
        %add3A_593 = arith.addi %mul3A_591, %add3A_592 : i32
        %get3A = arith.constant 1 : i32
        %get3A_594 = arith.constant 0 : i32
        %get3A_595 = arith.index_cast %get3A : i32 to index
        %get3A_596 = arith.index_cast %get3A_594 : i32 to index
        %get3A_597 = arith.index_cast %add3A_593 : i32 to index
        %get3A_598 = arith.constant 0 : index
        %get3A_599 = tpu.vector_load %arg8[%get3A_595, %get3A_596, %get3A_597, %get3A_598] {strides = array<i32>} : memref<4x2x100x32xf32, #tpu.memory_space<vmem>>, vector<1x1x1x16xf32>,
        %get3A_600 = vector.shape_cast %get3A_599 : vector<1x1x1x16xf32> to vector<16xf32>
        %add3A_601 = arith.constant 0 : i32
        %add3A_602 = arith.addi %add3A_601, %scan3A_589 : i32
        %get3A_603 = arith.index_cast %add3A_602 : i32 to index
        %get3A_604 = arith.constant 0 : index
        %get3A_605 = tpu.vector_load %arg7[%get3A_603, %get3A_604] {strides = array<i32>} : memref<50x128xf32, #tpu.memory_space<vmem>>, vector<1x16xf32>,
        %get3A_606 = vector.shape_cast %get3A_605 : vector<1x16xf32> to vector<16xf32>
        %add3A_607 = arith.addf %get3A_600, %get3A_606 : vector<16xf32>
        %add3A_608 = arith.constant 0 : i32
        %add3A_609 = arith.addi %add3A_608, %scan3A_589 : i32
        %swap3A = arith.constant 1 : i32
        %swap3A_610 = arith.index_cast %swap3A : i32 to index
        %swap3A_611 = arith.index_cast %add3A_609 : i32 to index
        %swap3A_612 = arith.constant 0 : index
        %swap3A_613 = tpu.vector_load %arg9[%swap3A_610, %swap3A_611, %swap3A_612] {strides = array<i32>} : memref<4x50x128xf32, #tpu.memory_space<vmem>>, vector<1x1x16xf32>,
        %swap3A_614 = vector.shape_cast %swap3A_613 : vector<1x1x16xf32> to vector<16xf32>
        %swap3A_615 = vector.shape_cast %add3A_607 : vector<16xf32> to vector<1x1x16xf32>
        tpu.vector_store %arg9[%swap3A_610, %swap3A_611, %swap3A_612], %swap3A_615 {strides = array<i32>} : memref<4x50x128xf32, #tpu.memory_space<vmem>>, vector<1x1x16xf32>,
        %mul3A_616 = arith.constant 4 : i32
        %mul3A_617 = arith.muli %scan3A_589, %mul3A_616 : i32
        %add3A_618 = arith.constant 0 : i32
        %add3A_619 = arith.addi %mul3A_617, %add3A_618 : i32
        %get3A_620 = arith.constant 1 : i32
        %get3A_621 = arith.constant 0 : i32
        %get3A_622 = arith.index_cast %get3A_620 : i32 to index
        %get3A_623 = arith.index_cast %get3A_621 : i32 to index
        %get3A_624 = arith.index_cast %add3A_619 : i32 to index
        %get3A_625 = arith.constant 16 : index
        %get3A_626 = tpu.vector_load %arg8[%get3A_622, %get3A_623, %get3A_624, %get3A_625] {strides = array<i32>} : memref<4x2x100x32xf32, #tpu.memory_space<vmem>>, vector<1x1x1x16xf32>,
        %get3A_627 = vector.shape_cast %get3A_626 : vector<1x1x1x16xf32> to vector<16xf32>
        %add3A_628 = arith.constant 0 : i32
        %add3A_629 = arith.addi %add3A_628, %scan3A_589 : i32
        %get3A_630 = arith.index_cast %add3A_629 : i32 to index
        %get3A_631 = arith.constant 16 : index
        %get3A_632 = tpu.vector_load %arg7[%get3A_630, %get3A_631] {strides = array<i32>} : memref<50x128xf32, #tpu.memory_space<vmem>>, vector<1x16xf32>,
        %get3A_633 = vector.shape_cast %get3A_632 : vector<1x16xf32> to vector<16xf32>
        %add3A_634 = arith.addf %get3A_627, %get3A_633 : vector<16xf32>
        %add3A_635 = arith.constant 0 : i32
        %add3A_636 = arith.addi %add3A_635, %scan3A_589 : i32
        %swap3A_637 = arith.constant 1 : i32
        %swap3A_638 = arith.index_cast %swap3A_637 : i32 to index
        %swap3A_639 = arith.index_cast %add3A_636 : i32 to index
        %swap3A_640 = arith.constant 16 : index
        %swap3A_641 = tpu.vector_load %arg9[%swap3A_638, %swap3A_639, %swap3A_640] {strides = array<i32>} : memref<4x50x128xf32, #tpu.memory_space<vmem>>, vector<1x1x16xf32>,
        %swap3A_642 = vector.shape_cast %swap3A_641 : vector<1x1x16xf32> to vector<16xf32>
        %swap3A_643 = vector.shape_cast %add3A_634 : vector<16xf32> to vector<1x1x16xf32>
        tpu.vector_store %arg9[%swap3A_638, %swap3A_639, %swap3A_640], %swap3A_643 {strides = array<i32>} : memref<4x50x128xf32, #tpu.memory_space<vmem>>, vector<1x1x16xf32>,
        %mul3A_644 = arith.constant 4 : i32
        %mul3A_645 = arith.muli %scan3A_589, %mul3A_644 : i32
        %add3A_646 = arith.constant 1 : i32
        %add3A_647 = arith.addi %mul3A_645, %add3A_646 : i32
        %get3A_648 = arith.constant 1 : i32
        %get3A_649 = arith.constant 0 : i32
        %get3A_650 = arith.index_cast %get3A_648 : i32 to index
        %get3A_651 = arith.index_cast %get3A_649 : i32 to index
        %get3A_652 = arith.index_cast %add3A_647 : i32 to index
        %get3A_653 = arith.constant 0 : index
        %get3A_654 = tpu.vector_load %arg8[%get3A_650, %get3A_651, %get3A_652, %get3A_653] {strides = array<i32>} : memref<4x2x100x32xf32, #tpu.memory_space<vmem>>, vector<1x1x1x16xf32>,
        %get3A_655 = vector.shape_cast %get3A_654 : vector<1x1x1x16xf32> to vector<16xf32>
        %add3A_656 = arith.constant 0 : i32
        %add3A_657 = arith.addi %add3A_656, %scan3A_589 : i32
        %get3A_658 = arith.index_cast %add3A_657 : i32 to index
        %get3A_659 = arith.constant 32 : index
        %get3A_660 = tpu.vector_load %arg7[%get3A_658, %get3A_659] {strides = array<i32>} : memref<50x128xf32, #tpu.memory_space<vmem>>, vector<1x16xf32>,
        %get3A_661 = vector.shape_cast %get3A_660 : vector<1x16xf32> to vector<16xf32>
        %add3A_662 = arith.addf %get3A_655, %get3A_661 : vector<16xf32>
        %add3A_663 = arith.constant 0 : i32
        %add3A_664 = arith.addi %add3A_663, %scan3A_589 : i32
        %swap3A_665 = arith.constant 1 : i32
        %swap3A_666 = arith.index_cast %swap3A_665 : i32 to index
        %swap3A_667 = arith.index_cast %add3A_664 : i32 to index
        %swap3A_668 = arith.constant 32 : index
        %swap3A_669 = tpu.vector_load %arg9[%swap3A_666, %swap3A_667, %swap3A_668] {strides = array<i32>} : memref<4x50x128xf32, #tpu.memory_space<vmem>>, vector<1x1x16xf32>,
        %swap3A_670 = vector.shape_cast %swap3A_669 : vector<1x1x16xf32> to vector<16xf32>
        %swap3A_671 = vector.shape_cast %add3A_662 : vector<16xf32> to vector<1x1x16xf32>
        tpu.vector_store %arg9[%swap3A_666, %swap3A_667, %swap3A_668], %swap3A_671 {strides = array<i32>} : memref<4x50x128xf32, #tpu.memory_space<vmem>>, vector<1x1x16xf32>,
        %mul3A_672 = arith.constant 4 : i32
        %mul3A_673 = arith.muli %scan3A_589, %mul3A_672 : i32
        %add3A_674 = arith.constant 1 : i32
        %add3A_675 = arith.addi %mul3A_673, %add3A_674 : i32
        %get3A_676 = arith.constant 1 : i32
        %get3A_677 = arith.constant 0 : i32
        %get3A_678 = arith.index_cast %get3A_676 : i32 to index
        %get3A_679 = arith.index_cast %get3A_677 : i32 to index
        %get3A_680 = arith.index_cast %add3A_675 : i32 to index
        %get3A_681 = arith.constant 16 : index
        %get3A_682 = tpu.vector_load %arg8[%get3A_678, %get3A_679, %get3A_680, %get3A_681] {strides = array<i32>} : memref<4x2x100x32xf32, #tpu.memory_space<vmem>>, vector<1x1x1x16xf32>,
        %get3A_683 = vector.shape_cast %get3A_682 : vector<1x1x1x16xf32> to vector<16xf32>
        %add3A_684 = arith.constant 0 : i32
        %add3A_685 = arith.addi %add3A_684, %scan3A_589 : i32
        %get3A_686 = arith.index_cast %add3A_685 : i32 to index
        %get3A_687 = arith.constant 48 : index
        %get3A_688 = tpu.vector_load %arg7[%get3A_686, %get3A_687] {strides = array<i32>} : memref<50x128xf32, #tpu.memory_space<vmem>>, vector<1x16xf32>,
        %get3A_689 = vector.shape_cast %get3A_688 : vector<1x16xf32> to vector<16xf32>
        %add3A_690 = arith.addf %get3A_683, %get3A_689 : vector<16xf32>
        %add3A_691 = arith.constant 0 : i32
        %add3A_692 = arith.addi %add3A_691, %scan3A_589 : i32
        %swap3A_693 = arith.constant 1 : i32
        %swap3A_694 = arith.index_cast %swap3A_693 : i32 to index
        %swap3A_695 = arith.index_cast %add3A_692 : i32 to index
        %swap3A_696 = arith.constant 48 : index
        %swap3A_697 = tpu.vector_load %arg9[%swap3A_694, %swap3A_695, %swap3A_696] {strides = array<i32>} : memref<4x50x128xf32, #tpu.memory_space<vmem>>, vector<1x1x16xf32>,
        %swap3A_698 = vector.shape_cast %swap3A_697 : vector<1x1x16xf32> to vector<16xf32>
        %swap3A_699 = vector.shape_cast %add3A_690 : vector<16xf32> to vector<1x1x16xf32>
        tpu.vector_store %arg9[%swap3A_694, %swap3A_695, %swap3A_696], %swap3A_699 {strides = array<i32>} : memref<4x50x128xf32, #tpu.memory_space<vmem>>, vector<1x1x16xf32>,
        %mul3A_700 = arith.constant 4 : i32
        %mul3A_701 = arith.muli %scan3A_589, %mul3A_700 : i32
        %add3A_702 = arith.constant 2 : i32
        %add3A_703 = arith.addi %mul3A_701, %add3A_702 : i32
        %get3A_704 = arith.constant 1 : i32
        %get3A_705 = arith.constant 0 : i32
        %get3A_706 = arith.index_cast %get3A_704 : i32 to index
        %get3A_707 = arith.index_cast %get3A_705 : i32 to index
        %get3A_708 = arith.index_cast %add3A_703 : i32 to index
        %get3A_709 = arith.constant 0 : index
        %get3A_710 = tpu.vector_load %arg8[%get3A_706, %get3A_707, %get3A_708, %get3A_709] {strides = array<i32>} : memref<4x2x100x32xf32, #tpu.memory_space<vmem>>, vector<1x1x1x16xf32>,
        %get3A_711 = vector.shape_cast %get3A_710 : vector<1x1x1x16xf32> to vector<16xf32>
        %add3A_712 = arith.constant 0 : i32
        %add3A_713 = arith.addi %add3A_712, %scan3A_589 : i32
        %get3A_714 = arith.index_cast %add3A_713 : i32 to index
        %get3A_715 = arith.constant 64 : index
        %get3A_716 = tpu.vector_load %arg7[%get3A_714, %get3A_715] {strides = array<i32>} : memref<50x128xf32, #tpu.memory_space<vmem>>, vector<1x16xf32>,
        %get3A_717 = vector.shape_cast %get3A_716 : vector<1x16xf32> to vector<16xf32>
        %add3A_718 = arith.addf %get3A_711, %get3A_717 : vector<16xf32>
        %add3A_719 = arith.constant 0 : i32
        %add3A_720 = arith.addi %add3A_719, %scan3A_589 : i32
        %swap3A_721 = arith.constant 1 : i32
        %swap3A_722 = arith.index_cast %swap3A_721 : i32 to index
        %swap3A_723 = arith.index_cast %add3A_720 : i32 to index
        %swap3A_724 = arith.constant 64 : index
        %swap3A_725 = tpu.vector_load %arg9[%swap3A_722, %swap3A_723, %swap3A_724] {strides = array<i32>} : memref<4x50x128xf32, #tpu.memory_space<vmem>>, vector<1x1x16xf32>,
        %swap3A_726 = vector.shape_cast %swap3A_725 : vector<1x1x16xf32> to vector<16xf32>
        %swap3A_727 = vector.shape_cast %add3A_718 : vector<16xf32> to vector<1x1x16xf32>
        tpu.vector_store %arg9[%swap3A_722, %swap3A_723, %swap3A_724], %swap3A_727 {strides = array<i32>} : memref<4x50x128xf32, #tpu.memory_space<vmem>>, vector<1x1x16xf32>,
        %mul3A_728 = arith.constant 4 : i32
        %mul3A_729 = arith.muli %scan3A_589, %mul3A_728 : i32
        %add3A_730 = arith.constant 2 : i32
        %add3A_731 = arith.addi %mul3A_729, %add3A_730 : i32
        %get3A_732 = arith.constant 1 : i32
        %get3A_733 = arith.constant 0 : i32
        %get3A_734 = arith.index_cast %get3A_732 : i32 to index
        %get3A_735 = arith.index_cast %get3A_733 : i32 to index
        %get3A_736 = arith.index_cast %add3A_731 : i32 to index
        %get3A_737 = arith.constant 16 : index
        %get3A_738 = tpu.vector_load %arg8[%get3A_734, %get3A_735, %get3A_736, %get3A_737] {strides = array<i32>} : memref<4x2x100x32xf32, #tpu.memory_space<vmem>>, vector<1x1x1x16xf32>,
        %get3A_739 = vector.shape_cast %get3A_738 : vector<1x1x1x16xf32> to vector<16xf32>
        %add3A_740 = arith.constant 0 : i32
        %add3A_741 = arith.addi %add3A_740, %scan3A_589 : i32
        %get3A_742 = arith.index_cast %add3A_741 : i32 to index
        %get3A_743 = arith.constant 80 : index
        %get3A_744 = tpu.vector_load %arg7[%get3A_742, %get3A_743] {strides = array<i32>} : memref<50x128xf32, #tpu.memory_space<vmem>>, vector<1x16xf32>,
        %get3A_745 = vector.shape_cast %get3A_744 : vector<1x16xf32> to vector<16xf32>
        %add3A_746 = arith.addf %get3A_739, %get3A_745 : vector<16xf32>
        %add3A_747 = arith.constant 0 : i32
        %add3A_748 = arith.addi %add3A_747, %scan3A_589 : i32
        %swap3A_749 = arith.constant 1 : i32
        %swap3A_750 = arith.index_cast %swap3A_749 : i32 to index
        %swap3A_751 = arith.index_cast %add3A_748 : i32 to index
        %swap3A_752 = arith.constant 80 : index
        %swap3A_753 = tpu.vector_load %arg9[%swap3A_750, %swap3A_751, %swap3A_752] {strides = array<i32>} : memref<4x50x128xf32, #tpu.memory_space<vmem>>, vector<1x1x16xf32>,
        %swap3A_754 = vector.shape_cast %swap3A_753 : vector<1x1x16xf32> to vector<16xf32>
        %swap3A_755 = vector.shape_cast %add3A_746 : vector<16xf32> to vector<1x1x16xf32>
        tpu.vector_store %arg9[%swap3A_750, %swap3A_751, %swap3A_752], %swap3A_755 {strides = array<i32>} : memref<4x50x128xf32, #tpu.memory_space<vmem>>, vector<1x1x16xf32>,
        %mul3A_756 = arith.constant 4 : i32
        %mul3A_757 = arith.muli %scan3A_589, %mul3A_756 : i32
        %add3A_758 = arith.constant 3 : i32
        %add3A_759 = arith.addi %mul3A_757, %add3A_758 : i32
        %get3A_760 = arith.constant 1 : i32
        %get3A_761 = arith.constant 0 : i32
        %get3A_762 = arith.index_cast %get3A_760 : i32 to index
        %get3A_763 = arith.index_cast %get3A_761 : i32 to index
        %get3A_764 = arith.index_cast %add3A_759 : i32 to index
        %get3A_765 = arith.constant 0 : index
        %get3A_766 = tpu.vector_load %arg8[%get3A_762, %get3A_763, %get3A_764, %get3A_765] {strides = array<i32>} : memref<4x2x100x32xf32, #tpu.memory_space<vmem>>, vector<1x1x1x16xf32>,
        %get3A_767 = vector.shape_cast %get3A_766 : vector<1x1x1x16xf32> to vector<16xf32>
        %add3A_768 = arith.constant 0 : i32
        %add3A_769 = arith.addi %add3A_768, %scan3A_589 : i32
        %get3A_770 = arith.index_cast %add3A_769 : i32 to index
        %get3A_771 = arith.constant 96 : index
        %get3A_772 = tpu.vector_load %arg7[%get3A_770, %get3A_771] {strides = array<i32>} : memref<50x128xf32, #tpu.memory_space<vmem>>, vector<1x16xf32>,
        %get3A_773 = vector.shape_cast %get3A_772 : vector<1x16xf32> to vector<16xf32>
        %add3A_774 = arith.addf %get3A_767, %get3A_773 : vector<16xf32>
        %add3A_775 = arith.constant 0 : i32
        %add3A_776 = arith.addi %add3A_775, %scan3A_589 : i32
        %swap3A_777 = arith.constant 1 : i32
        %swap3A_778 = arith.index_cast %swap3A_777 : i32 to index
        %swap3A_779 = arith.index_cast %add3A_776 : i32 to index
        %swap3A_780 = arith.constant 96 : index
        %swap3A_781 = tpu.vector_load %arg9[%swap3A_778, %swap3A_779, %swap3A_780] {strides = array<i32>} : memref<4x50x128xf32, #tpu.memory_space<vmem>>, vector<1x1x16xf32>,
        %swap3A_782 = vector.shape_cast %swap3A_781 : vector<1x1x16xf32> to vector<16xf32>
        %swap3A_783 = vector.shape_cast %add3A_774 : vector<16xf32> to vector<1x1x16xf32>
        tpu.vector_store %arg9[%swap3A_778, %swap3A_779, %swap3A_780], %swap3A_783 {strides = array<i32>} : memref<4x50x128xf32, #tpu.memory_space<vmem>>, vector<1x1x16xf32>,
        %mul3A_784 = arith.constant 4 : i32
        %mul3A_785 = arith.muli %scan3A_589, %mul3A_784 : i32
        %add3A_786 = arith.constant 3 : i32
        %add3A_787 = arith.addi %mul3A_785, %add3A_786 : i32
        %get3A_788 = arith.constant 1 : i32
        %get3A_789 = arith.constant 0 : i32
        %get3A_790 = arith.index_cast %get3A_788 : i32 to index
        %get3A_791 = arith.index_cast %get3A_789 : i32 to index
        %get3A_792 = arith.index_cast %add3A_787 : i32 to index
        %get3A_793 = arith.constant 16 : index
        %get3A_794 = tpu.vector_load %arg8[%get3A_790, %get3A_791, %get3A_792, %get3A_793] {strides = array<i32>} : memref<4x2x100x32xf32, #tpu.memory_space<vmem>>, vector<1x1x1x16xf32>,
        %get3A_795 = vector.shape_cast %get3A_794 : vector<1x1x1x16xf32> to vector<16xf32>
        %add3A_796 = arith.constant 0 : i32
        %add3A_797 = arith.addi %add3A_796, %scan3A_589 : i32
        %get3A_798 = arith.index_cast %add3A_797 : i32 to index
        %get3A_799 = arith.constant 112 : index
        %get3A_800 = tpu.vector_load %arg7[%get3A_798, %get3A_799] {strides = array<i32>} : memref<50x128xf32, #tpu.memory_space<vmem>>, vector<1x16xf32>,
        %get3A_801 = vector.shape_cast %get3A_800 : vector<1x16xf32> to vector<16xf32>
        %add3A_802 = arith.addf %get3A_795, %get3A_801 : vector<16xf32>
        %add3A_803 = arith.constant 0 : i32
        %add3A_804 = arith.addi %add3A_803, %scan3A_589 : i32
        %swap3A_805 = arith.constant 1 : i32
        %swap3A_806 = arith.index_cast %swap3A_805 : i32 to index
        %swap3A_807 = arith.index_cast %add3A_804 : i32 to index
        %swap3A_808 = arith.constant 112 : index
        %swap3A_809 = tpu.vector_load %arg9[%swap3A_806, %swap3A_807, %swap3A_808] {strides = array<i32>} : memref<4x50x128xf32, #tpu.memory_space<vmem>>, vector<1x1x16xf32>,
        %swap3A_810 = vector.shape_cast %swap3A_809 : vector<1x1x16xf32> to vector<16xf32>
        %swap3A_811 = vector.shape_cast %add3A_802 : vector<16xf32> to vector<1x1x16xf32>
        tpu.vector_store %arg9[%swap3A_806, %swap3A_807, %swap3A_808], %swap3A_811 {strides = array<i32>} : memref<4x50x128xf32, #tpu.memory_space<vmem>>, vector<1x1x16xf32>,
        %mul3A_812 = arith.constant 4 : i32
        %mul3A_813 = arith.muli %scan3A_589, %mul3A_812 : i32
        %add3A_814 = arith.constant 0 : i32
        %add3A_815 = arith.addi %mul3A_813, %add3A_814 : i32
        %get3A_816 = arith.constant 1 : i32
        %get3A_817 = arith.constant 1 : i32
        %get3A_818 = arith.index_cast %get3A_816 : i32 to index
        %get3A_819 = arith.index_cast %get3A_817 : i32 to index
        %get3A_820 = arith.index_cast %add3A_815 : i32 to index
        %get3A_821 = arith.constant 0 : index
        %get3A_822 = tpu.vector_load %arg8[%get3A_818, %get3A_819, %get3A_820, %get3A_821] {strides = array<i32>} : memref<4x2x100x32xf32, #tpu.memory_space<vmem>>, vector<1x1x1x16xf32>,
        %get3A_823 = vector.shape_cast %get3A_822 : vector<1x1x1x16xf32> to vector<16xf32>
        %add3A_824 = arith.constant 25 : i32
        %add3A_825 = arith.addi %add3A_824, %scan3A_589 : i32
        %get3A_826 = arith.index_cast %add3A_825 : i32 to index
        %get3A_827 = arith.constant 0 : index
        %get3A_828 = tpu.vector_load %arg7[%get3A_826, %get3A_827] {strides = array<i32>} : memref<50x128xf32, #tpu.memory_space<vmem>>, vector<1x16xf32>,
        %get3A_829 = vector.shape_cast %get3A_828 : vector<1x16xf32> to vector<16xf32>
        %add3A_830 = arith.addf %get3A_823, %get3A_829 : vector<16xf32>
        %add3A_831 = arith.constant 25 : i32
        %add3A_832 = arith.addi %add3A_831, %scan3A_589 : i32
        %swap3A_833 = arith.constant 1 : i32
        %swap3A_834 = arith.index_cast %swap3A_833 : i32 to index
        %swap3A_835 = arith.index_cast %add3A_832 : i32 to index
        %swap3A_836 = arith.constant 0 : index
        %swap3A_837 = tpu.vector_load %arg9[%swap3A_834, %swap3A_835, %swap3A_836] {strides = array<i32>} : memref<4x50x128xf32, #tpu.memory_space<vmem>>, vector<1x1x16xf32>,
        %swap3A_838 = vector.shape_cast %swap3A_837 : vector<1x1x16xf32> to vector<16xf32>
        %swap3A_839 = vector.shape_cast %add3A_830 : vector<16xf32> to vector<1x1x16xf32>
        tpu.vector_store %arg9[%swap3A_834, %swap3A_835, %swap3A_836], %swap3A_839 {strides = array<i32>} : memref<4x50x128xf32, #tpu.memory_space<vmem>>, vector<1x1x16xf32>,
        %mul3A_840 = arith.constant 4 : i32
        %mul3A_841 = arith.muli %scan3A_589, %mul3A_840 : i32
        %add3A_842 = arith.constant 0 : i32
        %add3A_843 = arith.addi %mul3A_841, %add3A_842 : i32
        %get3A_844 = arith.constant 1 : i32
        %get3A_845 = arith.constant 1 : i32
        %get3A_846 = arith.index_cast %get3A_844 : i32 to index
        %get3A_847 = arith.index_cast %get3A_845 : i32 to index
        %get3A_848 = arith.index_cast %add3A_843 : i32 to index
        %get3A_849 = arith.constant 16 : index
        %get3A_850 = tpu.vector_load %arg8[%get3A_846, %get3A_847, %get3A_848, %get3A_849] {strides = array<i32>} : memref<4x2x100x32xf32, #tpu.memory_space<vmem>>, vector<1x1x1x16xf32>,
        %get3A_851 = vector.shape_cast %get3A_850 : vector<1x1x1x16xf32> to vector<16xf32>
        %add3A_852 = arith.constant 25 : i32
        %add3A_853 = arith.addi %add3A_852, %scan3A_589 : i32
        %get3A_854 = arith.index_cast %add3A_853 : i32 to index
        %get3A_855 = arith.constant 16 : index
        %get3A_856 = tpu.vector_load %arg7[%get3A_854, %get3A_855] {strides = array<i32>} : memref<50x128xf32, #tpu.memory_space<vmem>>, vector<1x16xf32>,
        %get3A_857 = vector.shape_cast %get3A_856 : vector<1x16xf32> to vector<16xf32>
        %add3A_858 = arith.addf %get3A_851, %get3A_857 : vector<16xf32>
        %add3A_859 = arith.constant 25 : i32
        %add3A_860 = arith.addi %add3A_859, %scan3A_589 : i32
        %swap3A_861 = arith.constant 1 : i32
        %swap3A_862 = arith.index_cast %swap3A_861 : i32 to index
        %swap3A_863 = arith.index_cast %add3A_860 : i32 to index
        %swap3A_864 = arith.constant 16 : index
        %swap3A_865 = tpu.vector_load %arg9[%swap3A_862, %swap3A_863, %swap3A_864] {strides = array<i32>} : memref<4x50x128xf32, #tpu.memory_space<vmem>>, vector<1x1x16xf32>,
        %swap3A_866 = vector.shape_cast %swap3A_865 : vector<1x1x16xf32> to vector<16xf32>
        %swap3A_867 = vector.shape_cast %add3A_858 : vector<16xf32> to vector<1x1x16xf32>
        tpu.vector_store %arg9[%swap3A_862, %swap3A_863, %swap3A_864], %swap3A_867 {strides = array<i32>} : memref<4x50x128xf32, #tpu.memory_space<vmem>>, vector<1x1x16xf32>,
        %mul3A_868 = arith.constant 4 : i32
        %mul3A_869 = arith.muli %scan3A_589, %mul3A_868 : i32
        %add3A_870 = arith.constant 1 : i32
        %add3A_871 = arith.addi %mul3A_869, %add3A_870 : i32
        %get3A_872 = arith.constant 1 : i32
        %get3A_873 = arith.constant 1 : i32
        %get3A_874 = arith.index_cast %get3A_872 : i32 to index
        %get3A_875 = arith.index_cast %get3A_873 : i32 to index
        %get3A_876 = arith.index_cast %add3A_871 : i32 to index
        %get3A_877 = arith.constant 0 : index
        %get3A_878 = tpu.vector_load %arg8[%get3A_874, %get3A_875, %get3A_876, %get3A_877] {strides = array<i32>} : memref<4x2x100x32xf32, #tpu.memory_space<vmem>>, vector<1x1x1x16xf32>,
        %get3A_879 = vector.shape_cast %get3A_878 : vector<1x1x1x16xf32> to vector<16xf32>
        %add3A_880 = arith.constant 25 : i32
        %add3A_881 = arith.addi %add3A_880, %scan3A_589 : i32
        %get3A_882 = arith.index_cast %add3A_881 : i32 to index
        %get3A_883 = arith.constant 32 : index
        %get3A_884 = tpu.vector_load %arg7[%get3A_882, %get3A_883] {strides = array<i32>} : memref<50x128xf32, #tpu.memory_space<vmem>>, vector<1x16xf32>,
        %get3A_885 = vector.shape_cast %get3A_884 : vector<1x16xf32> to vector<16xf32>
        %add3A_886 = arith.addf %get3A_879, %get3A_885 : vector<16xf32>
        %add3A_887 = arith.constant 25 : i32
        %add3A_888 = arith.addi %add3A_887, %scan3A_589 : i32
        %swap3A_889 = arith.constant 1 : i32
        %swap3A_890 = arith.index_cast %swap3A_889 : i32 to index
        %swap3A_891 = arith.index_cast %add3A_888 : i32 to index
        %swap3A_892 = arith.constant 32 : index
        %swap3A_893 = tpu.vector_load %arg9[%swap3A_890, %swap3A_891, %swap3A_892] {strides = array<i32>} : memref<4x50x128xf32, #tpu.memory_space<vmem>>, vector<1x1x16xf32>,
        %swap3A_894 = vector.shape_cast %swap3A_893 : vector<1x1x16xf32> to vector<16xf32>
        %swap3A_895 = vector.shape_cast %add3A_886 : vector<16xf32> to vector<1x1x16xf32>
        tpu.vector_store %arg9[%swap3A_890, %swap3A_891, %swap3A_892], %swap3A_895 {strides = array<i32>} : memref<4x50x128xf32, #tpu.memory_space<vmem>>, vector<1x1x16xf32>,
        %mul3A_896 = arith.constant 4 : i32
        %mul3A_897 = arith.muli %scan3A_589, %mul3A_896 : i32
        %add3A_898 = arith.constant 1 : i32
        %add3A_899 = arith.addi %mul3A_897, %add3A_898 : i32
        %get3A_900 = arith.constant 1 : i32
        %get3A_901 = arith.constant 1 : i32
        %get3A_902 = arith.index_cast %get3A_900 : i32 to index
        %get3A_903 = arith.index_cast %get3A_901 : i32 to index
        %get3A_904 = arith.index_cast %add3A_899 : i32 to index
        %get3A_905 = arith.constant 16 : index
        %get3A_906 = tpu.vector_load %arg8[%get3A_902, %get3A_903, %get3A_904, %get3A_905] {strides = array<i32>} : memref<4x2x100x32xf32, #tpu.memory_space<vmem>>, vector<1x1x1x16xf32>,
        %get3A_907 = vector.shape_cast %get3A_906 : vector<1x1x1x16xf32> to vector<16xf32>
        %add3A_908 = arith.constant 25 : i32
        %add3A_909 = arith.addi %add3A_908, %scan3A_589 : i32
        %get3A_910 = arith.index_cast %add3A_909 : i32 to index
        %get3A_911 = arith.constant 48 : index
        %get3A_912 = tpu.vector_load %arg7[%get3A_910, %get3A_911] {strides = array<i32>} : memref<50x128xf32, #tpu.memory_space<vmem>>, vector<1x16xf32>,
        %get3A_913 = vector.shape_cast %get3A_912 : vector<1x16xf32> to vector<16xf32>
        %add3A_914 = arith.addf %get3A_907, %get3A_913 : vector<16xf32>
        %add3A_915 = arith.constant 25 : i32
        %add3A_916 = arith.addi %add3A_915, %scan3A_589 : i32
        %swap3A_917 = arith.constant 1 : i32
        %swap3A_918 = arith.index_cast %swap3A_917 : i32 to index
        %swap3A_919 = arith.index_cast %add3A_916 : i32 to index
        %swap3A_920 = arith.constant 48 : index
        %swap3A_921 = tpu.vector_load %arg9[%swap3A_918, %swap3A_919, %swap3A_920] {strides = array<i32>} : memref<4x50x128xf32, #tpu.memory_space<vmem>>, vector<1x1x16xf32>,
        %swap3A_922 = vector.shape_cast %swap3A_921 : vector<1x1x16xf32> to vector<16xf32>
        %swap3A_923 = vector.shape_cast %add3A_914 : vector<16xf32> to vector<1x1x16xf32>
        tpu.vector_store %arg9[%swap3A_918, %swap3A_919, %swap3A_920], %swap3A_923 {strides = array<i32>} : memref<4x50x128xf32, #tpu.memory_space<vmem>>, vector<1x1x16xf32>,
        %mul3A_924 = arith.constant 4 : i32
        %mul3A_925 = arith.muli %scan3A_589, %mul3A_924 : i32
        %add3A_926 = arith.constant 2 : i32
        %add3A_927 = arith.addi %mul3A_925, %add3A_926 : i32
        %get3A_928 = arith.constant 1 : i32
        %get3A_929 = arith.constant 1 : i32
        %get3A_930 = arith.index_cast %get3A_928 : i32 to index
        %get3A_931 = arith.index_cast %get3A_929 : i32 to index
        %get3A_932 = arith.index_cast %add3A_927 : i32 to index
        %get3A_933 = arith.constant 0 : index
        %get3A_934 = tpu.vector_load %arg8[%get3A_930, %get3A_931, %get3A_932, %get3A_933] {strides = array<i32>} : memref<4x2x100x32xf32, #tpu.memory_space<vmem>>, vector<1x1x1x16xf32>,
        %get3A_935 = vector.shape_cast %get3A_934 : vector<1x1x1x16xf32> to vector<16xf32>
        %add3A_936 = arith.constant 25 : i32
        %add3A_937 = arith.addi %add3A_936, %scan3A_589 : i32
        %get3A_938 = arith.index_cast %add3A_937 : i32 to index
        %get3A_939 = arith.constant 64 : index
        %get3A_940 = tpu.vector_load %arg7[%get3A_938, %get3A_939] {strides = array<i32>} : memref<50x128xf32, #tpu.memory_space<vmem>>, vector<1x16xf32>,
        %get3A_941 = vector.shape_cast %get3A_940 : vector<1x16xf32> to vector<16xf32>
        %add3A_942 = arith.addf %get3A_935, %get3A_941 : vector<16xf32>
        %add3A_943 = arith.constant 25 : i32
        %add3A_944 = arith.addi %add3A_943, %scan3A_589 : i32
        %swap3A_945 = arith.constant 1 : i32
        %swap3A_946 = arith.index_cast %swap3A_945 : i32 to index
        %swap3A_947 = arith.index_cast %add3A_944 : i32 to index
        %swap3A_948 = arith.constant 64 : index
        %swap3A_949 = tpu.vector_load %arg9[%swap3A_946, %swap3A_947, %swap3A_948] {strides = array<i32>} : memref<4x50x128xf32, #tpu.memory_space<vmem>>, vector<1x1x16xf32>,
        %swap3A_950 = vector.shape_cast %swap3A_949 : vector<1x1x16xf32> to vector<16xf32>
        %swap3A_951 = vector.shape_cast %add3A_942 : vector<16xf32> to vector<1x1x16xf32>
        tpu.vector_store %arg9[%swap3A_946, %swap3A_947, %swap3A_948], %swap3A_951 {strides = array<i32>} : memref<4x50x128xf32, #tpu.memory_space<vmem>>, vector<1x1x16xf32>,
        %mul3A_952 = arith.constant 4 : i32
        %mul3A_953 = arith.muli %scan3A_589, %mul3A_952 : i32
        %add3A_954 = arith.constant 2 : i32
        %add3A_955 = arith.addi %mul3A_953, %add3A_954 : i32
        %get3A_956 = arith.constant 1 : i32
        %get3A_957 = arith.constant 1 : i32
        %get3A_958 = arith.index_cast %get3A_956 : i32 to index
        %get3A_959 = arith.index_cast %get3A_957 : i32 to index
        %get3A_960 = arith.index_cast %add3A_955 : i32 to index
        %get3A_961 = arith.constant 16 : index
        %get3A_962 = tpu.vector_load %arg8[%get3A_958, %get3A_959, %get3A_960, %get3A_961] {strides = array<i32>} : memref<4x2x100x32xf32, #tpu.memory_space<vmem>>, vector<1x1x1x16xf32>,
        %get3A_963 = vector.shape_cast %get3A_962 : vector<1x1x1x16xf32> to vector<16xf32>
        %add3A_964 = arith.constant 25 : i32
        %add3A_965 = arith.addi %add3A_964, %scan3A_589 : i32
        %get3A_966 = arith.index_cast %add3A_965 : i32 to index
        %get3A_967 = arith.constant 80 : index
        %get3A_968 = tpu.vector_load %arg7[%get3A_966, %get3A_967] {strides = array<i32>} : memref<50x128xf32, #tpu.memory_space<vmem>>, vector<1x16xf32>,
        %get3A_969 = vector.shape_cast %get3A_968 : vector<1x16xf32> to vector<16xf32>
        %add3A_970 = arith.addf %get3A_963, %get3A_969 : vector<16xf32>
        %add3A_971 = arith.constant 25 : i32
        %add3A_972 = arith.addi %add3A_971, %scan3A_589 : i32
        %swap3A_973 = arith.constant 1 : i32
        %swap3A_974 = arith.index_cast %swap3A_973 : i32 to index
        %swap3A_975 = arith.index_cast %add3A_972 : i32 to index
        %swap3A_976 = arith.constant 80 : index
        %swap3A_977 = tpu.vector_load %arg9[%swap3A_974, %swap3A_975, %swap3A_976] {strides = array<i32>} : memref<4x50x128xf32, #tpu.memory_space<vmem>>, vector<1x1x16xf32>,
        %swap3A_978 = vector.shape_cast %swap3A_977 : vector<1x1x16xf32> to vector<16xf32>
        %swap3A_979 = vector.shape_cast %add3A_970 : vector<16xf32> to vector<1x1x16xf32>
        tpu.vector_store %arg9[%swap3A_974, %swap3A_975, %swap3A_976], %swap3A_979 {strides = array<i32>} : memref<4x50x128xf32, #tpu.memory_space<vmem>>, vector<1x1x16xf32>,
        %mul3A_980 = arith.constant 4 : i32
        %mul3A_981 = arith.muli %scan3A_589, %mul3A_980 : i32
        %add3A_982 = arith.constant 3 : i32
        %add3A_983 = arith.addi %mul3A_981, %add3A_982 : i32
        %get3A_984 = arith.constant 1 : i32
        %get3A_985 = arith.constant 1 : i32
        %get3A_986 = arith.index_cast %get3A_984 : i32 to index
        %get3A_987 = arith.index_cast %get3A_985 : i32 to index
        %get3A_988 = arith.index_cast %add3A_983 : i32 to index
        %get3A_989 = arith.constant 0 : index
        %get3A_990 = tpu.vector_load %arg8[%get3A_986, %get3A_987, %get3A_988, %get3A_989] {strides = array<i32>} : memref<4x2x100x32xf32, #tpu.memory_space<vmem>>, vector<1x1x1x16xf32>,
        %get3A_991 = vector.shape_cast %get3A_990 : vector<1x1x1x16xf32> to vector<16xf32>
        %add3A_992 = arith.constant 25 : i32
        %add3A_993 = arith.addi %add3A_992, %scan3A_589 : i32
        %get3A_994 = arith.index_cast %add3A_993 : i32 to index
        %get3A_995 = arith.constant 96 : index
        %get3A_996 = tpu.vector_load %arg7[%get3A_994, %get3A_995] {strides = array<i32>} : memref<50x128xf32, #tpu.memory_space<vmem>>, vector<1x16xf32>,
        %get3A_997 = vector.shape_cast %get3A_996 : vector<1x16xf32> to vector<16xf32>
        %add3A_998 = arith.addf %get3A_991, %get3A_997 : vector<16xf32>
        %add3A_999 = arith.constant 25 : i32
        %add3A_1000 = arith.addi %add3A_999, %scan3A_589 : i32
        %swap3A_1001 = arith.constant 1 : i32
        %swap3A_1002 = arith.index_cast %swap3A_1001 : i32 to index
        %swap3A_1003 = arith.index_cast %add3A_1000 : i32 to index
        %swap3A_1004 = arith.constant 96 : index
        %swap3A_1005 = tpu.vector_load %arg9[%swap3A_1002, %swap3A_1003, %swap3A_1004] {strides = array<i32>} : memref<4x50x128xf32, #tpu.memory_space<vmem>>, vector<1x1x16xf32>,
        %swap3A_1006 = vector.shape_cast %swap3A_1005 : vector<1x1x16xf32> to vector<16xf32>
        %swap3A_1007 = vector.shape_cast %add3A_998 : vector<16xf32> to vector<1x1x16xf32>
        tpu.vector_store %arg9[%swap3A_1002, %swap3A_1003, %swap3A_1004], %swap3A_1007 {strides = array<i32>} : memref<4x50x128xf32, #tpu.memory_space<vmem>>, vector<1x1x16xf32>,
        %mul3A_1008 = arith.constant 4 : i32
        %mul3A_1009 = arith.muli %scan3A_589, %mul3A_1008 : i32
        %add3A_1010 = arith.constant 3 : i32
        %add3A_1011 = arith.addi %mul3A_1009, %add3A_1010 : i32
        %get3A_1012 = arith.constant 1 : i32
        %get3A_1013 = arith.constant 1 : i32
        %get3A_1014 = arith.index_cast %get3A_1012 : i32 to index
        %get3A_1015 = arith.index_cast %get3A_1013 : i32 to index
        %get3A_1016 = arith.index_cast %add3A_1011 : i32 to index
        %get3A_1017 = arith.constant 16 : index
        %get3A_1018 = tpu.vector_load %arg8[%get3A_1014, %get3A_1015, %get3A_1016, %get3A_1017] {strides = array<i32>} : memref<4x2x100x32xf32, #tpu.memory_space<vmem>>, vector<1x1x1x16xf32>,
        %get3A_1019 = vector.shape_cast %get3A_1018 : vector<1x1x1x16xf32> to vector<16xf32>
        %add3A_1020 = arith.constant 25 : i32
        %add3A_1021 = arith.addi %add3A_1020, %scan3A_589 : i32
        %get3A_1022 = arith.index_cast %add3A_1021 : i32 to index
        %get3A_1023 = arith.constant 112 : index
        %get3A_1024 = tpu.vector_load %arg7[%get3A_1022, %get3A_1023] {strides = array<i32>} : memref<50x128xf32, #tpu.memory_space<vmem>>, vector<1x16xf32>,
        %get3A_1025 = vector.shape_cast %get3A_1024 : vector<1x16xf32> to vector<16xf32>
        %add3A_1026 = arith.addf %get3A_1019, %get3A_1025 : vector<16xf32>
        %add3A_1027 = arith.constant 25 : i32
        %add3A_1028 = arith.addi %add3A_1027, %scan3A_589 : i32
        %swap3A_1029 = arith.constant 1 : i32
        %swap3A_1030 = arith.index_cast %swap3A_1029 : i32 to index
        %swap3A_1031 = arith.index_cast %add3A_1028 : i32 to index
        %swap3A_1032 = arith.constant 112 : index
        %swap3A_1033 = tpu.vector_load %arg9[%swap3A_1030, %swap3A_1031, %swap3A_1032] {strides = array<i32>} : memref<4x50x128xf32, #tpu.memory_space<vmem>>, vector<1x1x16xf32>,
        %swap3A_1034 = vector.shape_cast %swap3A_1033 : vector<1x1x16xf32> to vector<16xf32>
        %swap3A_1035 = vector.shape_cast %add3A_1026 : vector<16xf32> to vector<1x1x16xf32>
        tpu.vector_store %arg9[%swap3A_1030, %swap3A_1031, %swap3A_1032], %swap3A_1035 {strides = array<i32>} : memref<4x50x128xf32, #tpu.memory_space<vmem>>, vector<1x1x16xf32>,
      }
      %scan3A_401 = arith.constant 25 : i32
      %mul3A_402 = arith.constant 128 : i32
      %mul3A_403 = arith.muli %add3A, %mul3A_402 : i32
      %add3A_404 = arith.addi %mul3A_403, %add3A_346 : i32
      %mul3A_405 = arith.constant 50 : i32
      %mul3A_406 = arith.muli %add3A_404, %mul3A_405 : i32
      %dma_start3A_407 = arith.constant 1 : i32
      %dma_start3A_408 = arith.constant 0 : i32
      %dma_start3A_409 = arith.constant 0 : i32
      %dma_start3A_410 = tpu.memref_slice %arg9[%dma_start3A_407, %dma_start3A_408, %dma_start3A_409] : memref<4x50x128xf32, #tpu.memory_space<vmem>> -> memref<1x50x128xf32, #tpu.memory_space<vmem>>
      %dma_start3A_411 = tpu.memref_squeeze %dma_start3A_410 : memref<1x50x128xf32, #tpu.memory_space<vmem>> -> memref<50x128xf32, #tpu.memory_space<vmem>>
      %dma_start3A_412 = arith.constant 0 : i32
      %dma_start3A_413 = tpu.memref_slice %arg5[%mul3A_406, %dma_start3A_412] : memref<204800x128xf32, #tpu.memory_space<hbm>> -> memref<50x128xf32, #tpu.memory_space<hbm>>
      %dma_start3A_414 = arith.constant 0 : i32
      %dma_start3A_415 = tpu.memref_slice %arg5[%mul3A_406, %dma_start3A_414] : memref<204800x128xf32, #tpu.memory_space<hbm>> -> memref<50x128xf32, #tpu.memory_space<hbm>>
      %dma_start3A_416 = arith.constant 0 : i32
      %dma_start3A_417 = arith.constant 0 : i32
      %dma_start3A_418 = tpu.memref_slice %arg9[%dma_start3A_407, %dma_start3A_416, %dma_start3A_417] : memref<4x50x128xf32, #tpu.memory_space<vmem>> -> memref<1x50x128xf32, #tpu.memory_space<vmem>>
      %dma_start3A_419 = tpu.memref_squeeze %dma_start3A_418 : memref<1x50x128xf32, #tpu.memory_space<vmem>> -> memref<50x128xf32, #tpu.memory_space<vmem>>
      tpu.enqueue_dma source(%dma_start3A_419 : memref<50x128xf32, #tpu.memory_space<vmem>>) target(%dma_start3A_415 : memref<50x128xf32, #tpu.memory_space<hbm>>) target_semaphore(%arg15 : memref<!tpu.dma_semaphore, #tpu.memory_space<semaphore_mem>>)
      %lt3A_420 = arith.constant 31 : i32
      %lt3A_421 = arith.cmpi slt, %scan3A_264, %lt3A_420 : i32
      %convert_element_type3A_422 = arith.extui %lt3A_421 : i1 to i32
      %cond3A_423 = arith.constant 0 : i32
      %cond3A_424 = arith.cmpi ne, %convert_element_type3A_422, %cond3A_423 : i32
      scf.if %cond3A_424 {
        %add3A_589 = arith.constant 4 : i32
        %add3A_590 = arith.addi %add3A_346, %add3A_589 : i32
        %dma_start3A_591 = arith.constant 0 : i32
        %dma_start3A_592 = arith.constant 1 : i32
        %dma_start3A_593 = arith.constant 0 : i32
        %dma_start3A_594 = arith.constant 0 : i32
        %dma_start3A_595 = arith.constant 0 : i32
        %dma_start3A_596 = arith.constant 0 : i32
        %dma_start3A_597 = tpu.memref_slice %arg8[%dma_start3A_592, %dma_start3A_594, %dma_start3A_595, %dma_start3A_596] : memref<4x2x100x32xf32, #tpu.memory_space<vmem>> -> memref<1x2x100x32xf32, #tpu.memory_space<vmem>>
        %dma_start3A_598 = tpu.memref_squeeze %dma_start3A_597 : memref<1x2x100x32xf32, #tpu.memory_space<vmem>> -> memref<2x100x32xf32, #tpu.memory_space<vmem>>
        %dma_start3A_599 = arith.constant 0 : i32
        %dma_start3A_600 = arith.constant 0 : i32
        %dma_start3A_601 = tpu.memref_slice %dma_start3A_598[%dma_start3A_593, %dma_start3A_599, %dma_start3A_600] : memref<2x100x32xf32, #tpu.memory_space<vmem>> -> memref<1x100x32xf32, #tpu.memory_space<vmem>>
        %dma_start3A_602 = tpu.memref_squeeze %dma_start3A_601 : memref<1x100x32xf32, #tpu.memory_space<vmem>> -> memref<100x32xf32, #tpu.memory_space<vmem>>
        %dma_start3A_603 = arith.constant 0 : i32
        %dma_start3A_604 = arith.constant 0 : i32
        %dma_start3A_605 = tpu.memref_slice %arg6[%add3A_590, %dma_start3A_603, %dma_start3A_604] : memref<128x2x100xi32, #tpu.memory_space<vmem>> -> memref<1x2x100xi32, #tpu.memory_space<vmem>>
        %dma_start3A_606 = tpu.memref_squeeze %dma_start3A_605 : memref<1x2x100xi32, #tpu.memory_space<vmem>> -> memref<2x100xi32, #tpu.memory_space<vmem>>
        %dma_start3A_607 = arith.constant 0 : i32
        %dma_start3A_608 = tpu.memref_slice %dma_start3A_606[%dma_start3A_591, %dma_start3A_607] : memref<2x100xi32, #tpu.memory_space<vmem>> -> memref<1x100xi32, #tpu.memory_space<vmem>>
        %dma_start3A_609 = tpu.memref_squeeze %dma_start3A_608 : memref<1x100xi32, #tpu.memory_space<vmem>> -> memref<100xi32, #tpu.memory_space<vmem>>
        %dma_start3A_610 = arith.constant 0 : i32
        %dma_start3A_611 = arith.constant 0 : i32
        %dma_start3A_612 = tpu.memref_slice %arg3[%dma_start3A_610, %dma_start3A_611] : memref<1000000x32xf32, #tpu.memory_space<hbm>> -> memref<1000000x32xf32, #tpu.memory_space<hbm>>
        tpu.enqueue_indirect_dma source(%dma_start3A_612 : memref<1000000x32xf32, #tpu.memory_space<hbm>>) target(%dma_start3A_602 : memref<100x32xf32, #tpu.memory_space<vmem>>) offsets(%dma_start3A_609 : memref<100xi32, #tpu.memory_space<vmem>>) semaphore(%arg11 : memref<!tpu.dma_semaphore, #tpu.memory_space<semaphore_mem>>)
        %dma_start3A_613 = arith.constant 1 : i32
        %dma_start3A_614 = arith.constant 1 : i32
        %dma_start3A_615 = arith.constant 1 : i32
        %dma_start3A_616 = arith.constant 0 : i32
        %dma_start3A_617 = arith.constant 0 : i32
        %dma_start3A_618 = arith.constant 0 : i32
        %dma_start3A_619 = tpu.memref_slice %arg8[%dma_start3A_614, %dma_start3A_616, %dma_start3A_617, %dma_start3A_618] : memref<4x2x100x32xf32, #tpu.memory_space<vmem>> -> memref<1x2x100x32xf32, #tpu.memory_space<vmem>>
        %dma_start3A_620 = tpu.memref_squeeze %dma_start3A_619 : memref<1x2x100x32xf32, #tpu.memory_space<vmem>> -> memref<2x100x32xf32, #tpu.memory_space<vmem>>
        %dma_start3A_621 = arith.constant 0 : i32
        %dma_start3A_622 = arith.constant 0 : i32
        %dma_start3A_623 = tpu.memref_slice %dma_start3A_620[%dma_start3A_615, %dma_start3A_621, %dma_start3A_622] : memref<2x100x32xf32, #tpu.memory_space<vmem>> -> memref<1x100x32xf32, #tpu.memory_space<vmem>>
        %dma_start3A_624 = tpu.memref_squeeze %dma_start3A_623 : memref<1x100x32xf32, #tpu.memory_space<vmem>> -> memref<100x32xf32, #tpu.memory_space<vmem>>
        %dma_start3A_625 = arith.constant 0 : i32
        %dma_start3A_626 = arith.constant 0 : i32
        %dma_start3A_627 = tpu.memref_slice %arg6[%add3A_590, %dma_start3A_625, %dma_start3A_626] : memref<128x2x100xi32, #tpu.memory_space<vmem>> -> memref<1x2x100xi32, #tpu.memory_space<vmem>>
        %dma_start3A_628 = tpu.memref_squeeze %dma_start3A_627 : memref<1x2x100xi32, #tpu.memory_space<vmem>> -> memref<2x100xi32, #tpu.memory_space<vmem>>
        %dma_start3A_629 = arith.constant 0 : i32
        %dma_start3A_630 = tpu.memref_slice %dma_start3A_628[%dma_start3A_613, %dma_start3A_629] : memref<2x100xi32, #tpu.memory_space<vmem>> -> memref<1x100xi32, #tpu.memory_space<vmem>>
        %dma_start3A_631 = tpu.memref_squeeze %dma_start3A_630 : memref<1x100xi32, #tpu.memory_space<vmem>> -> memref<100xi32, #tpu.memory_space<vmem>>
        %dma_start3A_632 = arith.constant 0 : i32
        %dma_start3A_633 = arith.constant 0 : i32
        %dma_start3A_634 = tpu.memref_slice %arg3[%dma_start3A_632, %dma_start3A_633] : memref<1000000x32xf32, #tpu.memory_space<hbm>> -> memref<1000000x32xf32, #tpu.memory_space<hbm>>
        tpu.enqueue_indirect_dma source(%dma_start3A_634 : memref<1000000x32xf32, #tpu.memory_space<hbm>>) target(%dma_start3A_624 : memref<100x32xf32, #tpu.memory_space<vmem>>) offsets(%dma_start3A_631 : memref<100xi32, #tpu.memory_space<vmem>>) semaphore(%arg11 : memref<!tpu.dma_semaphore, #tpu.memory_space<semaphore_mem>>)
      } else {
      }
      %mul3A_425 = arith.constant 4 : i32
      %mul3A_426 = arith.muli %scan3A_264, %mul3A_425 : i32
      %add3A_427 = arith.constant 2 : i32
      %add3A_428 = arith.addi %mul3A_426, %add3A_427 : i32
      %dma_wait3A_429 = arith.constant 0 : i32
      %dma_wait3A_430 = arith.constant 2 : i32
      %dma_wait3A_431 = arith.constant 0 : i32
      %dma_wait3A_432 = arith.constant 0 : i32
      %dma_wait3A_433 = arith.constant 0 : i32
      %dma_wait3A_434 = arith.constant 0 : i32
      %dma_wait3A_435 = tpu.memref_slice %arg8[%dma_wait3A_430, %dma_wait3A_432, %dma_wait3A_433, %dma_wait3A_434] : memref<4x2x100x32xf32, #tpu.memory_space<vmem>> -> memref<1x2x100x32xf32, #tpu.memory_space<vmem>>
      %dma_wait3A_436 = tpu.memref_squeeze %dma_wait3A_435 : memref<1x2x100x32xf32, #tpu.memory_space<vmem>> -> memref<2x100x32xf32, #tpu.memory_space<vmem>>
      %dma_wait3A_437 = arith.constant 0 : i32
      %dma_wait3A_438 = arith.constant 0 : i32
      %dma_wait3A_439 = tpu.memref_slice %dma_wait3A_436[%dma_wait3A_431, %dma_wait3A_437, %dma_wait3A_438] : memref<2x100x32xf32, #tpu.memory_space<vmem>> -> memref<1x100x32xf32, #tpu.memory_space<vmem>>
      %dma_wait3A_440 = tpu.memref_squeeze %dma_wait3A_439 : memref<1x100x32xf32, #tpu.memory_space<vmem>> -> memref<100x32xf32, #tpu.memory_space<vmem>>
      %dma_wait3A_441 = arith.constant 0 : i32
      %dma_wait3A_442 = arith.constant 0 : i32
      %dma_wait3A_443 = tpu.memref_slice %arg6[%add3A_428, %dma_wait3A_441, %dma_wait3A_442] : memref<128x2x100xi32, #tpu.memory_space<vmem>> -> memref<1x2x100xi32, #tpu.memory_space<vmem>>
      %dma_wait3A_444 = tpu.memref_squeeze %dma_wait3A_443 : memref<1x2x100xi32, #tpu.memory_space<vmem>> -> memref<2x100xi32, #tpu.memory_space<vmem>>
      %dma_wait3A_445 = arith.constant 0 : i32
      %dma_wait3A_446 = tpu.memref_slice %dma_wait3A_444[%dma_wait3A_429, %dma_wait3A_445] : memref<2x100xi32, #tpu.memory_space<vmem>> -> memref<1x100xi32, #tpu.memory_space<vmem>>
      %dma_wait3A_447 = tpu.memref_squeeze %dma_wait3A_446 : memref<1x100xi32, #tpu.memory_space<vmem>> -> memref<100xi32, #tpu.memory_space<vmem>>
      %dma_wait3A_448 = arith.constant 0 : i32
      %dma_wait3A_449 = arith.constant 0 : i32
      %dma_wait3A_450 = tpu.memref_slice %arg3[%dma_wait3A_448, %dma_wait3A_449] : memref<1000000x32xf32, #tpu.memory_space<hbm>> -> memref<1000000x32xf32, #tpu.memory_space<hbm>>
      tpu.wait_indirect_dma semaphore(%arg12 : memref<!tpu.dma_semaphore, #tpu.memory_space<semaphore_mem>>) src(%dma_wait3A_450 : memref<1000000x32xf32, #tpu.memory_space<hbm>>) dst(%dma_wait3A_440 : memref<100x32xf32, #tpu.memory_space<vmem>>)
      %dma_wait3A_451 = arith.constant 1 : i32
      %dma_wait3A_452 = arith.constant 2 : i32
      %dma_wait3A_453 = arith.constant 1 : i32
      %dma_wait3A_454 = arith.constant 0 : i32
      %dma_wait3A_455 = arith.constant 0 : i32
      %dma_wait3A_456 = arith.constant 0 : i32
      %dma_wait3A_457 = tpu.memref_slice %arg8[%dma_wait3A_452, %dma_wait3A_454, %dma_wait3A_455, %dma_wait3A_456] : memref<4x2x100x32xf32, #tpu.memory_space<vmem>> -> memref<1x2x100x32xf32, #tpu.memory_space<vmem>>
      %dma_wait3A_458 = tpu.memref_squeeze %dma_wait3A_457 : memref<1x2x100x32xf32, #tpu.memory_space<vmem>> -> memref<2x100x32xf32, #tpu.memory_space<vmem>>
      %dma_wait3A_459 = arith.constant 0 : i32
      %dma_wait3A_460 = arith.constant 0 : i32
      %dma_wait3A_461 = tpu.memref_slice %dma_wait3A_458[%dma_wait3A_453, %dma_wait3A_459, %dma_wait3A_460] : memref<2x100x32xf32, #tpu.memory_space<vmem>> -> memref<1x100x32xf32, #tpu.memory_space<vmem>>
      %dma_wait3A_462 = tpu.memref_squeeze %dma_wait3A_461 : memref<1x100x32xf32, #tpu.memory_space<vmem>> -> memref<100x32xf32, #tpu.memory_space<vmem>>
      %dma_wait3A_463 = arith.constant 0 : i32
      %dma_wait3A_464 = arith.constant 0 : i32
      %dma_wait3A_465 = tpu.memref_slice %arg6[%add3A_428, %dma_wait3A_463, %dma_wait3A_464] : memref<128x2x100xi32, #tpu.memory_space<vmem>> -> memref<1x2x100xi32, #tpu.memory_space<vmem>>
      %dma_wait3A_466 = tpu.memref_squeeze %dma_wait3A_465 : memref<1x2x100xi32, #tpu.memory_space<vmem>> -> memref<2x100xi32, #tpu.memory_space<vmem>>
      %dma_wait3A_467 = arith.constant 0 : i32
      %dma_wait3A_468 = tpu.memref_slice %dma_wait3A_466[%dma_wait3A_451, %dma_wait3A_467] : memref<2x100xi32, #tpu.memory_space<vmem>> -> memref<1x100xi32, #tpu.memory_space<vmem>>
      %dma_wait3A_469 = tpu.memref_squeeze %dma_wait3A_468 : memref<1x100xi32, #tpu.memory_space<vmem>> -> memref<100xi32, #tpu.memory_space<vmem>>
      %dma_wait3A_470 = arith.constant 0 : i32
      %dma_wait3A_471 = arith.constant 0 : i32
      %dma_wait3A_472 = tpu.memref_slice %arg3[%dma_wait3A_470, %dma_wait3A_471] : memref<1000000x32xf32, #tpu.memory_space<hbm>> -> memref<1000000x32xf32, #tpu.memory_space<hbm>>
      tpu.wait_indirect_dma semaphore(%arg12 : memref<!tpu.dma_semaphore, #tpu.memory_space<semaphore_mem>>) src(%dma_wait3A_472 : memref<1000000x32xf32, #tpu.memory_space<hbm>>) dst(%dma_wait3A_462 : memref<100x32xf32, #tpu.memory_space<vmem>>)
      %gt3A_473 = arith.constant 0 : i32
      %gt3A_474 = arith.cmpi sgt, %scan3A_264, %gt3A_473 : i32
      %convert_element_type3A_475 = arith.extui %gt3A_474 : i1 to i32
      %cond3A_476 = arith.constant 0 : i32
      %cond3A_477 = arith.cmpi ne, %convert_element_type3A_475, %cond3A_476 : i32
      scf.if %cond3A_477 {
        %sub3A = arith.constant 4 : i32
        %sub3A_589 = arith.subi %add3A_428, %sub3A : i32
        %mul3A_590 = arith.constant 128 : i32
        %mul3A_591 = arith.muli %add3A, %mul3A_590 : i32
        %add3A_592 = arith.addi %mul3A_591, %sub3A_589 : i32
        %mul3A_593 = arith.constant 50 : i32
        %mul3A_594 = arith.muli %add3A_592, %mul3A_593 : i32
        %dma_wait3A_595 = arith.constant 2 : i32
        %dma_wait3A_596 = arith.constant 0 : i32
        %dma_wait3A_597 = arith.constant 0 : i32
        %dma_wait3A_598 = tpu.memref_slice %arg9[%dma_wait3A_595, %dma_wait3A_596, %dma_wait3A_597] : memref<4x50x128xf32, #tpu.memory_space<vmem>> -> memref<1x50x128xf32, #tpu.memory_space<vmem>>
        %dma_wait3A_599 = tpu.memref_squeeze %dma_wait3A_598 : memref<1x50x128xf32, #tpu.memory_space<vmem>> -> memref<50x128xf32, #tpu.memory_space<vmem>>
        %dma_wait3A_600 = arith.constant 0 : i32
        %dma_wait3A_601 = tpu.memref_slice %arg5[%mul3A_594, %dma_wait3A_600] : memref<204800x128xf32, #tpu.memory_space<hbm>> -> memref<50x128xf32, #tpu.memory_space<hbm>>
        %dma_wait3A_602 = arith.constant 0 : i32
        %dma_wait3A_603 = tpu.memref_slice %arg5[%mul3A_594, %dma_wait3A_602] : memref<204800x128xf32, #tpu.memory_space<hbm>> -> memref<50x128xf32, #tpu.memory_space<hbm>>
        %dma_wait3A_604 = arith.constant 0 : i32
        %dma_wait3A_605 = arith.constant 0 : i32
        %dma_wait3A_606 = tpu.memref_slice %arg9[%dma_wait3A_595, %dma_wait3A_604, %dma_wait3A_605] : memref<4x50x128xf32, #tpu.memory_space<vmem>> -> memref<1x50x128xf32, #tpu.memory_space<vmem>>
        %dma_wait3A_607 = tpu.memref_squeeze %dma_wait3A_606 : memref<1x50x128xf32, #tpu.memory_space<vmem>> -> memref<50x128xf32, #tpu.memory_space<vmem>>
        tpu.wait_dma2 semaphore(%arg16 : memref<!tpu.dma_semaphore, #tpu.memory_space<semaphore_mem>>) src(%dma_wait3A_607 : memref<50x128xf32, #tpu.memory_space<vmem>>) dst(%dma_wait3A_603 : memref<50x128xf32, #tpu.memory_space<hbm>>)
      } else {
      }
      %scan3A_478 = arith.constant 0 : i32
      %scan3A_479 = arith.constant 0 : i32
      %scan3A_480 = arith.constant 25 : i32
      %scan3A_481 = arith.addi %scan3A_479, %scan3A_480 : i32
      %scan3A_482 = arith.constant 1 : i32
      scf.for %scan3A_589 = %scan3A_479 to %scan3A_481 step %scan3A_482  : i32 {
        %mul3A_590 = arith.constant 4 : i32
        %mul3A_591 = arith.muli %scan3A_589, %mul3A_590 : i32
        %add3A_592 = arith.constant 0 : i32
        %add3A_593 = arith.addi %mul3A_591, %add3A_592 : i32
        %get3A = arith.constant 2 : i32
        %get3A_594 = arith.constant 0 : i32
        %get3A_595 = arith.index_cast %get3A : i32 to index
        %get3A_596 = arith.index_cast %get3A_594 : i32 to index
        %get3A_597 = arith.index_cast %add3A_593 : i32 to index
        %get3A_598 = arith.constant 0 : index
        %get3A_599 = tpu.vector_load %arg8[%get3A_595, %get3A_596, %get3A_597, %get3A_598] {strides = array<i32>} : memref<4x2x100x32xf32, #tpu.memory_space<vmem>>, vector<1x1x1x16xf32>,
        %get3A_600 = vector.shape_cast %get3A_599 : vector<1x1x1x16xf32> to vector<16xf32>
        %add3A_601 = arith.constant 0 : i32
        %add3A_602 = arith.addi %add3A_601, %scan3A_589 : i32
        %get3A_603 = arith.index_cast %add3A_602 : i32 to index
        %get3A_604 = arith.constant 0 : index
        %get3A_605 = tpu.vector_load %arg7[%get3A_603, %get3A_604] {strides = array<i32>} : memref<50x128xf32, #tpu.memory_space<vmem>>, vector<1x16xf32>,
        %get3A_606 = vector.shape_cast %get3A_605 : vector<1x16xf32> to vector<16xf32>
        %add3A_607 = arith.addf %get3A_600, %get3A_606 : vector<16xf32>
        %add3A_608 = arith.constant 0 : i32
        %add3A_609 = arith.addi %add3A_608, %scan3A_589 : i32
        %swap3A = arith.constant 2 : i32
        %swap3A_610 = arith.index_cast %swap3A : i32 to index
        %swap3A_611 = arith.index_cast %add3A_609 : i32 to index
        %swap3A_612 = arith.constant 0 : index
        %swap3A_613 = tpu.vector_load %arg9[%swap3A_610, %swap3A_611, %swap3A_612] {strides = array<i32>} : memref<4x50x128xf32, #tpu.memory_space<vmem>>, vector<1x1x16xf32>,
        %swap3A_614 = vector.shape_cast %swap3A_613 : vector<1x1x16xf32> to vector<16xf32>
        %swap3A_615 = vector.shape_cast %add3A_607 : vector<16xf32> to vector<1x1x16xf32>
        tpu.vector_store %arg9[%swap3A_610, %swap3A_611, %swap3A_612], %swap3A_615 {strides = array<i32>} : memref<4x50x128xf32, #tpu.memory_space<vmem>>, vector<1x1x16xf32>,
        %mul3A_616 = arith.constant 4 : i32
        %mul3A_617 = arith.muli %scan3A_589, %mul3A_616 : i32
        %add3A_618 = arith.constant 0 : i32
        %add3A_619 = arith.addi %mul3A_617, %add3A_618 : i32
        %get3A_620 = arith.constant 2 : i32
        %get3A_621 = arith.constant 0 : i32
        %get3A_622 = arith.index_cast %get3A_620 : i32 to index
        %get3A_623 = arith.index_cast %get3A_621 : i32 to index
        %get3A_624 = arith.index_cast %add3A_619 : i32 to index
        %get3A_625 = arith.constant 16 : index
        %get3A_626 = tpu.vector_load %arg8[%get3A_622, %get3A_623, %get3A_624, %get3A_625] {strides = array<i32>} : memref<4x2x100x32xf32, #tpu.memory_space<vmem>>, vector<1x1x1x16xf32>,
        %get3A_627 = vector.shape_cast %get3A_626 : vector<1x1x1x16xf32> to vector<16xf32>
        %add3A_628 = arith.constant 0 : i32
        %add3A_629 = arith.addi %add3A_628, %scan3A_589 : i32
        %get3A_630 = arith.index_cast %add3A_629 : i32 to index
        %get3A_631 = arith.constant 16 : index
        %get3A_632 = tpu.vector_load %arg7[%get3A_630, %get3A_631] {strides = array<i32>} : memref<50x128xf32, #tpu.memory_space<vmem>>, vector<1x16xf32>,
        %get3A_633 = vector.shape_cast %get3A_632 : vector<1x16xf32> to vector<16xf32>
        %add3A_634 = arith.addf %get3A_627, %get3A_633 : vector<16xf32>
        %add3A_635 = arith.constant 0 : i32
        %add3A_636 = arith.addi %add3A_635, %scan3A_589 : i32
        %swap3A_637 = arith.constant 2 : i32
        %swap3A_638 = arith.index_cast %swap3A_637 : i32 to index
        %swap3A_639 = arith.index_cast %add3A_636 : i32 to index
        %swap3A_640 = arith.constant 16 : index
        %swap3A_641 = tpu.vector_load %arg9[%swap3A_638, %swap3A_639, %swap3A_640] {strides = array<i32>} : memref<4x50x128xf32, #tpu.memory_space<vmem>>, vector<1x1x16xf32>,
        %swap3A_642 = vector.shape_cast %swap3A_641 : vector<1x1x16xf32> to vector<16xf32>
        %swap3A_643 = vector.shape_cast %add3A_634 : vector<16xf32> to vector<1x1x16xf32>
        tpu.vector_store %arg9[%swap3A_638, %swap3A_639, %swap3A_640], %swap3A_643 {strides = array<i32>} : memref<4x50x128xf32, #tpu.memory_space<vmem>>, vector<1x1x16xf32>,
        %mul3A_644 = arith.constant 4 : i32
        %mul3A_645 = arith.muli %scan3A_589, %mul3A_644 : i32
        %add3A_646 = arith.constant 1 : i32
        %add3A_647 = arith.addi %mul3A_645, %add3A_646 : i32
        %get3A_648 = arith.constant 2 : i32
        %get3A_649 = arith.constant 0 : i32
        %get3A_650 = arith.index_cast %get3A_648 : i32 to index
        %get3A_651 = arith.index_cast %get3A_649 : i32 to index
        %get3A_652 = arith.index_cast %add3A_647 : i32 to index
        %get3A_653 = arith.constant 0 : index
        %get3A_654 = tpu.vector_load %arg8[%get3A_650, %get3A_651, %get3A_652, %get3A_653] {strides = array<i32>} : memref<4x2x100x32xf32, #tpu.memory_space<vmem>>, vector<1x1x1x16xf32>,
        %get3A_655 = vector.shape_cast %get3A_654 : vector<1x1x1x16xf32> to vector<16xf32>
        %add3A_656 = arith.constant 0 : i32
        %add3A_657 = arith.addi %add3A_656, %scan3A_589 : i32
        %get3A_658 = arith.index_cast %add3A_657 : i32 to index
        %get3A_659 = arith.constant 32 : index
        %get3A_660 = tpu.vector_load %arg7[%get3A_658, %get3A_659] {strides = array<i32>} : memref<50x128xf32, #tpu.memory_space<vmem>>, vector<1x16xf32>,
        %get3A_661 = vector.shape_cast %get3A_660 : vector<1x16xf32> to vector<16xf32>
        %add3A_662 = arith.addf %get3A_655, %get3A_661 : vector<16xf32>
        %add3A_663 = arith.constant 0 : i32
        %add3A_664 = arith.addi %add3A_663, %scan3A_589 : i32
        %swap3A_665 = arith.constant 2 : i32
        %swap3A_666 = arith.index_cast %swap3A_665 : i32 to index
        %swap3A_667 = arith.index_cast %add3A_664 : i32 to index
        %swap3A_668 = arith.constant 32 : index
        %swap3A_669 = tpu.vector_load %arg9[%swap3A_666, %swap3A_667, %swap3A_668] {strides = array<i32>} : memref<4x50x128xf32, #tpu.memory_space<vmem>>, vector<1x1x16xf32>,
        %swap3A_670 = vector.shape_cast %swap3A_669 : vector<1x1x16xf32> to vector<16xf32>
        %swap3A_671 = vector.shape_cast %add3A_662 : vector<16xf32> to vector<1x1x16xf32>
        tpu.vector_store %arg9[%swap3A_666, %swap3A_667, %swap3A_668], %swap3A_671 {strides = array<i32>} : memref<4x50x128xf32, #tpu.memory_space<vmem>>, vector<1x1x16xf32>,
        %mul3A_672 = arith.constant 4 : i32
        %mul3A_673 = arith.muli %scan3A_589, %mul3A_672 : i32
        %add3A_674 = arith.constant 1 : i32
        %add3A_675 = arith.addi %mul3A_673, %add3A_674 : i32
        %get3A_676 = arith.constant 2 : i32
        %get3A_677 = arith.constant 0 : i32
        %get3A_678 = arith.index_cast %get3A_676 : i32 to index
        %get3A_679 = arith.index_cast %get3A_677 : i32 to index
        %get3A_680 = arith.index_cast %add3A_675 : i32 to index
        %get3A_681 = arith.constant 16 : index
        %get3A_682 = tpu.vector_load %arg8[%get3A_678, %get3A_679, %get3A_680, %get3A_681] {strides = array<i32>} : memref<4x2x100x32xf32, #tpu.memory_space<vmem>>, vector<1x1x1x16xf32>,
        %get3A_683 = vector.shape_cast %get3A_682 : vector<1x1x1x16xf32> to vector<16xf32>
        %add3A_684 = arith.constant 0 : i32
        %add3A_685 = arith.addi %add3A_684, %scan3A_589 : i32
        %get3A_686 = arith.index_cast %add3A_685 : i32 to index
        %get3A_687 = arith.constant 48 : index
        %get3A_688 = tpu.vector_load %arg7[%get3A_686, %get3A_687] {strides = array<i32>} : memref<50x128xf32, #tpu.memory_space<vmem>>, vector<1x16xf32>,
        %get3A_689 = vector.shape_cast %get3A_688 : vector<1x16xf32> to vector<16xf32>
        %add3A_690 = arith.addf %get3A_683, %get3A_689 : vector<16xf32>
        %add3A_691 = arith.constant 0 : i32
        %add3A_692 = arith.addi %add3A_691, %scan3A_589 : i32
        %swap3A_693 = arith.constant 2 : i32
        %swap3A_694 = arith.index_cast %swap3A_693 : i32 to index
        %swap3A_695 = arith.index_cast %add3A_692 : i32 to index
        %swap3A_696 = arith.constant 48 : index
        %swap3A_697 = tpu.vector_load %arg9[%swap3A_694, %swap3A_695, %swap3A_696] {strides = array<i32>} : memref<4x50x128xf32, #tpu.memory_space<vmem>>, vector<1x1x16xf32>,
        %swap3A_698 = vector.shape_cast %swap3A_697 : vector<1x1x16xf32> to vector<16xf32>
        %swap3A_699 = vector.shape_cast %add3A_690 : vector<16xf32> to vector<1x1x16xf32>
        tpu.vector_store %arg9[%swap3A_694, %swap3A_695, %swap3A_696], %swap3A_699 {strides = array<i32>} : memref<4x50x128xf32, #tpu.memory_space<vmem>>, vector<1x1x16xf32>,
        %mul3A_700 = arith.constant 4 : i32
        %mul3A_701 = arith.muli %scan3A_589, %mul3A_700 : i32
        %add3A_702 = arith.constant 2 : i32
        %add3A_703 = arith.addi %mul3A_701, %add3A_702 : i32
        %get3A_704 = arith.constant 2 : i32
        %get3A_705 = arith.constant 0 : i32
        %get3A_706 = arith.index_cast %get3A_704 : i32 to index
        %get3A_707 = arith.index_cast %get3A_705 : i32 to index
        %get3A_708 = arith.index_cast %add3A_703 : i32 to index
        %get3A_709 = arith.constant 0 : index
        %get3A_710 = tpu.vector_load %arg8[%get3A_706, %get3A_707, %get3A_708, %get3A_709] {strides = array<i32>} : memref<4x2x100x32xf32, #tpu.memory_space<vmem>>, vector<1x1x1x16xf32>,
        %get3A_711 = vector.shape_cast %get3A_710 : vector<1x1x1x16xf32> to vector<16xf32>
        %add3A_712 = arith.constant 0 : i32
        %add3A_713 = arith.addi %add3A_712, %scan3A_589 : i32
        %get3A_714 = arith.index_cast %add3A_713 : i32 to index
        %get3A_715 = arith.constant 64 : index
        %get3A_716 = tpu.vector_load %arg7[%get3A_714, %get3A_715] {strides = array<i32>} : memref<50x128xf32, #tpu.memory_space<vmem>>, vector<1x16xf32>,
        %get3A_717 = vector.shape_cast %get3A_716 : vector<1x16xf32> to vector<16xf32>
        %add3A_718 = arith.addf %get3A_711, %get3A_717 : vector<16xf32>
        %add3A_719 = arith.constant 0 : i32
        %add3A_720 = arith.addi %add3A_719, %scan3A_589 : i32
        %swap3A_721 = arith.constant 2 : i32
        %swap3A_722 = arith.index_cast %swap3A_721 : i32 to index
        %swap3A_723 = arith.index_cast %add3A_720 : i32 to index
        %swap3A_724 = arith.constant 64 : index
        %swap3A_725 = tpu.vector_load %arg9[%swap3A_722, %swap3A_723, %swap3A_724] {strides = array<i32>} : memref<4x50x128xf32, #tpu.memory_space<vmem>>, vector<1x1x16xf32>,
        %swap3A_726 = vector.shape_cast %swap3A_725 : vector<1x1x16xf32> to vector<16xf32>
        %swap3A_727 = vector.shape_cast %add3A_718 : vector<16xf32> to vector<1x1x16xf32>
        tpu.vector_store %arg9[%swap3A_722, %swap3A_723, %swap3A_724], %swap3A_727 {strides = array<i32>} : memref<4x50x128xf32, #tpu.memory_space<vmem>>, vector<1x1x16xf32>,
        %mul3A_728 = arith.constant 4 : i32
        %mul3A_729 = arith.muli %scan3A_589, %mul3A_728 : i32
        %add3A_730 = arith.constant 2 : i32
        %add3A_731 = arith.addi %mul3A_729, %add3A_730 : i32
        %get3A_732 = arith.constant 2 : i32
        %get3A_733 = arith.constant 0 : i32
        %get3A_734 = arith.index_cast %get3A_732 : i32 to index
        %get3A_735 = arith.index_cast %get3A_733 : i32 to index
        %get3A_736 = arith.index_cast %add3A_731 : i32 to index
        %get3A_737 = arith.constant 16 : index
        %get3A_738 = tpu.vector_load %arg8[%get3A_734, %get3A_735, %get3A_736, %get3A_737] {strides = array<i32>} : memref<4x2x100x32xf32, #tpu.memory_space<vmem>>, vector<1x1x1x16xf32>,
        %get3A_739 = vector.shape_cast %get3A_738 : vector<1x1x1x16xf32> to vector<16xf32>
        %add3A_740 = arith.constant 0 : i32
        %add3A_741 = arith.addi %add3A_740, %scan3A_589 : i32
        %get3A_742 = arith.index_cast %add3A_741 : i32 to index
        %get3A_743 = arith.constant 80 : index
        %get3A_744 = tpu.vector_load %arg7[%get3A_742, %get3A_743] {strides = array<i32>} : memref<50x128xf32, #tpu.memory_space<vmem>>, vector<1x16xf32>,
        %get3A_745 = vector.shape_cast %get3A_744 : vector<1x16xf32> to vector<16xf32>
        %add3A_746 = arith.addf %get3A_739, %get3A_745 : vector<16xf32>
        %add3A_747 = arith.constant 0 : i32
        %add3A_748 = arith.addi %add3A_747, %scan3A_589 : i32
        %swap3A_749 = arith.constant 2 : i32
        %swap3A_750 = arith.index_cast %swap3A_749 : i32 to index
        %swap3A_751 = arith.index_cast %add3A_748 : i32 to index
        %swap3A_752 = arith.constant 80 : index
        %swap3A_753 = tpu.vector_load %arg9[%swap3A_750, %swap3A_751, %swap3A_752] {strides = array<i32>} : memref<4x50x128xf32, #tpu.memory_space<vmem>>, vector<1x1x16xf32>,
        %swap3A_754 = vector.shape_cast %swap3A_753 : vector<1x1x16xf32> to vector<16xf32>
        %swap3A_755 = vector.shape_cast %add3A_746 : vector<16xf32> to vector<1x1x16xf32>
        tpu.vector_store %arg9[%swap3A_750, %swap3A_751, %swap3A_752], %swap3A_755 {strides = array<i32>} : memref<4x50x128xf32, #tpu.memory_space<vmem>>, vector<1x1x16xf32>,
        %mul3A_756 = arith.constant 4 : i32
        %mul3A_757 = arith.muli %scan3A_589, %mul3A_756 : i32
        %add3A_758 = arith.constant 3 : i32
        %add3A_759 = arith.addi %mul3A_757, %add3A_758 : i32
        %get3A_760 = arith.constant 2 : i32
        %get3A_761 = arith.constant 0 : i32
        %get3A_762 = arith.index_cast %get3A_760 : i32 to index
        %get3A_763 = arith.index_cast %get3A_761 : i32 to index
        %get3A_764 = arith.index_cast %add3A_759 : i32 to index
        %get3A_765 = arith.constant 0 : index
        %get3A_766 = tpu.vector_load %arg8[%get3A_762, %get3A_763, %get3A_764, %get3A_765] {strides = array<i32>} : memref<4x2x100x32xf32, #tpu.memory_space<vmem>>, vector<1x1x1x16xf32>,
        %get3A_767 = vector.shape_cast %get3A_766 : vector<1x1x1x16xf32> to vector<16xf32>
        %add3A_768 = arith.constant 0 : i32
        %add3A_769 = arith.addi %add3A_768, %scan3A_589 : i32
        %get3A_770 = arith.index_cast %add3A_769 : i32 to index
        %get3A_771 = arith.constant 96 : index
        %get3A_772 = tpu.vector_load %arg7[%get3A_770, %get3A_771] {strides = array<i32>} : memref<50x128xf32, #tpu.memory_space<vmem>>, vector<1x16xf32>,
        %get3A_773 = vector.shape_cast %get3A_772 : vector<1x16xf32> to vector<16xf32>
        %add3A_774 = arith.addf %get3A_767, %get3A_773 : vector<16xf32>
        %add3A_775 = arith.constant 0 : i32
        %add3A_776 = arith.addi %add3A_775, %scan3A_589 : i32
        %swap3A_777 = arith.constant 2 : i32
        %swap3A_778 = arith.index_cast %swap3A_777 : i32 to index
        %swap3A_779 = arith.index_cast %add3A_776 : i32 to index
        %swap3A_780 = arith.constant 96 : index
        %swap3A_781 = tpu.vector_load %arg9[%swap3A_778, %swap3A_779, %swap3A_780] {strides = array<i32>} : memref<4x50x128xf32, #tpu.memory_space<vmem>>, vector<1x1x16xf32>,
        %swap3A_782 = vector.shape_cast %swap3A_781 : vector<1x1x16xf32> to vector<16xf32>
        %swap3A_783 = vector.shape_cast %add3A_774 : vector<16xf32> to vector<1x1x16xf32>
        tpu.vector_store %arg9[%swap3A_778, %swap3A_779, %swap3A_780], %swap3A_783 {strides = array<i32>} : memref<4x50x128xf32, #tpu.memory_space<vmem>>, vector<1x1x16xf32>,
        %mul3A_784 = arith.constant 4 : i32
        %mul3A_785 = arith.muli %scan3A_589, %mul3A_784 : i32
        %add3A_786 = arith.constant 3 : i32
        %add3A_787 = arith.addi %mul3A_785, %add3A_786 : i32
        %get3A_788 = arith.constant 2 : i32
        %get3A_789 = arith.constant 0 : i32
        %get3A_790 = arith.index_cast %get3A_788 : i32 to index
        %get3A_791 = arith.index_cast %get3A_789 : i32 to index
        %get3A_792 = arith.index_cast %add3A_787 : i32 to index
        %get3A_793 = arith.constant 16 : index
        %get3A_794 = tpu.vector_load %arg8[%get3A_790, %get3A_791, %get3A_792, %get3A_793] {strides = array<i32>} : memref<4x2x100x32xf32, #tpu.memory_space<vmem>>, vector<1x1x1x16xf32>,
        %get3A_795 = vector.shape_cast %get3A_794 : vector<1x1x1x16xf32> to vector<16xf32>
        %add3A_796 = arith.constant 0 : i32
        %add3A_797 = arith.addi %add3A_796, %scan3A_589 : i32
        %get3A_798 = arith.index_cast %add3A_797 : i32 to index
        %get3A_799 = arith.constant 112 : index
        %get3A_800 = tpu.vector_load %arg7[%get3A_798, %get3A_799] {strides = array<i32>} : memref<50x128xf32, #tpu.memory_space<vmem>>, vector<1x16xf32>,
        %get3A_801 = vector.shape_cast %get3A_800 : vector<1x16xf32> to vector<16xf32>
        %add3A_802 = arith.addf %get3A_795, %get3A_801 : vector<16xf32>
        %add3A_803 = arith.constant 0 : i32
        %add3A_804 = arith.addi %add3A_803, %scan3A_589 : i32
        %swap3A_805 = arith.constant 2 : i32
        %swap3A_806 = arith.index_cast %swap3A_805 : i32 to index
        %swap3A_807 = arith.index_cast %add3A_804 : i32 to index
        %swap3A_808 = arith.constant 112 : index
        %swap3A_809 = tpu.vector_load %arg9[%swap3A_806, %swap3A_807, %swap3A_808] {strides = array<i32>} : memref<4x50x128xf32, #tpu.memory_space<vmem>>, vector<1x1x16xf32>,
        %swap3A_810 = vector.shape_cast %swap3A_809 : vector<1x1x16xf32> to vector<16xf32>
        %swap3A_811 = vector.shape_cast %add3A_802 : vector<16xf32> to vector<1x1x16xf32>
        tpu.vector_store %arg9[%swap3A_806, %swap3A_807, %swap3A_808], %swap3A_811 {strides = array<i32>} : memref<4x50x128xf32, #tpu.memory_space<vmem>>, vector<1x1x16xf32>,
        %mul3A_812 = arith.constant 4 : i32
        %mul3A_813 = arith.muli %scan3A_589, %mul3A_812 : i32
        %add3A_814 = arith.constant 0 : i32
        %add3A_815 = arith.addi %mul3A_813, %add3A_814 : i32
        %get3A_816 = arith.constant 2 : i32
        %get3A_817 = arith.constant 1 : i32
        %get3A_818 = arith.index_cast %get3A_816 : i32 to index
        %get3A_819 = arith.index_cast %get3A_817 : i32 to index
        %get3A_820 = arith.index_cast %add3A_815 : i32 to index
        %get3A_821 = arith.constant 0 : index
        %get3A_822 = tpu.vector_load %arg8[%get3A_818, %get3A_819, %get3A_820, %get3A_821] {strides = array<i32>} : memref<4x2x100x32xf32, #tpu.memory_space<vmem>>, vector<1x1x1x16xf32>,
        %get3A_823 = vector.shape_cast %get3A_822 : vector<1x1x1x16xf32> to vector<16xf32>
        %add3A_824 = arith.constant 25 : i32
        %add3A_825 = arith.addi %add3A_824, %scan3A_589 : i32
        %get3A_826 = arith.index_cast %add3A_825 : i32 to index
        %get3A_827 = arith.constant 0 : index
        %get3A_828 = tpu.vector_load %arg7[%get3A_826, %get3A_827] {strides = array<i32>} : memref<50x128xf32, #tpu.memory_space<vmem>>, vector<1x16xf32>,
        %get3A_829 = vector.shape_cast %get3A_828 : vector<1x16xf32> to vector<16xf32>
        %add3A_830 = arith.addf %get3A_823, %get3A_829 : vector<16xf32>
        %add3A_831 = arith.constant 25 : i32
        %add3A_832 = arith.addi %add3A_831, %scan3A_589 : i32
        %swap3A_833 = arith.constant 2 : i32
        %swap3A_834 = arith.index_cast %swap3A_833 : i32 to index
        %swap3A_835 = arith.index_cast %add3A_832 : i32 to index
        %swap3A_836 = arith.constant 0 : index
        %swap3A_837 = tpu.vector_load %arg9[%swap3A_834, %swap3A_835, %swap3A_836] {strides = array<i32>} : memref<4x50x128xf32, #tpu.memory_space<vmem>>, vector<1x1x16xf32>,
        %swap3A_838 = vector.shape_cast %swap3A_837 : vector<1x1x16xf32> to vector<16xf32>
        %swap3A_839 = vector.shape_cast %add3A_830 : vector<16xf32> to vector<1x1x16xf32>
        tpu.vector_store %arg9[%swap3A_834, %swap3A_835, %swap3A_836], %swap3A_839 {strides = array<i32>} : memref<4x50x128xf32, #tpu.memory_space<vmem>>, vector<1x1x16xf32>,
        %mul3A_840 = arith.constant 4 : i32
        %mul3A_841 = arith.muli %scan3A_589, %mul3A_840 : i32
        %add3A_842 = arith.constant 0 : i32
        %add3A_843 = arith.addi %mul3A_841, %add3A_842 : i32
        %get3A_844 = arith.constant 2 : i32
        %get3A_845 = arith.constant 1 : i32
        %get3A_846 = arith.index_cast %get3A_844 : i32 to index
        %get3A_847 = arith.index_cast %get3A_845 : i32 to index
        %get3A_848 = arith.index_cast %add3A_843 : i32 to index
        %get3A_849 = arith.constant 16 : index
        %get3A_850 = tpu.vector_load %arg8[%get3A_846, %get3A_847, %get3A_848, %get3A_849] {strides = array<i32>} : memref<4x2x100x32xf32, #tpu.memory_space<vmem>>, vector<1x1x1x16xf32>,
        %get3A_851 = vector.shape_cast %get3A_850 : vector<1x1x1x16xf32> to vector<16xf32>
        %add3A_852 = arith.constant 25 : i32
        %add3A_853 = arith.addi %add3A_852, %scan3A_589 : i32
        %get3A_854 = arith.index_cast %add3A_853 : i32 to index
        %get3A_855 = arith.constant 16 : index
        %get3A_856 = tpu.vector_load %arg7[%get3A_854, %get3A_855] {strides = array<i32>} : memref<50x128xf32, #tpu.memory_space<vmem>>, vector<1x16xf32>,
        %get3A_857 = vector.shape_cast %get3A_856 : vector<1x16xf32> to vector<16xf32>
        %add3A_858 = arith.addf %get3A_851, %get3A_857 : vector<16xf32>
        %add3A_859 = arith.constant 25 : i32
        %add3A_860 = arith.addi %add3A_859, %scan3A_589 : i32
        %swap3A_861 = arith.constant 2 : i32
        %swap3A_862 = arith.index_cast %swap3A_861 : i32 to index
        %swap3A_863 = arith.index_cast %add3A_860 : i32 to index
        %swap3A_864 = arith.constant 16 : index
        %swap3A_865 = tpu.vector_load %arg9[%swap3A_862, %swap3A_863, %swap3A_864] {strides = array<i32>} : memref<4x50x128xf32, #tpu.memory_space<vmem>>, vector<1x1x16xf32>,
        %swap3A_866 = vector.shape_cast %swap3A_865 : vector<1x1x16xf32> to vector<16xf32>
        %swap3A_867 = vector.shape_cast %add3A_858 : vector<16xf32> to vector<1x1x16xf32>
        tpu.vector_store %arg9[%swap3A_862, %swap3A_863, %swap3A_864], %swap3A_867 {strides = array<i32>} : memref<4x50x128xf32, #tpu.memory_space<vmem>>, vector<1x1x16xf32>,
        %mul3A_868 = arith.constant 4 : i32
        %mul3A_869 = arith.muli %scan3A_589, %mul3A_868 : i32
        %add3A_870 = arith.constant 1 : i32
        %add3A_871 = arith.addi %mul3A_869, %add3A_870 : i32
        %get3A_872 = arith.constant 2 : i32
        %get3A_873 = arith.constant 1 : i32
        %get3A_874 = arith.index_cast %get3A_872 : i32 to index
        %get3A_875 = arith.index_cast %get3A_873 : i32 to index
        %get3A_876 = arith.index_cast %add3A_871 : i32 to index
        %get3A_877 = arith.constant 0 : index
        %get3A_878 = tpu.vector_load %arg8[%get3A_874, %get3A_875, %get3A_876, %get3A_877] {strides = array<i32>} : memref<4x2x100x32xf32, #tpu.memory_space<vmem>>, vector<1x1x1x16xf32>,
        %get3A_879 = vector.shape_cast %get3A_878 : vector<1x1x1x16xf32> to vector<16xf32>
        %add3A_880 = arith.constant 25 : i32
        %add3A_881 = arith.addi %add3A_880, %scan3A_589 : i32
        %get3A_882 = arith.index_cast %add3A_881 : i32 to index
        %get3A_883 = arith.constant 32 : index
        %get3A_884 = tpu.vector_load %arg7[%get3A_882, %get3A_883] {strides = array<i32>} : memref<50x128xf32, #tpu.memory_space<vmem>>, vector<1x16xf32>,
        %get3A_885 = vector.shape_cast %get3A_884 : vector<1x16xf32> to vector<16xf32>
        %add3A_886 = arith.addf %get3A_879, %get3A_885 : vector<16xf32>
        %add3A_887 = arith.constant 25 : i32
        %add3A_888 = arith.addi %add3A_887, %scan3A_589 : i32
        %swap3A_889 = arith.constant 2 : i32
        %swap3A_890 = arith.index_cast %swap3A_889 : i32 to index
        %swap3A_891 = arith.index_cast %add3A_888 : i32 to index
        %swap3A_892 = arith.constant 32 : index
        %swap3A_893 = tpu.vector_load %arg9[%swap3A_890, %swap3A_891, %swap3A_892] {strides = array<i32>} : memref<4x50x128xf32, #tpu.memory_space<vmem>>, vector<1x1x16xf32>,
        %swap3A_894 = vector.shape_cast %swap3A_893 : vector<1x1x16xf32> to vector<16xf32>
        %swap3A_895 = vector.shape_cast %add3A_886 : vector<16xf32> to vector<1x1x16xf32>
        tpu.vector_store %arg9[%swap3A_890, %swap3A_891, %swap3A_892], %swap3A_895 {strides = array<i32>} : memref<4x50x128xf32, #tpu.memory_space<vmem>>, vector<1x1x16xf32>,
        %mul3A_896 = arith.constant 4 : i32
        %mul3A_897 = arith.muli %scan3A_589, %mul3A_896 : i32
        %add3A_898 = arith.constant 1 : i32
        %add3A_899 = arith.addi %mul3A_897, %add3A_898 : i32
        %get3A_900 = arith.constant 2 : i32
        %get3A_901 = arith.constant 1 : i32
        %get3A_902 = arith.index_cast %get3A_900 : i32 to index
        %get3A_903 = arith.index_cast %get3A_901 : i32 to index
        %get3A_904 = arith.index_cast %add3A_899 : i32 to index
        %get3A_905 = arith.constant 16 : index
        %get3A_906 = tpu.vector_load %arg8[%get3A_902, %get3A_903, %get3A_904, %get3A_905] {strides = array<i32>} : memref<4x2x100x32xf32, #tpu.memory_space<vmem>>, vector<1x1x1x16xf32>,
        %get3A_907 = vector.shape_cast %get3A_906 : vector<1x1x1x16xf32> to vector<16xf32>
        %add3A_908 = arith.constant 25 : i32
        %add3A_909 = arith.addi %add3A_908, %scan3A_589 : i32
        %get3A_910 = arith.index_cast %add3A_909 : i32 to index
        %get3A_911 = arith.constant 48 : index
        %get3A_912 = tpu.vector_load %arg7[%get3A_910, %get3A_911] {strides = array<i32>} : memref<50x128xf32, #tpu.memory_space<vmem>>, vector<1x16xf32>,
        %get3A_913 = vector.shape_cast %get3A_912 : vector<1x16xf32> to vector<16xf32>
        %add3A_914 = arith.addf %get3A_907, %get3A_913 : vector<16xf32>
        %add3A_915 = arith.constant 25 : i32
        %add3A_916 = arith.addi %add3A_915, %scan3A_589 : i32
        %swap3A_917 = arith.constant 2 : i32
        %swap3A_918 = arith.index_cast %swap3A_917 : i32 to index
        %swap3A_919 = arith.index_cast %add3A_916 : i32 to index
        %swap3A_920 = arith.constant 48 : index
        %swap3A_921 = tpu.vector_load %arg9[%swap3A_918, %swap3A_919, %swap3A_920] {strides = array<i32>} : memref<4x50x128xf32, #tpu.memory_space<vmem>>, vector<1x1x16xf32>,
        %swap3A_922 = vector.shape_cast %swap3A_921 : vector<1x1x16xf32> to vector<16xf32>
        %swap3A_923 = vector.shape_cast %add3A_914 : vector<16xf32> to vector<1x1x16xf32>
        tpu.vector_store %arg9[%swap3A_918, %swap3A_919, %swap3A_920], %swap3A_923 {strides = array<i32>} : memref<4x50x128xf32, #tpu.memory_space<vmem>>, vector<1x1x16xf32>,
        %mul3A_924 = arith.constant 4 : i32
        %mul3A_925 = arith.muli %scan3A_589, %mul3A_924 : i32
        %add3A_926 = arith.constant 2 : i32
        %add3A_927 = arith.addi %mul3A_925, %add3A_926 : i32
        %get3A_928 = arith.constant 2 : i32
        %get3A_929 = arith.constant 1 : i32
        %get3A_930 = arith.index_cast %get3A_928 : i32 to index
        %get3A_931 = arith.index_cast %get3A_929 : i32 to index
        %get3A_932 = arith.index_cast %add3A_927 : i32 to index
        %get3A_933 = arith.constant 0 : index
        %get3A_934 = tpu.vector_load %arg8[%get3A_930, %get3A_931, %get3A_932, %get3A_933] {strides = array<i32>} : memref<4x2x100x32xf32, #tpu.memory_space<vmem>>, vector<1x1x1x16xf32>,
        %get3A_935 = vector.shape_cast %get3A_934 : vector<1x1x1x16xf32> to vector<16xf32>
        %add3A_936 = arith.constant 25 : i32
        %add3A_937 = arith.addi %add3A_936, %scan3A_589 : i32
        %get3A_938 = arith.index_cast %add3A_937 : i32 to index
        %get3A_939 = arith.constant 64 : index
        %get3A_940 = tpu.vector_load %arg7[%get3A_938, %get3A_939] {strides = array<i32>} : memref<50x128xf32, #tpu.memory_space<vmem>>, vector<1x16xf32>,
        %get3A_941 = vector.shape_cast %get3A_940 : vector<1x16xf32> to vector<16xf32>
        %add3A_942 = arith.addf %get3A_935, %get3A_941 : vector<16xf32>
        %add3A_943 = arith.constant 25 : i32
        %add3A_944 = arith.addi %add3A_943, %scan3A_589 : i32
        %swap3A_945 = arith.constant 2 : i32
        %swap3A_946 = arith.index_cast %swap3A_945 : i32 to index
        %swap3A_947 = arith.index_cast %add3A_944 : i32 to index
        %swap3A_948 = arith.constant 64 : index
        %swap3A_949 = tpu.vector_load %arg9[%swap3A_946, %swap3A_947, %swap3A_948] {strides = array<i32>} : memref<4x50x128xf32, #tpu.memory_space<vmem>>, vector<1x1x16xf32>,
        %swap3A_950 = vector.shape_cast %swap3A_949 : vector<1x1x16xf32> to vector<16xf32>
        %swap3A_951 = vector.shape_cast %add3A_942 : vector<16xf32> to vector<1x1x16xf32>
        tpu.vector_store %arg9[%swap3A_946, %swap3A_947, %swap3A_948], %swap3A_951 {strides = array<i32>} : memref<4x50x128xf32, #tpu.memory_space<vmem>>, vector<1x1x16xf32>,
        %mul3A_952 = arith.constant 4 : i32
        %mul3A_953 = arith.muli %scan3A_589, %mul3A_952 : i32
        %add3A_954 = arith.constant 2 : i32
        %add3A_955 = arith.addi %mul3A_953, %add3A_954 : i32
        %get3A_956 = arith.constant 2 : i32
        %get3A_957 = arith.constant 1 : i32
        %get3A_958 = arith.index_cast %get3A_956 : i32 to index
        %get3A_959 = arith.index_cast %get3A_957 : i32 to index
        %get3A_960 = arith.index_cast %add3A_955 : i32 to index
        %get3A_961 = arith.constant 16 : index
        %get3A_962 = tpu.vector_load %arg8[%get3A_958, %get3A_959, %get3A_960, %get3A_961] {strides = array<i32>} : memref<4x2x100x32xf32, #tpu.memory_space<vmem>>, vector<1x1x1x16xf32>,
        %get3A_963 = vector.shape_cast %get3A_962 : vector<1x1x1x16xf32> to vector<16xf32>
        %add3A_964 = arith.constant 25 : i32
        %add3A_965 = arith.addi %add3A_964, %scan3A_589 : i32
        %get3A_966 = arith.index_cast %add3A_965 : i32 to index
        %get3A_967 = arith.constant 80 : index
        %get3A_968 = tpu.vector_load %arg7[%get3A_966, %get3A_967] {strides = array<i32>} : memref<50x128xf32, #tpu.memory_space<vmem>>, vector<1x16xf32>,
        %get3A_969 = vector.shape_cast %get3A_968 : vector<1x16xf32> to vector<16xf32>
        %add3A_970 = arith.addf %get3A_963, %get3A_969 : vector<16xf32>
        %add3A_971 = arith.constant 25 : i32
        %add3A_972 = arith.addi %add3A_971, %scan3A_589 : i32
        %swap3A_973 = arith.constant 2 : i32
        %swap3A_974 = arith.index_cast %swap3A_973 : i32 to index
        %swap3A_975 = arith.index_cast %add3A_972 : i32 to index
        %swap3A_976 = arith.constant 80 : index
        %swap3A_977 = tpu.vector_load %arg9[%swap3A_974, %swap3A_975, %swap3A_976] {strides = array<i32>} : memref<4x50x128xf32, #tpu.memory_space<vmem>>, vector<1x1x16xf32>,
        %swap3A_978 = vector.shape_cast %swap3A_977 : vector<1x1x16xf32> to vector<16xf32>
        %swap3A_979 = vector.shape_cast %add3A_970 : vector<16xf32> to vector<1x1x16xf32>
        tpu.vector_store %arg9[%swap3A_974, %swap3A_975, %swap3A_976], %swap3A_979 {strides = array<i32>} : memref<4x50x128xf32, #tpu.memory_space<vmem>>, vector<1x1x16xf32>,
        %mul3A_980 = arith.constant 4 : i32
        %mul3A_981 = arith.muli %scan3A_589, %mul3A_980 : i32
        %add3A_982 = arith.constant 3 : i32
        %add3A_983 = arith.addi %mul3A_981, %add3A_982 : i32
        %get3A_984 = arith.constant 2 : i32
        %get3A_985 = arith.constant 1 : i32
        %get3A_986 = arith.index_cast %get3A_984 : i32 to index
        %get3A_987 = arith.index_cast %get3A_985 : i32 to index
        %get3A_988 = arith.index_cast %add3A_983 : i32 to index
        %get3A_989 = arith.constant 0 : index
        %get3A_990 = tpu.vector_load %arg8[%get3A_986, %get3A_987, %get3A_988, %get3A_989] {strides = array<i32>} : memref<4x2x100x32xf32, #tpu.memory_space<vmem>>, vector<1x1x1x16xf32>,
        %get3A_991 = vector.shape_cast %get3A_990 : vector<1x1x1x16xf32> to vector<16xf32>
        %add3A_992 = arith.constant 25 : i32
        %add3A_993 = arith.addi %add3A_992, %scan3A_589 : i32
        %get3A_994 = arith.index_cast %add3A_993 : i32 to index
        %get3A_995 = arith.constant 96 : index
        %get3A_996 = tpu.vector_load %arg7[%get3A_994, %get3A_995] {strides = array<i32>} : memref<50x128xf32, #tpu.memory_space<vmem>>, vector<1x16xf32>,
        %get3A_997 = vector.shape_cast %get3A_996 : vector<1x16xf32> to vector<16xf32>
        %add3A_998 = arith.addf %get3A_991, %get3A_997 : vector<16xf32>
        %add3A_999 = arith.constant 25 : i32
        %add3A_1000 = arith.addi %add3A_999, %scan3A_589 : i32
        %swap3A_1001 = arith.constant 2 : i32
        %swap3A_1002 = arith.index_cast %swap3A_1001 : i32 to index
        %swap3A_1003 = arith.index_cast %add3A_1000 : i32 to index
        %swap3A_1004 = arith.constant 96 : index
        %swap3A_1005 = tpu.vector_load %arg9[%swap3A_1002, %swap3A_1003, %swap3A_1004] {strides = array<i32>} : memref<4x50x128xf32, #tpu.memory_space<vmem>>, vector<1x1x16xf32>,
        %swap3A_1006 = vector.shape_cast %swap3A_1005 : vector<1x1x16xf32> to vector<16xf32>
        %swap3A_1007 = vector.shape_cast %add3A_998 : vector<16xf32> to vector<1x1x16xf32>
        tpu.vector_store %arg9[%swap3A_1002, %swap3A_1003, %swap3A_1004], %swap3A_1007 {strides = array<i32>} : memref<4x50x128xf32, #tpu.memory_space<vmem>>, vector<1x1x16xf32>,
        %mul3A_1008 = arith.constant 4 : i32
        %mul3A_1009 = arith.muli %scan3A_589, %mul3A_1008 : i32
        %add3A_1010 = arith.constant 3 : i32
        %add3A_1011 = arith.addi %mul3A_1009, %add3A_1010 : i32
        %get3A_1012 = arith.constant 2 : i32
        %get3A_1013 = arith.constant 1 : i32
        %get3A_1014 = arith.index_cast %get3A_1012 : i32 to index
        %get3A_1015 = arith.index_cast %get3A_1013 : i32 to index
        %get3A_1016 = arith.index_cast %add3A_1011 : i32 to index
        %get3A_1017 = arith.constant 16 : index
        %get3A_1018 = tpu.vector_load %arg8[%get3A_1014, %get3A_1015, %get3A_1016, %get3A_1017] {strides = array<i32>} : memref<4x2x100x32xf32, #tpu.memory_space<vmem>>, vector<1x1x1x16xf32>,
        %get3A_1019 = vector.shape_cast %get3A_1018 : vector<1x1x1x16xf32> to vector<16xf32>
        %add3A_1020 = arith.constant 25 : i32
        %add3A_1021 = arith.addi %add3A_1020, %scan3A_589 : i32
        %get3A_1022 = arith.index_cast %add3A_1021 : i32 to index
        %get3A_1023 = arith.constant 112 : index
        %get3A_1024 = tpu.vector_load %arg7[%get3A_1022, %get3A_1023] {strides = array<i32>} : memref<50x128xf32, #tpu.memory_space<vmem>>, vector<1x16xf32>,
        %get3A_1025 = vector.shape_cast %get3A_1024 : vector<1x16xf32> to vector<16xf32>
        %add3A_1026 = arith.addf %get3A_1019, %get3A_1025 : vector<16xf32>
        %add3A_1027 = arith.constant 25 : i32
        %add3A_1028 = arith.addi %add3A_1027, %scan3A_589 : i32
        %swap3A_1029 = arith.constant 2 : i32
        %swap3A_1030 = arith.index_cast %swap3A_1029 : i32 to index
        %swap3A_1031 = arith.index_cast %add3A_1028 : i32 to index
        %swap3A_1032 = arith.constant 112 : index
        %swap3A_1033 = tpu.vector_load %arg9[%swap3A_1030, %swap3A_1031, %swap3A_1032] {strides = array<i32>} : memref<4x50x128xf32, #tpu.memory_space<vmem>>, vector<1x1x16xf32>,
        %swap3A_1034 = vector.shape_cast %swap3A_1033 : vector<1x1x16xf32> to vector<16xf32>
        %swap3A_1035 = vector.shape_cast %add3A_1026 : vector<16xf32> to vector<1x1x16xf32>
        tpu.vector_store %arg9[%swap3A_1030, %swap3A_1031, %swap3A_1032], %swap3A_1035 {strides = array<i32>} : memref<4x50x128xf32, #tpu.memory_space<vmem>>, vector<1x1x16xf32>,
      }
      %scan3A_483 = arith.constant 25 : i32
      %mul3A_484 = arith.constant 128 : i32
      %mul3A_485 = arith.muli %add3A, %mul3A_484 : i32
      %add3A_486 = arith.addi %mul3A_485, %add3A_428 : i32
      %mul3A_487 = arith.constant 50 : i32
      %mul3A_488 = arith.muli %add3A_486, %mul3A_487 : i32
      %dma_start3A_489 = arith.constant 2 : i32
      %dma_start3A_490 = arith.constant 0 : i32
      %dma_start3A_491 = arith.constant 0 : i32
      %dma_start3A_492 = tpu.memref_slice %arg9[%dma_start3A_489, %dma_start3A_490, %dma_start3A_491] : memref<4x50x128xf32, #tpu.memory_space<vmem>> -> memref<1x50x128xf32, #tpu.memory_space<vmem>>
      %dma_start3A_493 = tpu.memref_squeeze %dma_start3A_492 : memref<1x50x128xf32, #tpu.memory_space<vmem>> -> memref<50x128xf32, #tpu.memory_space<vmem>>
      %dma_start3A_494 = arith.constant 0 : i32
      %dma_start3A_495 = tpu.memref_slice %arg5[%mul3A_488, %dma_start3A_494] : memref<204800x128xf32, #tpu.memory_space<hbm>> -> memref<50x128xf32, #tpu.memory_space<hbm>>
      %dma_start3A_496 = arith.constant 0 : i32
      %dma_start3A_497 = tpu.memref_slice %arg5[%mul3A_488, %dma_start3A_496] : memref<204800x128xf32, #tpu.memory_space<hbm>> -> memref<50x128xf32, #tpu.memory_space<hbm>>
      %dma_start3A_498 = arith.constant 0 : i32
      %dma_start3A_499 = arith.constant 0 : i32
      %dma_start3A_500 = tpu.memref_slice %arg9[%dma_start3A_489, %dma_start3A_498, %dma_start3A_499] : memref<4x50x128xf32, #tpu.memory_space<vmem>> -> memref<1x50x128xf32, #tpu.memory_space<vmem>>
      %dma_start3A_501 = tpu.memref_squeeze %dma_start3A_500 : memref<1x50x128xf32, #tpu.memory_space<vmem>> -> memref<50x128xf32, #tpu.memory_space<vmem>>
      tpu.enqueue_dma source(%dma_start3A_501 : memref<50x128xf32, #tpu.memory_space<vmem>>) target(%dma_start3A_497 : memref<50x128xf32, #tpu.memory_space<hbm>>) target_semaphore(%arg16 : memref<!tpu.dma_semaphore, #tpu.memory_space<semaphore_mem>>)
      %lt3A_502 = arith.constant 31 : i32
      %lt3A_503 = arith.cmpi slt, %scan3A_264, %lt3A_502 : i32
      %convert_element_type3A_504 = arith.extui %lt3A_503 : i1 to i32
      %cond3A_505 = arith.constant 0 : i32
      %cond3A_506 = arith.cmpi ne, %convert_element_type3A_504, %cond3A_505 : i32
      scf.if %cond3A_506 {
        %add3A_589 = arith.constant 4 : i32
        %add3A_590 = arith.addi %add3A_428, %add3A_589 : i32
        %dma_start3A_591 = arith.constant 0 : i32
        %dma_start3A_592 = arith.constant 2 : i32
        %dma_start3A_593 = arith.constant 0 : i32
        %dma_start3A_594 = arith.constant 0 : i32
        %dma_start3A_595 = arith.constant 0 : i32
        %dma_start3A_596 = arith.constant 0 : i32
        %dma_start3A_597 = tpu.memref_slice %arg8[%dma_start3A_592, %dma_start3A_594, %dma_start3A_595, %dma_start3A_596] : memref<4x2x100x32xf32, #tpu.memory_space<vmem>> -> memref<1x2x100x32xf32, #tpu.memory_space<vmem>>
        %dma_start3A_598 = tpu.memref_squeeze %dma_start3A_597 : memref<1x2x100x32xf32, #tpu.memory_space<vmem>> -> memref<2x100x32xf32, #tpu.memory_space<vmem>>
        %dma_start3A_599 = arith.constant 0 : i32
        %dma_start3A_600 = arith.constant 0 : i32
        %dma_start3A_601 = tpu.memref_slice %dma_start3A_598[%dma_start3A_593, %dma_start3A_599, %dma_start3A_600] : memref<2x100x32xf32, #tpu.memory_space<vmem>> -> memref<1x100x32xf32, #tpu.memory_space<vmem>>
        %dma_start3A_602 = tpu.memref_squeeze %dma_start3A_601 : memref<1x100x32xf32, #tpu.memory_space<vmem>> -> memref<100x32xf32, #tpu.memory_space<vmem>>
        %dma_start3A_603 = arith.constant 0 : i32
        %dma_start3A_604 = arith.constant 0 : i32
        %dma_start3A_605 = tpu.memref_slice %arg6[%add3A_590, %dma_start3A_603, %dma_start3A_604] : memref<128x2x100xi32, #tpu.memory_space<vmem>> -> memref<1x2x100xi32, #tpu.memory_space<vmem>>
        %dma_start3A_606 = tpu.memref_squeeze %dma_start3A_605 : memref<1x2x100xi32, #tpu.memory_space<vmem>> -> memref<2x100xi32, #tpu.memory_space<vmem>>
        %dma_start3A_607 = arith.constant 0 : i32
        %dma_start3A_608 = tpu.memref_slice %dma_start3A_606[%dma_start3A_591, %dma_start3A_607] : memref<2x100xi32, #tpu.memory_space<vmem>> -> memref<1x100xi32, #tpu.memory_space<vmem>>
        %dma_start3A_609 = tpu.memref_squeeze %dma_start3A_608 : memref<1x100xi32, #tpu.memory_space<vmem>> -> memref<100xi32, #tpu.memory_space<vmem>>
        %dma_start3A_610 = arith.constant 0 : i32
        %dma_start3A_611 = arith.constant 0 : i32
        %dma_start3A_612 = tpu.memref_slice %arg3[%dma_start3A_610, %dma_start3A_611] : memref<1000000x32xf32, #tpu.memory_space<hbm>> -> memref<1000000x32xf32, #tpu.memory_space<hbm>>
        tpu.enqueue_indirect_dma source(%dma_start3A_612 : memref<1000000x32xf32, #tpu.memory_space<hbm>>) target(%dma_start3A_602 : memref<100x32xf32, #tpu.memory_space<vmem>>) offsets(%dma_start3A_609 : memref<100xi32, #tpu.memory_space<vmem>>) semaphore(%arg12 : memref<!tpu.dma_semaphore, #tpu.memory_space<semaphore_mem>>)
        %dma_start3A_613 = arith.constant 1 : i32
        %dma_start3A_614 = arith.constant 2 : i32
        %dma_start3A_615 = arith.constant 1 : i32
        %dma_start3A_616 = arith.constant 0 : i32
        %dma_start3A_617 = arith.constant 0 : i32
        %dma_start3A_618 = arith.constant 0 : i32
        %dma_start3A_619 = tpu.memref_slice %arg8[%dma_start3A_614, %dma_start3A_616, %dma_start3A_617, %dma_start3A_618] : memref<4x2x100x32xf32, #tpu.memory_space<vmem>> -> memref<1x2x100x32xf32, #tpu.memory_space<vmem>>
        %dma_start3A_620 = tpu.memref_squeeze %dma_start3A_619 : memref<1x2x100x32xf32, #tpu.memory_space<vmem>> -> memref<2x100x32xf32, #tpu.memory_space<vmem>>
        %dma_start3A_621 = arith.constant 0 : i32
        %dma_start3A_622 = arith.constant 0 : i32
        %dma_start3A_623 = tpu.memref_slice %dma_start3A_620[%dma_start3A_615, %dma_start3A_621, %dma_start3A_622] : memref<2x100x32xf32, #tpu.memory_space<vmem>> -> memref<1x100x32xf32, #tpu.memory_space<vmem>>
        %dma_start3A_624 = tpu.memref_squeeze %dma_start3A_623 : memref<1x100x32xf32, #tpu.memory_space<vmem>> -> memref<100x32xf32, #tpu.memory_space<vmem>>
        %dma_start3A_625 = arith.constant 0 : i32
        %dma_start3A_626 = arith.constant 0 : i32
        %dma_start3A_627 = tpu.memref_slice %arg6[%add3A_590, %dma_start3A_625, %dma_start3A_626] : memref<128x2x100xi32, #tpu.memory_space<vmem>> -> memref<1x2x100xi32, #tpu.memory_space<vmem>>
        %dma_start3A_628 = tpu.memref_squeeze %dma_start3A_627 : memref<1x2x100xi32, #tpu.memory_space<vmem>> -> memref<2x100xi32, #tpu.memory_space<vmem>>
        %dma_start3A_629 = arith.constant 0 : i32
        %dma_start3A_630 = tpu.memref_slice %dma_start3A_628[%dma_start3A_613, %dma_start3A_629] : memref<2x100xi32, #tpu.memory_space<vmem>> -> memref<1x100xi32, #tpu.memory_space<vmem>>
        %dma_start3A_631 = tpu.memref_squeeze %dma_start3A_630 : memref<1x100xi32, #tpu.memory_space<vmem>> -> memref<100xi32, #tpu.memory_space<vmem>>
        %dma_start3A_632 = arith.constant 0 : i32
        %dma_start3A_633 = arith.constant 0 : i32
        %dma_start3A_634 = tpu.memref_slice %arg3[%dma_start3A_632, %dma_start3A_633] : memref<1000000x32xf32, #tpu.memory_space<hbm>> -> memref<1000000x32xf32, #tpu.memory_space<hbm>>
        tpu.enqueue_indirect_dma source(%dma_start3A_634 : memref<1000000x32xf32, #tpu.memory_space<hbm>>) target(%dma_start3A_624 : memref<100x32xf32, #tpu.memory_space<vmem>>) offsets(%dma_start3A_631 : memref<100xi32, #tpu.memory_space<vmem>>) semaphore(%arg12 : memref<!tpu.dma_semaphore, #tpu.memory_space<semaphore_mem>>)
      } else {
      }
      %mul3A_507 = arith.constant 4 : i32
      %mul3A_508 = arith.muli %scan3A_264, %mul3A_507 : i32
      %add3A_509 = arith.constant 3 : i32
      %add3A_510 = arith.addi %mul3A_508, %add3A_509 : i32
      %dma_wait3A_511 = arith.constant 0 : i32
      %dma_wait3A_512 = arith.constant 3 : i32
      %dma_wait3A_513 = arith.constant 0 : i32
      %dma_wait3A_514 = arith.constant 0 : i32
      %dma_wait3A_515 = arith.constant 0 : i32
      %dma_wait3A_516 = arith.constant 0 : i32
      %dma_wait3A_517 = tpu.memref_slice %arg8[%dma_wait3A_512, %dma_wait3A_514, %dma_wait3A_515, %dma_wait3A_516] : memref<4x2x100x32xf32, #tpu.memory_space<vmem>> -> memref<1x2x100x32xf32, #tpu.memory_space<vmem>>
      %dma_wait3A_518 = tpu.memref_squeeze %dma_wait3A_517 : memref<1x2x100x32xf32, #tpu.memory_space<vmem>> -> memref<2x100x32xf32, #tpu.memory_space<vmem>>
      %dma_wait3A_519 = arith.constant 0 : i32
      %dma_wait3A_520 = arith.constant 0 : i32
      %dma_wait3A_521 = tpu.memref_slice %dma_wait3A_518[%dma_wait3A_513, %dma_wait3A_519, %dma_wait3A_520] : memref<2x100x32xf32, #tpu.memory_space<vmem>> -> memref<1x100x32xf32, #tpu.memory_space<vmem>>
      %dma_wait3A_522 = tpu.memref_squeeze %dma_wait3A_521 : memref<1x100x32xf32, #tpu.memory_space<vmem>> -> memref<100x32xf32, #tpu.memory_space<vmem>>
      %dma_wait3A_523 = arith.constant 0 : i32
      %dma_wait3A_524 = arith.constant 0 : i32
      %dma_wait3A_525 = tpu.memref_slice %arg6[%add3A_510, %dma_wait3A_523, %dma_wait3A_524] : memref<128x2x100xi32, #tpu.memory_space<vmem>> -> memref<1x2x100xi32, #tpu.memory_space<vmem>>
      %dma_wait3A_526 = tpu.memref_squeeze %dma_wait3A_525 : memref<1x2x100xi32, #tpu.memory_space<vmem>> -> memref<2x100xi32, #tpu.memory_space<vmem>>
      %dma_wait3A_527 = arith.constant 0 : i32
      %dma_wait3A_528 = tpu.memref_slice %dma_wait3A_526[%dma_wait3A_511, %dma_wait3A_527] : memref<2x100xi32, #tpu.memory_space<vmem>> -> memref<1x100xi32, #tpu.memory_space<vmem>>
      %dma_wait3A_529 = tpu.memref_squeeze %dma_wait3A_528 : memref<1x100xi32, #tpu.memory_space<vmem>> -> memref<100xi32, #tpu.memory_space<vmem>>
      %dma_wait3A_530 = arith.constant 0 : i32
      %dma_wait3A_531 = arith.constant 0 : i32
      %dma_wait3A_532 = tpu.memref_slice %arg3[%dma_wait3A_530, %dma_wait3A_531] : memref<1000000x32xf32, #tpu.memory_space<hbm>> -> memref<1000000x32xf32, #tpu.memory_space<hbm>>
      tpu.wait_indirect_dma semaphore(%arg13 : memref<!tpu.dma_semaphore, #tpu.memory_space<semaphore_mem>>) src(%dma_wait3A_532 : memref<1000000x32xf32, #tpu.memory_space<hbm>>) dst(%dma_wait3A_522 : memref<100x32xf32, #tpu.memory_space<vmem>>)
      %dma_wait3A_533 = arith.constant 1 : i32
      %dma_wait3A_534 = arith.constant 3 : i32
      %dma_wait3A_535 = arith.constant 1 : i32
      %dma_wait3A_536 = arith.constant 0 : i32
      %dma_wait3A_537 = arith.constant 0 : i32
      %dma_wait3A_538 = arith.constant 0 : i32
      %dma_wait3A_539 = tpu.memref_slice %arg8[%dma_wait3A_534, %dma_wait3A_536, %dma_wait3A_537, %dma_wait3A_538] : memref<4x2x100x32xf32, #tpu.memory_space<vmem>> -> memref<1x2x100x32xf32, #tpu.memory_space<vmem>>
      %dma_wait3A_540 = tpu.memref_squeeze %dma_wait3A_539 : memref<1x2x100x32xf32, #tpu.memory_space<vmem>> -> memref<2x100x32xf32, #tpu.memory_space<vmem>>
      %dma_wait3A_541 = arith.constant 0 : i32
      %dma_wait3A_542 = arith.constant 0 : i32
      %dma_wait3A_543 = tpu.memref_slice %dma_wait3A_540[%dma_wait3A_535, %dma_wait3A_541, %dma_wait3A_542] : memref<2x100x32xf32, #tpu.memory_space<vmem>> -> memref<1x100x32xf32, #tpu.memory_space<vmem>>
      %dma_wait3A_544 = tpu.memref_squeeze %dma_wait3A_543 : memref<1x100x32xf32, #tpu.memory_space<vmem>> -> memref<100x32xf32, #tpu.memory_space<vmem>>
      %dma_wait3A_545 = arith.constant 0 : i32
      %dma_wait3A_546 = arith.constant 0 : i32
      %dma_wait3A_547 = tpu.memref_slice %arg6[%add3A_510, %dma_wait3A_545, %dma_wait3A_546] : memref<128x2x100xi32, #tpu.memory_space<vmem>> -> memref<1x2x100xi32, #tpu.memory_space<vmem>>
      %dma_wait3A_548 = tpu.memref_squeeze %dma_wait3A_547 : memref<1x2x100xi32, #tpu.memory_space<vmem>> -> memref<2x100xi32, #tpu.memory_space<vmem>>
      %dma_wait3A_549 = arith.constant 0 : i32
      %dma_wait3A_550 = tpu.memref_slice %dma_wait3A_548[%dma_wait3A_533, %dma_wait3A_549] : memref<2x100xi32, #tpu.memory_space<vmem>> -> memref<1x100xi32, #tpu.memory_space<vmem>>
      %dma_wait3A_551 = tpu.memref_squeeze %dma_wait3A_550 : memref<1x100xi32, #tpu.memory_space<vmem>> -> memref<100xi32, #tpu.memory_space<vmem>>
      %dma_wait3A_552 = arith.constant 0 : i32
      %dma_wait3A_553 = arith.constant 0 : i32
      %dma_wait3A_554 = tpu.memref_slice %arg3[%dma_wait3A_552, %dma_wait3A_553] : memref<1000000x32xf32, #tpu.memory_space<hbm>> -> memref<1000000x32xf32, #tpu.memory_space<hbm>>
      tpu.wait_indirect_dma semaphore(%arg13 : memref<!tpu.dma_semaphore, #tpu.memory_space<semaphore_mem>>) src(%dma_wait3A_554 : memref<1000000x32xf32, #tpu.memory_space<hbm>>) dst(%dma_wait3A_544 : memref<100x32xf32, #tpu.memory_space<vmem>>)
      %gt3A_555 = arith.constant 0 : i32
      %gt3A_556 = arith.cmpi sgt, %scan3A_264, %gt3A_555 : i32
      %convert_element_type3A_557 = arith.extui %gt3A_556 : i1 to i32
      %cond3A_558 = arith.constant 0 : i32
      %cond3A_559 = arith.cmpi ne, %convert_element_type3A_557, %cond3A_558 : i32
      scf.if %cond3A_559 {
        %sub3A = arith.constant 4 : i32
        %sub3A_589 = arith.subi %add3A_510, %sub3A : i32
        %mul3A_590 = arith.constant 128 : i32
        %mul3A_591 = arith.muli %add3A, %mul3A_590 : i32
        %add3A_592 = arith.addi %mul3A_591, %sub3A_589 : i32
        %mul3A_593 = arith.constant 50 : i32
        %mul3A_594 = arith.muli %add3A_592, %mul3A_593 : i32
        %dma_wait3A_595 = arith.constant 3 : i32
        %dma_wait3A_596 = arith.constant 0 : i32
        %dma_wait3A_597 = arith.constant 0 : i32
        %dma_wait3A_598 = tpu.memref_slice %arg9[%dma_wait3A_595, %dma_wait3A_596, %dma_wait3A_597] : memref<4x50x128xf32, #tpu.memory_space<vmem>> -> memref<1x50x128xf32, #tpu.memory_space<vmem>>
        %dma_wait3A_599 = tpu.memref_squeeze %dma_wait3A_598 : memref<1x50x128xf32, #tpu.memory_space<vmem>> -> memref<50x128xf32, #tpu.memory_space<vmem>>
        %dma_wait3A_600 = arith.constant 0 : i32
        %dma_wait3A_601 = tpu.memref_slice %arg5[%mul3A_594, %dma_wait3A_600] : memref<204800x128xf32, #tpu.memory_space<hbm>> -> memref<50x128xf32, #tpu.memory_space<hbm>>
        %dma_wait3A_602 = arith.constant 0 : i32
        %dma_wait3A_603 = tpu.memref_slice %arg5[%mul3A_594, %dma_wait3A_602] : memref<204800x128xf32, #tpu.memory_space<hbm>> -> memref<50x128xf32, #tpu.memory_space<hbm>>
        %dma_wait3A_604 = arith.constant 0 : i32
        %dma_wait3A_605 = arith.constant 0 : i32
        %dma_wait3A_606 = tpu.memref_slice %arg9[%dma_wait3A_595, %dma_wait3A_604, %dma_wait3A_605] : memref<4x50x128xf32, #tpu.memory_space<vmem>> -> memref<1x50x128xf32, #tpu.memory_space<vmem>>
        %dma_wait3A_607 = tpu.memref_squeeze %dma_wait3A_606 : memref<1x50x128xf32, #tpu.memory_space<vmem>> -> memref<50x128xf32, #tpu.memory_space<vmem>>
        tpu.wait_dma2 semaphore(%arg17 : memref<!tpu.dma_semaphore, #tpu.memory_space<semaphore_mem>>) src(%dma_wait3A_607 : memref<50x128xf32, #tpu.memory_space<vmem>>) dst(%dma_wait3A_603 : memref<50x128xf32, #tpu.memory_space<hbm>>)
      } else {
      }
      %scan3A_560 = arith.constant 0 : i32
      %scan3A_561 = arith.constant 0 : i32
      %scan3A_562 = arith.constant 25 : i32
      %scan3A_563 = arith.addi %scan3A_561, %scan3A_562 : i32
      %scan3A_564 = arith.constant 1 : i32
      scf.for %scan3A_589 = %scan3A_561 to %scan3A_563 step %scan3A_564  : i32 {
        %mul3A_590 = arith.constant 4 : i32
        %mul3A_591 = arith.muli %scan3A_589, %mul3A_590 : i32
        %add3A_592 = arith.constant 0 : i32
        %add3A_593 = arith.addi %mul3A_591, %add3A_592 : i32
        %get3A = arith.constant 3 : i32
        %get3A_594 = arith.constant 0 : i32
        %get3A_595 = arith.index_cast %get3A : i32 to index
        %get3A_596 = arith.index_cast %get3A_594 : i32 to index
        %get3A_597 = arith.index_cast %add3A_593 : i32 to index
        %get3A_598 = arith.constant 0 : index
        %get3A_599 = tpu.vector_load %arg8[%get3A_595, %get3A_596, %get3A_597, %get3A_598] {strides = array<i32>} : memref<4x2x100x32xf32, #tpu.memory_space<vmem>>, vector<1x1x1x16xf32>,
        %get3A_600 = vector.shape_cast %get3A_599 : vector<1x1x1x16xf32> to vector<16xf32>
        %add3A_601 = arith.constant 0 : i32
        %add3A_602 = arith.addi %add3A_601, %scan3A_589 : i32
        %get3A_603 = arith.index_cast %add3A_602 : i32 to index
        %get3A_604 = arith.constant 0 : index
        %get3A_605 = tpu.vector_load %arg7[%get3A_603, %get3A_604] {strides = array<i32>} : memref<50x128xf32, #tpu.memory_space<vmem>>, vector<1x16xf32>,
        %get3A_606 = vector.shape_cast %get3A_605 : vector<1x16xf32> to vector<16xf32>
        %add3A_607 = arith.addf %get3A_600, %get3A_606 : vector<16xf32>
        %add3A_608 = arith.constant 0 : i32
        %add3A_609 = arith.addi %add3A_608, %scan3A_589 : i32
        %swap3A = arith.constant 3 : i32
        %swap3A_610 = arith.index_cast %swap3A : i32 to index
        %swap3A_611 = arith.index_cast %add3A_609 : i32 to index
        %swap3A_612 = arith.constant 0 : index
        %swap3A_613 = tpu.vector_load %arg9[%swap3A_610, %swap3A_611, %swap3A_612] {strides = array<i32>} : memref<4x50x128xf32, #tpu.memory_space<vmem>>, vector<1x1x16xf32>,
        %swap3A_614 = vector.shape_cast %swap3A_613 : vector<1x1x16xf32> to vector<16xf32>
        %swap3A_615 = vector.shape_cast %add3A_607 : vector<16xf32> to vector<1x1x16xf32>
        tpu.vector_store %arg9[%swap3A_610, %swap3A_611, %swap3A_612], %swap3A_615 {strides = array<i32>} : memref<4x50x128xf32, #tpu.memory_space<vmem>>, vector<1x1x16xf32>,
        %mul3A_616 = arith.constant 4 : i32
        %mul3A_617 = arith.muli %scan3A_589, %mul3A_616 : i32
        %add3A_618 = arith.constant 0 : i32
        %add3A_619 = arith.addi %mul3A_617, %add3A_618 : i32
        %get3A_620 = arith.constant 3 : i32
        %get3A_621 = arith.constant 0 : i32
        %get3A_622 = arith.index_cast %get3A_620 : i32 to index
        %get3A_623 = arith.index_cast %get3A_621 : i32 to index
        %get3A_624 = arith.index_cast %add3A_619 : i32 to index
        %get3A_625 = arith.constant 16 : index
        %get3A_626 = tpu.vector_load %arg8[%get3A_622, %get3A_623, %get3A_624, %get3A_625] {strides = array<i32>} : memref<4x2x100x32xf32, #tpu.memory_space<vmem>>, vector<1x1x1x16xf32>,
        %get3A_627 = vector.shape_cast %get3A_626 : vector<1x1x1x16xf32> to vector<16xf32>
        %add3A_628 = arith.constant 0 : i32
        %add3A_629 = arith.addi %add3A_628, %scan3A_589 : i32
        %get3A_630 = arith.index_cast %add3A_629 : i32 to index
        %get3A_631 = arith.constant 16 : index
        %get3A_632 = tpu.vector_load %arg7[%get3A_630, %get3A_631] {strides = array<i32>} : memref<50x128xf32, #tpu.memory_space<vmem>>, vector<1x16xf32>,
        %get3A_633 = vector.shape_cast %get3A_632 : vector<1x16xf32> to vector<16xf32>
        %add3A_634 = arith.addf %get3A_627, %get3A_633 : vector<16xf32>
        %add3A_635 = arith.constant 0 : i32
        %add3A_636 = arith.addi %add3A_635, %scan3A_589 : i32
        %swap3A_637 = arith.constant 3 : i32
        %swap3A_638 = arith.index_cast %swap3A_637 : i32 to index
        %swap3A_639 = arith.index_cast %add3A_636 : i32 to index
        %swap3A_640 = arith.constant 16 : index
        %swap3A_641 = tpu.vector_load %arg9[%swap3A_638, %swap3A_639, %swap3A_640] {strides = array<i32>} : memref<4x50x128xf32, #tpu.memory_space<vmem>>, vector<1x1x16xf32>,
        %swap3A_642 = vector.shape_cast %swap3A_641 : vector<1x1x16xf32> to vector<16xf32>
        %swap3A_643 = vector.shape_cast %add3A_634 : vector<16xf32> to vector<1x1x16xf32>
        tpu.vector_store %arg9[%swap3A_638, %swap3A_639, %swap3A_640], %swap3A_643 {strides = array<i32>} : memref<4x50x128xf32, #tpu.memory_space<vmem>>, vector<1x1x16xf32>,
        %mul3A_644 = arith.constant 4 : i32
        %mul3A_645 = arith.muli %scan3A_589, %mul3A_644 : i32
        %add3A_646 = arith.constant 1 : i32
        %add3A_647 = arith.addi %mul3A_645, %add3A_646 : i32
        %get3A_648 = arith.constant 3 : i32
        %get3A_649 = arith.constant 0 : i32
        %get3A_650 = arith.index_cast %get3A_648 : i32 to index
        %get3A_651 = arith.index_cast %get3A_649 : i32 to index
        %get3A_652 = arith.index_cast %add3A_647 : i32 to index
        %get3A_653 = arith.constant 0 : index
        %get3A_654 = tpu.vector_load %arg8[%get3A_650, %get3A_651, %get3A_652, %get3A_653] {strides = array<i32>} : memref<4x2x100x32xf32, #tpu.memory_space<vmem>>, vector<1x1x1x16xf32>,
        %get3A_655 = vector.shape_cast %get3A_654 : vector<1x1x1x16xf32> to vector<16xf32>
        %add3A_656 = arith.constant 0 : i32
        %add3A_657 = arith.addi %add3A_656, %scan3A_589 : i32
        %get3A_658 = arith.index_cast %add3A_657 : i32 to index
        %get3A_659 = arith.constant 32 : index
        %get3A_660 = tpu.vector_load %arg7[%get3A_658, %get3A_659] {strides = array<i32>} : memref<50x128xf32, #tpu.memory_space<vmem>>, vector<1x16xf32>,
        %get3A_661 = vector.shape_cast %get3A_660 : vector<1x16xf32> to vector<16xf32>
        %add3A_662 = arith.addf %get3A_655, %get3A_661 : vector<16xf32>
        %add3A_663 = arith.constant 0 : i32
        %add3A_664 = arith.addi %add3A_663, %scan3A_589 : i32
        %swap3A_665 = arith.constant 3 : i32
        %swap3A_666 = arith.index_cast %swap3A_665 : i32 to index
        %swap3A_667 = arith.index_cast %add3A_664 : i32 to index
        %swap3A_668 = arith.constant 32 : index
        %swap3A_669 = tpu.vector_load %arg9[%swap3A_666, %swap3A_667, %swap3A_668] {strides = array<i32>} : memref<4x50x128xf32, #tpu.memory_space<vmem>>, vector<1x1x16xf32>,
        %swap3A_670 = vector.shape_cast %swap3A_669 : vector<1x1x16xf32> to vector<16xf32>
        %swap3A_671 = vector.shape_cast %add3A_662 : vector<16xf32> to vector<1x1x16xf32>
        tpu.vector_store %arg9[%swap3A_666, %swap3A_667, %swap3A_668], %swap3A_671 {strides = array<i32>} : memref<4x50x128xf32, #tpu.memory_space<vmem>>, vector<1x1x16xf32>,
        %mul3A_672 = arith.constant 4 : i32
        %mul3A_673 = arith.muli %scan3A_589, %mul3A_672 : i32
        %add3A_674 = arith.constant 1 : i32
        %add3A_675 = arith.addi %mul3A_673, %add3A_674 : i32
        %get3A_676 = arith.constant 3 : i32
        %get3A_677 = arith.constant 0 : i32
        %get3A_678 = arith.index_cast %get3A_676 : i32 to index
        %get3A_679 = arith.index_cast %get3A_677 : i32 to index
        %get3A_680 = arith.index_cast %add3A_675 : i32 to index
        %get3A_681 = arith.constant 16 : index
        %get3A_682 = tpu.vector_load %arg8[%get3A_678, %get3A_679, %get3A_680, %get3A_681] {strides = array<i32>} : memref<4x2x100x32xf32, #tpu.memory_space<vmem>>, vector<1x1x1x16xf32>,
        %get3A_683 = vector.shape_cast %get3A_682 : vector<1x1x1x16xf32> to vector<16xf32>
        %add3A_684 = arith.constant 0 : i32
        %add3A_685 = arith.addi %add3A_684, %scan3A_589 : i32
        %get3A_686 = arith.index_cast %add3A_685 : i32 to index
        %get3A_687 = arith.constant 48 : index
        %get3A_688 = tpu.vector_load %arg7[%get3A_686, %get3A_687] {strides = array<i32>} : memref<50x128xf32, #tpu.memory_space<vmem>>, vector<1x16xf32>,
        %get3A_689 = vector.shape_cast %get3A_688 : vector<1x16xf32> to vector<16xf32>
        %add3A_690 = arith.addf %get3A_683, %get3A_689 : vector<16xf32>
        %add3A_691 = arith.constant 0 : i32
        %add3A_692 = arith.addi %add3A_691, %scan3A_589 : i32
        %swap3A_693 = arith.constant 3 : i32
        %swap3A_694 = arith.index_cast %swap3A_693 : i32 to index
        %swap3A_695 = arith.index_cast %add3A_692 : i32 to index
        %swap3A_696 = arith.constant 48 : index
        %swap3A_697 = tpu.vector_load %arg9[%swap3A_694, %swap3A_695, %swap3A_696] {strides = array<i32>} : memref<4x50x128xf32, #tpu.memory_space<vmem>>, vector<1x1x16xf32>,
        %swap3A_698 = vector.shape_cast %swap3A_697 : vector<1x1x16xf32> to vector<16xf32>
        %swap3A_699 = vector.shape_cast %add3A_690 : vector<16xf32> to vector<1x1x16xf32>
        tpu.vector_store %arg9[%swap3A_694, %swap3A_695, %swap3A_696], %swap3A_699 {strides = array<i32>} : memref<4x50x128xf32, #tpu.memory_space<vmem>>, vector<1x1x16xf32>,
        %mul3A_700 = arith.constant 4 : i32
        %mul3A_701 = arith.muli %scan3A_589, %mul3A_700 : i32
        %add3A_702 = arith.constant 2 : i32
        %add3A_703 = arith.addi %mul3A_701, %add3A_702 : i32
        %get3A_704 = arith.constant 3 : i32
        %get3A_705 = arith.constant 0 : i32
        %get3A_706 = arith.index_cast %get3A_704 : i32 to index
        %get3A_707 = arith.index_cast %get3A_705 : i32 to index
        %get3A_708 = arith.index_cast %add3A_703 : i32 to index
        %get3A_709 = arith.constant 0 : index
        %get3A_710 = tpu.vector_load %arg8[%get3A_706, %get3A_707, %get3A_708, %get3A_709] {strides = array<i32>} : memref<4x2x100x32xf32, #tpu.memory_space<vmem>>, vector<1x1x1x16xf32>,
        %get3A_711 = vector.shape_cast %get3A_710 : vector<1x1x1x16xf32> to vector<16xf32>
        %add3A_712 = arith.constant 0 : i32
        %add3A_713 = arith.addi %add3A_712, %scan3A_589 : i32
        %get3A_714 = arith.index_cast %add3A_713 : i32 to index
        %get3A_715 = arith.constant 64 : index
        %get3A_716 = tpu.vector_load %arg7[%get3A_714, %get3A_715] {strides = array<i32>} : memref<50x128xf32, #tpu.memory_space<vmem>>, vector<1x16xf32>,
        %get3A_717 = vector.shape_cast %get3A_716 : vector<1x16xf32> to vector<16xf32>
        %add3A_718 = arith.addf %get3A_711, %get3A_717 : vector<16xf32>
        %add3A_719 = arith.constant 0 : i32
        %add3A_720 = arith.addi %add3A_719, %scan3A_589 : i32
        %swap3A_721 = arith.constant 3 : i32
        %swap3A_722 = arith.index_cast %swap3A_721 : i32 to index
        %swap3A_723 = arith.index_cast %add3A_720 : i32 to index
        %swap3A_724 = arith.constant 64 : index
        %swap3A_725 = tpu.vector_load %arg9[%swap3A_722, %swap3A_723, %swap3A_724] {strides = array<i32>} : memref<4x50x128xf32, #tpu.memory_space<vmem>>, vector<1x1x16xf32>,
        %swap3A_726 = vector.shape_cast %swap3A_725 : vector<1x1x16xf32> to vector<16xf32>
        %swap3A_727 = vector.shape_cast %add3A_718 : vector<16xf32> to vector<1x1x16xf32>
        tpu.vector_store %arg9[%swap3A_722, %swap3A_723, %swap3A_724], %swap3A_727 {strides = array<i32>} : memref<4x50x128xf32, #tpu.memory_space<vmem>>, vector<1x1x16xf32>,
        %mul3A_728 = arith.constant 4 : i32
        %mul3A_729 = arith.muli %scan3A_589, %mul3A_728 : i32
        %add3A_730 = arith.constant 2 : i32
        %add3A_731 = arith.addi %mul3A_729, %add3A_730 : i32
        %get3A_732 = arith.constant 3 : i32
        %get3A_733 = arith.constant 0 : i32
        %get3A_734 = arith.index_cast %get3A_732 : i32 to index
        %get3A_735 = arith.index_cast %get3A_733 : i32 to index
        %get3A_736 = arith.index_cast %add3A_731 : i32 to index
        %get3A_737 = arith.constant 16 : index
        %get3A_738 = tpu.vector_load %arg8[%get3A_734, %get3A_735, %get3A_736, %get3A_737] {strides = array<i32>} : memref<4x2x100x32xf32, #tpu.memory_space<vmem>>, vector<1x1x1x16xf32>,
        %get3A_739 = vector.shape_cast %get3A_738 : vector<1x1x1x16xf32> to vector<16xf32>
        %add3A_740 = arith.constant 0 : i32
        %add3A_741 = arith.addi %add3A_740, %scan3A_589 : i32
        %get3A_742 = arith.index_cast %add3A_741 : i32 to index
        %get3A_743 = arith.constant 80 : index
        %get3A_744 = tpu.vector_load %arg7[%get3A_742, %get3A_743] {strides = array<i32>} : memref<50x128xf32, #tpu.memory_space<vmem>>, vector<1x16xf32>,
        %get3A_745 = vector.shape_cast %get3A_744 : vector<1x16xf32> to vector<16xf32>
        %add3A_746 = arith.addf %get3A_739, %get3A_745 : vector<16xf32>
        %add3A_747 = arith.constant 0 : i32
        %add3A_748 = arith.addi %add3A_747, %scan3A_589 : i32
        %swap3A_749 = arith.constant 3 : i32
        %swap3A_750 = arith.index_cast %swap3A_749 : i32 to index
        %swap3A_751 = arith.index_cast %add3A_748 : i32 to index
        %swap3A_752 = arith.constant 80 : index
        %swap3A_753 = tpu.vector_load %arg9[%swap3A_750, %swap3A_751, %swap3A_752] {strides = array<i32>} : memref<4x50x128xf32, #tpu.memory_space<vmem>>, vector<1x1x16xf32>,
        %swap3A_754 = vector.shape_cast %swap3A_753 : vector<1x1x16xf32> to vector<16xf32>
        %swap3A_755 = vector.shape_cast %add3A_746 : vector<16xf32> to vector<1x1x16xf32>
        tpu.vector_store %arg9[%swap3A_750, %swap3A_751, %swap3A_752], %swap3A_755 {strides = array<i32>} : memref<4x50x128xf32, #tpu.memory_space<vmem>>, vector<1x1x16xf32>,
        %mul3A_756 = arith.constant 4 : i32
        %mul3A_757 = arith.muli %scan3A_589, %mul3A_756 : i32
        %add3A_758 = arith.constant 3 : i32
        %add3A_759 = arith.addi %mul3A_757, %add3A_758 : i32
        %get3A_760 = arith.constant 3 : i32
        %get3A_761 = arith.constant 0 : i32
        %get3A_762 = arith.index_cast %get3A_760 : i32 to index
        %get3A_763 = arith.index_cast %get3A_761 : i32 to index
        %get3A_764 = arith.index_cast %add3A_759 : i32 to index
        %get3A_765 = arith.constant 0 : index
        %get3A_766 = tpu.vector_load %arg8[%get3A_762, %get3A_763, %get3A_764, %get3A_765] {strides = array<i32>} : memref<4x2x100x32xf32, #tpu.memory_space<vmem>>, vector<1x1x1x16xf32>,
        %get3A_767 = vector.shape_cast %get3A_766 : vector<1x1x1x16xf32> to vector<16xf32>
        %add3A_768 = arith.constant 0 : i32
        %add3A_769 = arith.addi %add3A_768, %scan3A_589 : i32
        %get3A_770 = arith.index_cast %add3A_769 : i32 to index
        %get3A_771 = arith.constant 96 : index
        %get3A_772 = tpu.vector_load %arg7[%get3A_770, %get3A_771] {strides = array<i32>} : memref<50x128xf32, #tpu.memory_space<vmem>>, vector<1x16xf32>,
        %get3A_773 = vector.shape_cast %get3A_772 : vector<1x16xf32> to vector<16xf32>
        %add3A_774 = arith.addf %get3A_767, %get3A_773 : vector<16xf32>
        %add3A_775 = arith.constant 0 : i32
        %add3A_776 = arith.addi %add3A_775, %scan3A_589 : i32
        %swap3A_777 = arith.constant 3 : i32
        %swap3A_778 = arith.index_cast %swap3A_777 : i32 to index
        %swap3A_779 = arith.index_cast %add3A_776 : i32 to index
        %swap3A_780 = arith.constant 96 : index
        %swap3A_781 = tpu.vector_load %arg9[%swap3A_778, %swap3A_779, %swap3A_780] {strides = array<i32>} : memref<4x50x128xf32, #tpu.memory_space<vmem>>, vector<1x1x16xf32>,
        %swap3A_782 = vector.shape_cast %swap3A_781 : vector<1x1x16xf32> to vector<16xf32>
        %swap3A_783 = vector.shape_cast %add3A_774 : vector<16xf32> to vector<1x1x16xf32>
        tpu.vector_store %arg9[%swap3A_778, %swap3A_779, %swap3A_780], %swap3A_783 {strides = array<i32>} : memref<4x50x128xf32, #tpu.memory_space<vmem>>, vector<1x1x16xf32>,
        %mul3A_784 = arith.constant 4 : i32
        %mul3A_785 = arith.muli %scan3A_589, %mul3A_784 : i32
        %add3A_786 = arith.constant 3 : i32
        %add3A_787 = arith.addi %mul3A_785, %add3A_786 : i32
        %get3A_788 = arith.constant 3 : i32
        %get3A_789 = arith.constant 0 : i32
        %get3A_790 = arith.index_cast %get3A_788 : i32 to index
        %get3A_791 = arith.index_cast %get3A_789 : i32 to index
        %get3A_792 = arith.index_cast %add3A_787 : i32 to index
        %get3A_793 = arith.constant 16 : index
        %get3A_794 = tpu.vector_load %arg8[%get3A_790, %get3A_791, %get3A_792, %get3A_793] {strides = array<i32>} : memref<4x2x100x32xf32, #tpu.memory_space<vmem>>, vector<1x1x1x16xf32>,
        %get3A_795 = vector.shape_cast %get3A_794 : vector<1x1x1x16xf32> to vector<16xf32>
        %add3A_796 = arith.constant 0 : i32
        %add3A_797 = arith.addi %add3A_796, %scan3A_589 : i32
        %get3A_798 = arith.index_cast %add3A_797 : i32 to index
        %get3A_799 = arith.constant 112 : index
        %get3A_800 = tpu.vector_load %arg7[%get3A_798, %get3A_799] {strides = array<i32>} : memref<50x128xf32, #tpu.memory_space<vmem>>, vector<1x16xf32>,
        %get3A_801 = vector.shape_cast %get3A_800 : vector<1x16xf32> to vector<16xf32>
        %add3A_802 = arith.addf %get3A_795, %get3A_801 : vector<16xf32>
        %add3A_803 = arith.constant 0 : i32
        %add3A_804 = arith.addi %add3A_803, %scan3A_589 : i32
        %swap3A_805 = arith.constant 3 : i32
        %swap3A_806 = arith.index_cast %swap3A_805 : i32 to index
        %swap3A_807 = arith.index_cast %add3A_804 : i32 to index
        %swap3A_808 = arith.constant 112 : index
        %swap3A_809 = tpu.vector_load %arg9[%swap3A_806, %swap3A_807, %swap3A_808] {strides = array<i32>} : memref<4x50x128xf32, #tpu.memory_space<vmem>>, vector<1x1x16xf32>,
        %swap3A_810 = vector.shape_cast %swap3A_809 : vector<1x1x16xf32> to vector<16xf32>
        %swap3A_811 = vector.shape_cast %add3A_802 : vector<16xf32> to vector<1x1x16xf32>
        tpu.vector_store %arg9[%swap3A_806, %swap3A_807, %swap3A_808], %swap3A_811 {strides = array<i32>} : memref<4x50x128xf32, #tpu.memory_space<vmem>>, vector<1x1x16xf32>,
        %mul3A_812 = arith.constant 4 : i32
        %mul3A_813 = arith.muli %scan3A_589, %mul3A_812 : i32
        %add3A_814 = arith.constant 0 : i32
        %add3A_815 = arith.addi %mul3A_813, %add3A_814 : i32
        %get3A_816 = arith.constant 3 : i32
        %get3A_817 = arith.constant 1 : i32
        %get3A_818 = arith.index_cast %get3A_816 : i32 to index
        %get3A_819 = arith.index_cast %get3A_817 : i32 to index
        %get3A_820 = arith.index_cast %add3A_815 : i32 to index
        %get3A_821 = arith.constant 0 : index
        %get3A_822 = tpu.vector_load %arg8[%get3A_818, %get3A_819, %get3A_820, %get3A_821] {strides = array<i32>} : memref<4x2x100x32xf32, #tpu.memory_space<vmem>>, vector<1x1x1x16xf32>,
        %get3A_823 = vector.shape_cast %get3A_822 : vector<1x1x1x16xf32> to vector<16xf32>
        %add3A_824 = arith.constant 25 : i32
        %add3A_825 = arith.addi %add3A_824, %scan3A_589 : i32
        %get3A_826 = arith.index_cast %add3A_825 : i32 to index
        %get3A_827 = arith.constant 0 : index
        %get3A_828 = tpu.vector_load %arg7[%get3A_826, %get3A_827] {strides = array<i32>} : memref<50x128xf32, #tpu.memory_space<vmem>>, vector<1x16xf32>,
        %get3A_829 = vector.shape_cast %get3A_828 : vector<1x16xf32> to vector<16xf32>
        %add3A_830 = arith.addf %get3A_823, %get3A_829 : vector<16xf32>
        %add3A_831 = arith.constant 25 : i32
        %add3A_832 = arith.addi %add3A_831, %scan3A_589 : i32
        %swap3A_833 = arith.constant 3 : i32
        %swap3A_834 = arith.index_cast %swap3A_833 : i32 to index
        %swap3A_835 = arith.index_cast %add3A_832 : i32 to index
        %swap3A_836 = arith.constant 0 : index
        %swap3A_837 = tpu.vector_load %arg9[%swap3A_834, %swap3A_835, %swap3A_836] {strides = array<i32>} : memref<4x50x128xf32, #tpu.memory_space<vmem>>, vector<1x1x16xf32>,
        %swap3A_838 = vector.shape_cast %swap3A_837 : vector<1x1x16xf32> to vector<16xf32>
        %swap3A_839 = vector.shape_cast %add3A_830 : vector<16xf32> to vector<1x1x16xf32>
        tpu.vector_store %arg9[%swap3A_834, %swap3A_835, %swap3A_836], %swap3A_839 {strides = array<i32>} : memref<4x50x128xf32, #tpu.memory_space<vmem>>, vector<1x1x16xf32>,
        %mul3A_840 = arith.constant 4 : i32
        %mul3A_841 = arith.muli %scan3A_589, %mul3A_840 : i32
        %add3A_842 = arith.constant 0 : i32
        %add3A_843 = arith.addi %mul3A_841, %add3A_842 : i32
        %get3A_844 = arith.constant 3 : i32
        %get3A_845 = arith.constant 1 : i32
        %get3A_846 = arith.index_cast %get3A_844 : i32 to index
        %get3A_847 = arith.index_cast %get3A_845 : i32 to index
        %get3A_848 = arith.index_cast %add3A_843 : i32 to index
        %get3A_849 = arith.constant 16 : index
        %get3A_850 = tpu.vector_load %arg8[%get3A_846, %get3A_847, %get3A_848, %get3A_849] {strides = array<i32>} : memref<4x2x100x32xf32, #tpu.memory_space<vmem>>, vector<1x1x1x16xf32>,
        %get3A_851 = vector.shape_cast %get3A_850 : vector<1x1x1x16xf32> to vector<16xf32>
        %add3A_852 = arith.constant 25 : i32
        %add3A_853 = arith.addi %add3A_852, %scan3A_589 : i32
        %get3A_854 = arith.index_cast %add3A_853 : i32 to index
        %get3A_855 = arith.constant 16 : index
        %get3A_856 = tpu.vector_load %arg7[%get3A_854, %get3A_855] {strides = array<i32>} : memref<50x128xf32, #tpu.memory_space<vmem>>, vector<1x16xf32>,
        %get3A_857 = vector.shape_cast %get3A_856 : vector<1x16xf32> to vector<16xf32>
        %add3A_858 = arith.addf %get3A_851, %get3A_857 : vector<16xf32>
        %add3A_859 = arith.constant 25 : i32
        %add3A_860 = arith.addi %add3A_859, %scan3A_589 : i32
        %swap3A_861 = arith.constant 3 : i32
        %swap3A_862 = arith.index_cast %swap3A_861 : i32 to index
        %swap3A_863 = arith.index_cast %add3A_860 : i32 to index
        %swap3A_864 = arith.constant 16 : index
        %swap3A_865 = tpu.vector_load %arg9[%swap3A_862, %swap3A_863, %swap3A_864] {strides = array<i32>} : memref<4x50x128xf32, #tpu.memory_space<vmem>>, vector<1x1x16xf32>,
        %swap3A_866 = vector.shape_cast %swap3A_865 : vector<1x1x16xf32> to vector<16xf32>
        %swap3A_867 = vector.shape_cast %add3A_858 : vector<16xf32> to vector<1x1x16xf32>
        tpu.vector_store %arg9[%swap3A_862, %swap3A_863, %swap3A_864], %swap3A_867 {strides = array<i32>} : memref<4x50x128xf32, #tpu.memory_space<vmem>>, vector<1x1x16xf32>,
        %mul3A_868 = arith.constant 4 : i32
        %mul3A_869 = arith.muli %scan3A_589, %mul3A_868 : i32
        %add3A_870 = arith.constant 1 : i32
        %add3A_871 = arith.addi %mul3A_869, %add3A_870 : i32
        %get3A_872 = arith.constant 3 : i32
        %get3A_873 = arith.constant 1 : i32
        %get3A_874 = arith.index_cast %get3A_872 : i32 to index
        %get3A_875 = arith.index_cast %get3A_873 : i32 to index
        %get3A_876 = arith.index_cast %add3A_871 : i32 to index
        %get3A_877 = arith.constant 0 : index
        %get3A_878 = tpu.vector_load %arg8[%get3A_874, %get3A_875, %get3A_876, %get3A_877] {strides = array<i32>} : memref<4x2x100x32xf32, #tpu.memory_space<vmem>>, vector<1x1x1x16xf32>,
        %get3A_879 = vector.shape_cast %get3A_878 : vector<1x1x1x16xf32> to vector<16xf32>
        %add3A_880 = arith.constant 25 : i32
        %add3A_881 = arith.addi %add3A_880, %scan3A_589 : i32
        %get3A_882 = arith.index_cast %add3A_881 : i32 to index
        %get3A_883 = arith.constant 32 : index
        %get3A_884 = tpu.vector_load %arg7[%get3A_882, %get3A_883] {strides = array<i32>} : memref<50x128xf32, #tpu.memory_space<vmem>>, vector<1x16xf32>,
        %get3A_885 = vector.shape_cast %get3A_884 : vector<1x16xf32> to vector<16xf32>
        %add3A_886 = arith.addf %get3A_879, %get3A_885 : vector<16xf32>
        %add3A_887 = arith.constant 25 : i32
        %add3A_888 = arith.addi %add3A_887, %scan3A_589 : i32
        %swap3A_889 = arith.constant 3 : i32
        %swap3A_890 = arith.index_cast %swap3A_889 : i32 to index
        %swap3A_891 = arith.index_cast %add3A_888 : i32 to index
        %swap3A_892 = arith.constant 32 : index
        %swap3A_893 = tpu.vector_load %arg9[%swap3A_890, %swap3A_891, %swap3A_892] {strides = array<i32>} : memref<4x50x128xf32, #tpu.memory_space<vmem>>, vector<1x1x16xf32>,
        %swap3A_894 = vector.shape_cast %swap3A_893 : vector<1x1x16xf32> to vector<16xf32>
        %swap3A_895 = vector.shape_cast %add3A_886 : vector<16xf32> to vector<1x1x16xf32>
        tpu.vector_store %arg9[%swap3A_890, %swap3A_891, %swap3A_892], %swap3A_895 {strides = array<i32>} : memref<4x50x128xf32, #tpu.memory_space<vmem>>, vector<1x1x16xf32>,
        %mul3A_896 = arith.constant 4 : i32
        %mul3A_897 = arith.muli %scan3A_589, %mul3A_896 : i32
        %add3A_898 = arith.constant 1 : i32
        %add3A_899 = arith.addi %mul3A_897, %add3A_898 : i32
        %get3A_900 = arith.constant 3 : i32
        %get3A_901 = arith.constant 1 : i32
        %get3A_902 = arith.index_cast %get3A_900 : i32 to index
        %get3A_903 = arith.index_cast %get3A_901 : i32 to index
        %get3A_904 = arith.index_cast %add3A_899 : i32 to index
        %get3A_905 = arith.constant 16 : index
        %get3A_906 = tpu.vector_load %arg8[%get3A_902, %get3A_903, %get3A_904, %get3A_905] {strides = array<i32>} : memref<4x2x100x32xf32, #tpu.memory_space<vmem>>, vector<1x1x1x16xf32>,
        %get3A_907 = vector.shape_cast %get3A_906 : vector<1x1x1x16xf32> to vector<16xf32>
        %add3A_908 = arith.constant 25 : i32
        %add3A_909 = arith.addi %add3A_908, %scan3A_589 : i32
        %get3A_910 = arith.index_cast %add3A_909 : i32 to index
        %get3A_911 = arith.constant 48 : index
        %get3A_912 = tpu.vector_load %arg7[%get3A_910, %get3A_911] {strides = array<i32>} : memref<50x128xf32, #tpu.memory_space<vmem>>, vector<1x16xf32>,
        %get3A_913 = vector.shape_cast %get3A_912 : vector<1x16xf32> to vector<16xf32>
        %add3A_914 = arith.addf %get3A_907, %get3A_913 : vector<16xf32>
        %add3A_915 = arith.constant 25 : i32
        %add3A_916 = arith.addi %add3A_915, %scan3A_589 : i32
        %swap3A_917 = arith.constant 3 : i32
        %swap3A_918 = arith.index_cast %swap3A_917 : i32 to index
        %swap3A_919 = arith.index_cast %add3A_916 : i32 to index
        %swap3A_920 = arith.constant 48 : index
        %swap3A_921 = tpu.vector_load %arg9[%swap3A_918, %swap3A_919, %swap3A_920] {strides = array<i32>} : memref<4x50x128xf32, #tpu.memory_space<vmem>>, vector<1x1x16xf32>,
        %swap3A_922 = vector.shape_cast %swap3A_921 : vector<1x1x16xf32> to vector<16xf32>
        %swap3A_923 = vector.shape_cast %add3A_914 : vector<16xf32> to vector<1x1x16xf32>
        tpu.vector_store %arg9[%swap3A_918, %swap3A_919, %swap3A_920], %swap3A_923 {strides = array<i32>} : memref<4x50x128xf32, #tpu.memory_space<vmem>>, vector<1x1x16xf32>,
        %mul3A_924 = arith.constant 4 : i32
        %mul3A_925 = arith.muli %scan3A_589, %mul3A_924 : i32
        %add3A_926 = arith.constant 2 : i32
        %add3A_927 = arith.addi %mul3A_925, %add3A_926 : i32
        %get3A_928 = arith.constant 3 : i32
        %get3A_929 = arith.constant 1 : i32
        %get3A_930 = arith.index_cast %get3A_928 : i32 to index
        %get3A_931 = arith.index_cast %get3A_929 : i32 to index
        %get3A_932 = arith.index_cast %add3A_927 : i32 to index
        %get3A_933 = arith.constant 0 : index
        %get3A_934 = tpu.vector_load %arg8[%get3A_930, %get3A_931, %get3A_932, %get3A_933] {strides = array<i32>} : memref<4x2x100x32xf32, #tpu.memory_space<vmem>>, vector<1x1x1x16xf32>,
        %get3A_935 = vector.shape_cast %get3A_934 : vector<1x1x1x16xf32> to vector<16xf32>
        %add3A_936 = arith.constant 25 : i32
        %add3A_937 = arith.addi %add3A_936, %scan3A_589 : i32
        %get3A_938 = arith.index_cast %add3A_937 : i32 to index
        %get3A_939 = arith.constant 64 : index
        %get3A_940 = tpu.vector_load %arg7[%get3A_938, %get3A_939] {strides = array<i32>} : memref<50x128xf32, #tpu.memory_space<vmem>>, vector<1x16xf32>,
        %get3A_941 = vector.shape_cast %get3A_940 : vector<1x16xf32> to vector<16xf32>
        %add3A_942 = arith.addf %get3A_935, %get3A_941 : vector<16xf32>
        %add3A_943 = arith.constant 25 : i32
        %add3A_944 = arith.addi %add3A_943, %scan3A_589 : i32
        %swap3A_945 = arith.constant 3 : i32
        %swap3A_946 = arith.index_cast %swap3A_945 : i32 to index
        %swap3A_947 = arith.index_cast %add3A_944 : i32 to index
        %swap3A_948 = arith.constant 64 : index
        %swap3A_949 = tpu.vector_load %arg9[%swap3A_946, %swap3A_947, %swap3A_948] {strides = array<i32>} : memref<4x50x128xf32, #tpu.memory_space<vmem>>, vector<1x1x16xf32>,
        %swap3A_950 = vector.shape_cast %swap3A_949 : vector<1x1x16xf32> to vector<16xf32>
        %swap3A_951 = vector.shape_cast %add3A_942 : vector<16xf32> to vector<1x1x16xf32>
        tpu.vector_store %arg9[%swap3A_946, %swap3A_947, %swap3A_948], %swap3A_951 {strides = array<i32>} : memref<4x50x128xf32, #tpu.memory_space<vmem>>, vector<1x1x16xf32>,
        %mul3A_952 = arith.constant 4 : i32
        %mul3A_953 = arith.muli %scan3A_589, %mul3A_952 : i32
        %add3A_954 = arith.constant 2 : i32
        %add3A_955 = arith.addi %mul3A_953, %add3A_954 : i32
        %get3A_956 = arith.constant 3 : i32
        %get3A_957 = arith.constant 1 : i32
        %get3A_958 = arith.index_cast %get3A_956 : i32 to index
        %get3A_959 = arith.index_cast %get3A_957 : i32 to index
        %get3A_960 = arith.index_cast %add3A_955 : i32 to index
        %get3A_961 = arith.constant 16 : index
        %get3A_962 = tpu.vector_load %arg8[%get3A_958, %get3A_959, %get3A_960, %get3A_961] {strides = array<i32>} : memref<4x2x100x32xf32, #tpu.memory_space<vmem>>, vector<1x1x1x16xf32>,
        %get3A_963 = vector.shape_cast %get3A_962 : vector<1x1x1x16xf32> to vector<16xf32>
        %add3A_964 = arith.constant 25 : i32
        %add3A_965 = arith.addi %add3A_964, %scan3A_589 : i32
        %get3A_966 = arith.index_cast %add3A_965 : i32 to index
        %get3A_967 = arith.constant 80 : index
        %get3A_968 = tpu.vector_load %arg7[%get3A_966, %get3A_967] {strides = array<i32>} : memref<50x128xf32, #tpu.memory_space<vmem>>, vector<1x16xf32>,
        %get3A_969 = vector.shape_cast %get3A_968 : vector<1x16xf32> to vector<16xf32>
        %add3A_970 = arith.addf %get3A_963, %get3A_969 : vector<16xf32>
        %add3A_971 = arith.constant 25 : i32
        %add3A_972 = arith.addi %add3A_971, %scan3A_589 : i32
        %swap3A_973 = arith.constant 3 : i32
        %swap3A_974 = arith.index_cast %swap3A_973 : i32 to index
        %swap3A_975 = arith.index_cast %add3A_972 : i32 to index
        %swap3A_976 = arith.constant 80 : index
        %swap3A_977 = tpu.vector_load %arg9[%swap3A_974, %swap3A_975, %swap3A_976] {strides = array<i32>} : memref<4x50x128xf32, #tpu.memory_space<vmem>>, vector<1x1x16xf32>,
        %swap3A_978 = vector.shape_cast %swap3A_977 : vector<1x1x16xf32> to vector<16xf32>
        %swap3A_979 = vector.shape_cast %add3A_970 : vector<16xf32> to vector<1x1x16xf32>
        tpu.vector_store %arg9[%swap3A_974, %swap3A_975, %swap3A_976], %swap3A_979 {strides = array<i32>} : memref<4x50x128xf32, #tpu.memory_space<vmem>>, vector<1x1x16xf32>,
        %mul3A_980 = arith.constant 4 : i32
        %mul3A_981 = arith.muli %scan3A_589, %mul3A_980 : i32
        %add3A_982 = arith.constant 3 : i32
        %add3A_983 = arith.addi %mul3A_981, %add3A_982 : i32
        %get3A_984 = arith.constant 3 : i32
        %get3A_985 = arith.constant 1 : i32
        %get3A_986 = arith.index_cast %get3A_984 : i32 to index
        %get3A_987 = arith.index_cast %get3A_985 : i32 to index
        %get3A_988 = arith.index_cast %add3A_983 : i32 to index
        %get3A_989 = arith.constant 0 : index
        %get3A_990 = tpu.vector_load %arg8[%get3A_986, %get3A_987, %get3A_988, %get3A_989] {strides = array<i32>} : memref<4x2x100x32xf32, #tpu.memory_space<vmem>>, vector<1x1x1x16xf32>,
        %get3A_991 = vector.shape_cast %get3A_990 : vector<1x1x1x16xf32> to vector<16xf32>
        %add3A_992 = arith.constant 25 : i32
        %add3A_993 = arith.addi %add3A_992, %scan3A_589 : i32
        %get3A_994 = arith.index_cast %add3A_993 : i32 to index
        %get3A_995 = arith.constant 96 : index
        %get3A_996 = tpu.vector_load %arg7[%get3A_994, %get3A_995] {strides = array<i32>} : memref<50x128xf32, #tpu.memory_space<vmem>>, vector<1x16xf32>,
        %get3A_997 = vector.shape_cast %get3A_996 : vector<1x16xf32> to vector<16xf32>
        %add3A_998 = arith.addf %get3A_991, %get3A_997 : vector<16xf32>
        %add3A_999 = arith.constant 25 : i32
        %add3A_1000 = arith.addi %add3A_999, %scan3A_589 : i32
        %swap3A_1001 = arith.constant 3 : i32
        %swap3A_1002 = arith.index_cast %swap3A_1001 : i32 to index
        %swap3A_1003 = arith.index_cast %add3A_1000 : i32 to index
        %swap3A_1004 = arith.constant 96 : index
        %swap3A_1005 = tpu.vector_load %arg9[%swap3A_1002, %swap3A_1003, %swap3A_1004] {strides = array<i32>} : memref<4x50x128xf32, #tpu.memory_space<vmem>>, vector<1x1x16xf32>,
        %swap3A_1006 = vector.shape_cast %swap3A_1005 : vector<1x1x16xf32> to vector<16xf32>
        %swap3A_1007 = vector.shape_cast %add3A_998 : vector<16xf32> to vector<1x1x16xf32>
        tpu.vector_store %arg9[%swap3A_1002, %swap3A_1003, %swap3A_1004], %swap3A_1007 {strides = array<i32>} : memref<4x50x128xf32, #tpu.memory_space<vmem>>, vector<1x1x16xf32>,
        %mul3A_1008 = arith.constant 4 : i32
        %mul3A_1009 = arith.muli %scan3A_589, %mul3A_1008 : i32
        %add3A_1010 = arith.constant 3 : i32
        %add3A_1011 = arith.addi %mul3A_1009, %add3A_1010 : i32
        %get3A_1012 = arith.constant 3 : i32
        %get3A_1013 = arith.constant 1 : i32
        %get3A_1014 = arith.index_cast %get3A_1012 : i32 to index
        %get3A_1015 = arith.index_cast %get3A_1013 : i32 to index
        %get3A_1016 = arith.index_cast %add3A_1011 : i32 to index
        %get3A_1017 = arith.constant 16 : index
        %get3A_1018 = tpu.vector_load %arg8[%get3A_1014, %get3A_1015, %get3A_1016, %get3A_1017] {strides = array<i32>} : memref<4x2x100x32xf32, #tpu.memory_space<vmem>>, vector<1x1x1x16xf32>,
        %get3A_1019 = vector.shape_cast %get3A_1018 : vector<1x1x1x16xf32> to vector<16xf32>
        %add3A_1020 = arith.constant 25 : i32
        %add3A_1021 = arith.addi %add3A_1020, %scan3A_589 : i32
        %get3A_1022 = arith.index_cast %add3A_1021 : i32 to index
        %get3A_1023 = arith.constant 112 : index
        %get3A_1024 = tpu.vector_load %arg7[%get3A_1022, %get3A_1023] {strides = array<i32>} : memref<50x128xf32, #tpu.memory_space<vmem>>, vector<1x16xf32>,
        %get3A_1025 = vector.shape_cast %get3A_1024 : vector<1x16xf32> to vector<16xf32>
        %add3A_1026 = arith.addf %get3A_1019, %get3A_1025 : vector<16xf32>
        %add3A_1027 = arith.constant 25 : i32
        %add3A_1028 = arith.addi %add3A_1027, %scan3A_589 : i32
        %swap3A_1029 = arith.constant 3 : i32
        %swap3A_1030 = arith.index_cast %swap3A_1029 : i32 to index
        %swap3A_1031 = arith.index_cast %add3A_1028 : i32 to index
        %swap3A_1032 = arith.constant 112 : index
        %swap3A_1033 = tpu.vector_load %arg9[%swap3A_1030, %swap3A_1031, %swap3A_1032] {strides = array<i32>} : memref<4x50x128xf32, #tpu.memory_space<vmem>>, vector<1x1x16xf32>,
        %swap3A_1034 = vector.shape_cast %swap3A_1033 : vector<1x1x16xf32> to vector<16xf32>
        %swap3A_1035 = vector.shape_cast %add3A_1026 : vector<16xf32> to vector<1x1x16xf32>
        tpu.vector_store %arg9[%swap3A_1030, %swap3A_1031, %swap3A_1032], %swap3A_1035 {strides = array<i32>} : memref<4x50x128xf32, #tpu.memory_space<vmem>>, vector<1x1x16xf32>,
      }
      %scan3A_565 = arith.constant 25 : i32
      %mul3A_566 = arith.constant 128 : i32
      %mul3A_567 = arith.muli %add3A, %mul3A_566 : i32
      %add3A_568 = arith.addi %mul3A_567, %add3A_510 : i32
      %mul3A_569 = arith.constant 50 : i32
      %mul3A_570 = arith.muli %add3A_568, %mul3A_569 : i32
      %dma_start3A_571 = arith.constant 3 : i32
      %dma_start3A_572 = arith.constant 0 : i32
      %dma_start3A_573 = arith.constant 0 : i32
      %dma_start3A_574 = tpu.memref_slice %arg9[%dma_start3A_571, %dma_start3A_572, %dma_start3A_573] : memref<4x50x128xf32, #tpu.memory_space<vmem>> -> memref<1x50x128xf32, #tpu.memory_space<vmem>>
      %dma_start3A_575 = tpu.memref_squeeze %dma_start3A_574 : memref<1x50x128xf32, #tpu.memory_space<vmem>> -> memref<50x128xf32, #tpu.memory_space<vmem>>
      %dma_start3A_576 = arith.constant 0 : i32
      %dma_start3A_577 = tpu.memref_slice %arg5[%mul3A_570, %dma_start3A_576] : memref<204800x128xf32, #tpu.memory_space<hbm>> -> memref<50x128xf32, #tpu.memory_space<hbm>>
      %dma_start3A_578 = arith.constant 0 : i32
      %dma_start3A_579 = tpu.memref_slice %arg5[%mul3A_570, %dma_start3A_578] : memref<204800x128xf32, #tpu.memory_space<hbm>> -> memref<50x128xf32, #tpu.memory_space<hbm>>
      %dma_start3A_580 = arith.constant 0 : i32
      %dma_start3A_581 = arith.constant 0 : i32
      %dma_start3A_582 = tpu.memref_slice %arg9[%dma_start3A_571, %dma_start3A_580, %dma_start3A_581] : memref<4x50x128xf32, #tpu.memory_space<vmem>> -> memref<1x50x128xf32, #tpu.memory_space<vmem>>
      %dma_start3A_583 = tpu.memref_squeeze %dma_start3A_582 : memref<1x50x128xf32, #tpu.memory_space<vmem>> -> memref<50x128xf32, #tpu.memory_space<vmem>>
      tpu.enqueue_dma source(%dma_start3A_583 : memref<50x128xf32, #tpu.memory_space<vmem>>) target(%dma_start3A_579 : memref<50x128xf32, #tpu.memory_space<hbm>>) target_semaphore(%arg17 : memref<!tpu.dma_semaphore, #tpu.memory_space<semaphore_mem>>)
      %lt3A_584 = arith.constant 31 : i32
      %lt3A_585 = arith.cmpi slt, %scan3A_264, %lt3A_584 : i32
      %convert_element_type3A_586 = arith.extui %lt3A_585 : i1 to i32
      %cond3A_587 = arith.constant 0 : i32
      %cond3A_588 = arith.cmpi ne, %convert_element_type3A_586, %cond3A_587 : i32
      scf.if %cond3A_588 {
        %add3A_589 = arith.constant 4 : i32
        %add3A_590 = arith.addi %add3A_510, %add3A_589 : i32
        %dma_start3A_591 = arith.constant 0 : i32
        %dma_start3A_592 = arith.constant 3 : i32
        %dma_start3A_593 = arith.constant 0 : i32
        %dma_start3A_594 = arith.constant 0 : i32
        %dma_start3A_595 = arith.constant 0 : i32
        %dma_start3A_596 = arith.constant 0 : i32
        %dma_start3A_597 = tpu.memref_slice %arg8[%dma_start3A_592, %dma_start3A_594, %dma_start3A_595, %dma_start3A_596] : memref<4x2x100x32xf32, #tpu.memory_space<vmem>> -> memref<1x2x100x32xf32, #tpu.memory_space<vmem>>
        %dma_start3A_598 = tpu.memref_squeeze %dma_start3A_597 : memref<1x2x100x32xf32, #tpu.memory_space<vmem>> -> memref<2x100x32xf32, #tpu.memory_space<vmem>>
        %dma_start3A_599 = arith.constant 0 : i32
        %dma_start3A_600 = arith.constant 0 : i32
        %dma_start3A_601 = tpu.memref_slice %dma_start3A_598[%dma_start3A_593, %dma_start3A_599, %dma_start3A_600] : memref<2x100x32xf32, #tpu.memory_space<vmem>> -> memref<1x100x32xf32, #tpu.memory_space<vmem>>
        %dma_start3A_602 = tpu.memref_squeeze %dma_start3A_601 : memref<1x100x32xf32, #tpu.memory_space<vmem>> -> memref<100x32xf32, #tpu.memory_space<vmem>>
        %dma_start3A_603 = arith.constant 0 : i32
        %dma_start3A_604 = arith.constant 0 : i32
        %dma_start3A_605 = tpu.memref_slice %arg6[%add3A_590, %dma_start3A_603, %dma_start3A_604] : memref<128x2x100xi32, #tpu.memory_space<vmem>> -> memref<1x2x100xi32, #tpu.memory_space<vmem>>
        %dma_start3A_606 = tpu.memref_squeeze %dma_start3A_605 : memref<1x2x100xi32, #tpu.memory_space<vmem>> -> memref<2x100xi32, #tpu.memory_space<vmem>>
        %dma_start3A_607 = arith.constant 0 : i32
        %dma_start3A_608 = tpu.memref_slice %dma_start3A_606[%dma_start3A_591, %dma_start3A_607] : memref<2x100xi32, #tpu.memory_space<vmem>> -> memref<1x100xi32, #tpu.memory_space<vmem>>
        %dma_start3A_609 = tpu.memref_squeeze %dma_start3A_608 : memref<1x100xi32, #tpu.memory_space<vmem>> -> memref<100xi32, #tpu.memory_space<vmem>>
        %dma_start3A_610 = arith.constant 0 : i32
        %dma_start3A_611 = arith.constant 0 : i32
        %dma_start3A_612 = tpu.memref_slice %arg3[%dma_start3A_610, %dma_start3A_611] : memref<1000000x32xf32, #tpu.memory_space<hbm>> -> memref<1000000x32xf32, #tpu.memory_space<hbm>>
        tpu.enqueue_indirect_dma source(%dma_start3A_612 : memref<1000000x32xf32, #tpu.memory_space<hbm>>) target(%dma_start3A_602 : memref<100x32xf32, #tpu.memory_space<vmem>>) offsets(%dma_start3A_609 : memref<100xi32, #tpu.memory_space<vmem>>) semaphore(%arg13 : memref<!tpu.dma_semaphore, #tpu.memory_space<semaphore_mem>>)
        %dma_start3A_613 = arith.constant 1 : i32
        %dma_start3A_614 = arith.constant 3 : i32
        %dma_start3A_615 = arith.constant 1 : i32
        %dma_start3A_616 = arith.constant 0 : i32
        %dma_start3A_617 = arith.constant 0 : i32
        %dma_start3A_618 = arith.constant 0 : i32
        %dma_start3A_619 = tpu.memref_slice %arg8[%dma_start3A_614, %dma_start3A_616, %dma_start3A_617, %dma_start3A_618] : memref<4x2x100x32xf32, #tpu.memory_space<vmem>> -> memref<1x2x100x32xf32, #tpu.memory_space<vmem>>
        %dma_start3A_620 = tpu.memref_squeeze %dma_start3A_619 : memref<1x2x100x32xf32, #tpu.memory_space<vmem>> -> memref<2x100x32xf32, #tpu.memory_space<vmem>>
        %dma_start3A_621 = arith.constant 0 : i32
        %dma_start3A_622 = arith.constant 0 : i32
        %dma_start3A_623 = tpu.memref_slice %dma_start3A_620[%dma_start3A_615, %dma_start3A_621, %dma_start3A_622] : memref<2x100x32xf32, #tpu.memory_space<vmem>> -> memref<1x100x32xf32, #tpu.memory_space<vmem>>
        %dma_start3A_624 = tpu.memref_squeeze %dma_start3A_623 : memref<1x100x32xf32, #tpu.memory_space<vmem>> -> memref<100x32xf32, #tpu.memory_space<vmem>>
        %dma_start3A_625 = arith.constant 0 : i32
        %dma_start3A_626 = arith.constant 0 : i32
        %dma_start3A_627 = tpu.memref_slice %arg6[%add3A_590, %dma_start3A_625, %dma_start3A_626] : memref<128x2x100xi32, #tpu.memory_space<vmem>> -> memref<1x2x100xi32, #tpu.memory_space<vmem>>
        %dma_start3A_628 = tpu.memref_squeeze %dma_start3A_627 : memref<1x2x100xi32, #tpu.memory_space<vmem>> -> memref<2x100xi32, #tpu.memory_space<vmem>>
        %dma_start3A_629 = arith.constant 0 : i32
        %dma_start3A_630 = tpu.memref_slice %dma_start3A_628[%dma_start3A_613, %dma_start3A_629] : memref<2x100xi32, #tpu.memory_space<vmem>> -> memref<1x100xi32, #tpu.memory_space<vmem>>
        %dma_start3A_631 = tpu.memref_squeeze %dma_start3A_630 : memref<1x100xi32, #tpu.memory_space<vmem>> -> memref<100xi32, #tpu.memory_space<vmem>>
        %dma_start3A_632 = arith.constant 0 : i32
        %dma_start3A_633 = arith.constant 0 : i32
        %dma_start3A_634 = tpu.memref_slice %arg3[%dma_start3A_632, %dma_start3A_633] : memref<1000000x32xf32, #tpu.memory_space<hbm>> -> memref<1000000x32xf32, #tpu.memory_space<hbm>>
        tpu.enqueue_indirect_dma source(%dma_start3A_634 : memref<1000000x32xf32, #tpu.memory_space<hbm>>) target(%dma_start3A_624 : memref<100x32xf32, #tpu.memory_space<vmem>>) offsets(%dma_start3A_631 : memref<100xi32, #tpu.memory_space<vmem>>) semaphore(%arg13 : memref<!tpu.dma_semaphore, #tpu.memory_space<semaphore_mem>>)
      } else {
      }
    }
    %scan3A_188 = arith.constant 32 : i32
    %mul3A_189 = arith.constant 128 : i32
    %mul3A_190 = arith.muli %add3A, %mul3A_189 : i32
    %add3A_191 = arith.constant 124 : i32
    %add3A_192 = arith.addi %mul3A_190, %add3A_191 : i32
    %mul3A_193 = arith.constant 50 : i32
    %mul3A_194 = arith.muli %add3A_192, %mul3A_193 : i32
    %dma_wait3A = arith.constant 0 : i32
    %dma_wait3A_195 = arith.constant 0 : i32
    %dma_wait3A_196 = arith.constant 0 : i32
    %dma_wait3A_197 = tpu.memref_slice %arg9[%dma_wait3A, %dma_wait3A_195, %dma_wait3A_196] : memref<4x50x128xf32, #tpu.memory_space<vmem>> -> memref<1x50x128xf32, #tpu.memory_space<vmem>>
    %dma_wait3A_198 = tpu.memref_squeeze %dma_wait3A_197 : memref<1x50x128xf32, #tpu.memory_space<vmem>> -> memref<50x128xf32, #tpu.memory_space<vmem>>
    %dma_wait3A_199 = arith.constant 0 : i32
    %dma_wait3A_200 = tpu.memref_slice %arg5[%mul3A_194, %dma_wait3A_199] : memref<204800x128xf32, #tpu.memory_space<hbm>> -> memref<50x128xf32, #tpu.memory_space<hbm>>
    %dma_wait3A_201 = arith.constant 0 : i32
    %dma_wait3A_202 = tpu.memref_slice %arg5[%mul3A_194, %dma_wait3A_201] : memref<204800x128xf32, #tpu.memory_space<hbm>> -> memref<50x128xf32, #tpu.memory_space<hbm>>
    %dma_wait3A_203 = arith.constant 0 : i32
    %dma_wait3A_204 = arith.constant 0 : i32
    %dma_wait3A_205 = tpu.memref_slice %arg9[%dma_wait3A, %dma_wait3A_203, %dma_wait3A_204] : memref<4x50x128xf32, #tpu.memory_space<vmem>> -> memref<1x50x128xf32, #tpu.memory_space<vmem>>
    %dma_wait3A_206 = tpu.memref_squeeze %dma_wait3A_205 : memref<1x50x128xf32, #tpu.memory_space<vmem>> -> memref<50x128xf32, #tpu.memory_space<vmem>>
    tpu.wait_dma2 semaphore(%arg14 : memref<!tpu.dma_semaphore, #tpu.memory_space<semaphore_mem>>) src(%dma_wait3A_206 : memref<50x128xf32, #tpu.memory_space<vmem>>) dst(%dma_wait3A_202 : memref<50x128xf32, #tpu.memory_space<hbm>>)
    %mul3A_207 = arith.constant 128 : i32
    %mul3A_208 = arith.muli %add3A, %mul3A_207 : i32
    %add3A_209 = arith.constant 125 : i32
    %add3A_210 = arith.addi %mul3A_208, %add3A_209 : i32
    %mul3A_211 = arith.constant 50 : i32
    %mul3A_212 = arith.muli %add3A_210, %mul3A_211 : i32
    %dma_wait3A_213 = arith.constant 1 : i32
    %dma_wait3A_214 = arith.constant 0 : i32
    %dma_wait3A_215 = arith.constant 0 : i32
    %dma_wait3A_216 = tpu.memref_slice %arg9[%dma_wait3A_213, %dma_wait3A_214, %dma_wait3A_215] : memref<4x50x128xf32, #tpu.memory_space<vmem>> -> memref<1x50x128xf32, #tpu.memory_space<vmem>>
    %dma_wait3A_217 = tpu.memref_squeeze %dma_wait3A_216 : memref<1x50x128xf32, #tpu.memory_space<vmem>> -> memref<50x128xf32, #tpu.memory_space<vmem>>
    %dma_wait3A_218 = arith.constant 0 : i32
    %dma_wait3A_219 = tpu.memref_slice %arg5[%mul3A_212, %dma_wait3A_218] : memref<204800x128xf32, #tpu.memory_space<hbm>> -> memref<50x128xf32, #tpu.memory_space<hbm>>
    %dma_wait3A_220 = arith.constant 0 : i32
    %dma_wait3A_221 = tpu.memref_slice %arg5[%mul3A_212, %dma_wait3A_220] : memref<204800x128xf32, #tpu.memory_space<hbm>> -> memref<50x128xf32, #tpu.memory_space<hbm>>
    %dma_wait3A_222 = arith.constant 0 : i32
    %dma_wait3A_223 = arith.constant 0 : i32
    %dma_wait3A_224 = tpu.memref_slice %arg9[%dma_wait3A_213, %dma_wait3A_222, %dma_wait3A_223] : memref<4x50x128xf32, #tpu.memory_space<vmem>> -> memref<1x50x128xf32, #tpu.memory_space<vmem>>
    %dma_wait3A_225 = tpu.memref_squeeze %dma_wait3A_224 : memref<1x50x128xf32, #tpu.memory_space<vmem>> -> memref<50x128xf32, #tpu.memory_space<vmem>>
    tpu.wait_dma2 semaphore(%arg15 : memref<!tpu.dma_semaphore, #tpu.memory_space<semaphore_mem>>) src(%dma_wait3A_225 : memref<50x128xf32, #tpu.memory_space<vmem>>) dst(%dma_wait3A_221 : memref<50x128xf32, #tpu.memory_space<hbm>>)
    %mul3A_226 = arith.constant 128 : i32
    %mul3A_227 = arith.muli %add3A, %mul3A_226 : i32
    %add3A_228 = arith.constant 126 : i32
    %add3A_229 = arith.addi %mul3A_227, %add3A_228 : i32
    %mul3A_230 = arith.constant 50 : i32
    %mul3A_231 = arith.muli %add3A_229, %mul3A_230 : i32
    %dma_wait3A_232 = arith.constant 2 : i32
    %dma_wait3A_233 = arith.constant 0 : i32
    %dma_wait3A_234 = arith.constant 0 : i32
    %dma_wait3A_235 = tpu.memref_slice %arg9[%dma_wait3A_232, %dma_wait3A_233, %dma_wait3A_234] : memref<4x50x128xf32, #tpu.memory_space<vmem>> -> memref<1x50x128xf32, #tpu.memory_space<vmem>>
    %dma_wait3A_236 = tpu.memref_squeeze %dma_wait3A_235 : memref<1x50x128xf32, #tpu.memory_space<vmem>> -> memref<50x128xf32, #tpu.memory_space<vmem>>
    %dma_wait3A_237 = arith.constant 0 : i32
    %dma_wait3A_238 = tpu.memref_slice %arg5[%mul3A_231, %dma_wait3A_237] : memref<204800x128xf32, #tpu.memory_space<hbm>> -> memref<50x128xf32, #tpu.memory_space<hbm>>
    %dma_wait3A_239 = arith.constant 0 : i32
    %dma_wait3A_240 = tpu.memref_slice %arg5[%mul3A_231, %dma_wait3A_239] : memref<204800x128xf32, #tpu.memory_space<hbm>> -> memref<50x128xf32, #tpu.memory_space<hbm>>
    %dma_wait3A_241 = arith.constant 0 : i32
    %dma_wait3A_242 = arith.constant 0 : i32
    %dma_wait3A_243 = tpu.memref_slice %arg9[%dma_wait3A_232, %dma_wait3A_241, %dma_wait3A_242] : memref<4x50x128xf32, #tpu.memory_space<vmem>> -> memref<1x50x128xf32, #tpu.memory_space<vmem>>
    %dma_wait3A_244 = tpu.memref_squeeze %dma_wait3A_243 : memref<1x50x128xf32, #tpu.memory_space<vmem>> -> memref<50x128xf32, #tpu.memory_space<vmem>>
    tpu.wait_dma2 semaphore(%arg16 : memref<!tpu.dma_semaphore, #tpu.memory_space<semaphore_mem>>) src(%dma_wait3A_244 : memref<50x128xf32, #tpu.memory_space<vmem>>) dst(%dma_wait3A_240 : memref<50x128xf32, #tpu.memory_space<hbm>>)
    %mul3A_245 = arith.constant 128 : i32
    %mul3A_246 = arith.muli %add3A, %mul3A_245 : i32
    %add3A_247 = arith.constant 127 : i32
    %add3A_248 = arith.addi %mul3A_246, %add3A_247 : i32
    %mul3A_249 = arith.constant 50 : i32
    %mul3A_250 = arith.muli %add3A_248, %mul3A_249 : i32
    %dma_wait3A_251 = arith.constant 3 : i32
    %dma_wait3A_252 = arith.constant 0 : i32
    %dma_wait3A_253 = arith.constant 0 : i32
    %dma_wait3A_254 = tpu.memref_slice %arg9[%dma_wait3A_251, %dma_wait3A_252, %dma_wait3A_253] : memref<4x50x128xf32, #tpu.memory_space<vmem>> -> memref<1x50x128xf32, #tpu.memory_space<vmem>>
    %dma_wait3A_255 = tpu.memref_squeeze %dma_wait3A_254 : memref<1x50x128xf32, #tpu.memory_space<vmem>> -> memref<50x128xf32, #tpu.memory_space<vmem>>
    %dma_wait3A_256 = arith.constant 0 : i32
    %dma_wait3A_257 = tpu.memref_slice %arg5[%mul3A_250, %dma_wait3A_256] : memref<204800x128xf32, #tpu.memory_space<hbm>> -> memref<50x128xf32, #tpu.memory_space<hbm>>
    %dma_wait3A_258 = arith.constant 0 : i32
    %dma_wait3A_259 = tpu.memref_slice %arg5[%mul3A_250, %dma_wait3A_258] : memref<204800x128xf32, #tpu.memory_space<hbm>> -> memref<50x128xf32, #tpu.memory_space<hbm>>
    %dma_wait3A_260 = arith.constant 0 : i32
    %dma_wait3A_261 = arith.constant 0 : i32
    %dma_wait3A_262 = tpu.memref_slice %arg9[%dma_wait3A_251, %dma_wait3A_260, %dma_wait3A_261] : memref<4x50x128xf32, #tpu.memory_space<vmem>> -> memref<1x50x128xf32, #tpu.memory_space<vmem>>
    %dma_wait3A_263 = tpu.memref_squeeze %dma_wait3A_262 : memref<1x50x128xf32, #tpu.memory_space<vmem>> -> memref<50x128xf32, #tpu.memory_space<vmem>>
    tpu.wait_dma2 semaphore(%arg17 : memref<!tpu.dma_semaphore, #tpu.memory_space<semaphore_mem>>) src(%dma_wait3A_263 : memref<50x128xf32, #tpu.memory_space<vmem>>) dst(%dma_wait3A_259 : memref<50x128xf32, #tpu.memory_space<hbm>>)
    return
  }
}

</mosaic_0001>

<sc_bundles>
// kernel: kernel.3.cloned.1.call-start
scs
__scs_entry_jumppad:
0x0: {  	(pc) =	sbr.rel $0x88, $3  }
0x1: {  	(tag) =	ssettag $0x0;
	lr =	simm.s32 $0x1  }
0x2: {  	[smem:$0x3F9E] =	sst lr;
	_ =	strace $0xD0000000  }
0x3: {  	_ = 	snop  }
0x4: {  	_ = 	snop  }
0x5: {  	_ = 	snop  }
0x6: {  	_ = 	snop  }
0x7: {  	_ = 	snop  }
__scs_overlays_trampoline_lowered:
0x8: {  	[smem:$0x3FAD] =	sst s0  }
0x9: {  	[smem:$0x3FAE] =	sst s1  }
0xa: {  	[smem:$0x3FAF] =	sst s2  }
0xb: {  	[smem:$0x3FB0] =	sst s3  }
0xc: {  	[smem:$0x3FB1] =	sst s4  }
0xd: {  	[smem:$0x3FB2] =	sst s5  }
0xe: {  	[smem:$0x3FB3] =	sst s6  }
0xf: {  	[smem:$0x3FB4] =	sst s7  }
0x10: {  	[smem:$0x3FB5] =	sst s8  }
0x11: {  	[smem:$0x3FB6] =	sst s9;
	s0 =	simm.s32 @!p0 $0x0  }
0x12: {  	s1 =	sld [smem:$0x3F9C];
	s0 =	simm.s32 @p0 $0x1  }
0x13: {  	[smem:$0x3FB7] =	sst s0;
	s0 =	simm.s32 @!p1 $0x0  }
0x14: {  	s2 =	sld [smem:$0x3F9B];
	s0 =	simm.s32 @p1 $0x1  }
0x15: {  	[smem:$0x3FB8] =	sst s0;
	s0 =	simm.s32 @!p2 $0x0  }
0x16: {  	s3 =	sld [smem:$0x3FDB];
	s0 =	simm.s32 @p2 $0x1  }
0x17: {  	s4 =	simm.s32 $0x1BF5;
	[smem:$0x3FBA] =	sst s0  }
0x18: {  	s0 =	sld [smem:$0x3F9D];
	_ =	swait.ge [sflag:s4], $0x0  }
0x19: {  	s7 =	sld [smem:$0x3F9E]  }
0x1a: {  	s8 =	sadd.s32 $0xFFFFE003, lr  }
0x1b: {  	s9 =	sadd.s32 $0xFFFFFEF7, lr;
	s5 =	simm.s32 $0xFFFFFFFF;
	p2 =	slt.u32 s8, $0xFFFFF086  }
0x1c: {  	p1 =	slt.u32 s9, $0xF7A;
	s5 =	simm.s32 @!p2 $0x0  }
0x1d: {  	s5 =	simm.s32 @p1 $0x1;
	p0 =	seq.s32 s7, s2  }
0x1e: {  	s7 =	smul.u32 @!p0 $0xF7A, s2;
	p2 =	seq.s32 @!p0 s5, $0x0  }
0x1f: {  	s9 =	smul.u32 $0xF7A, s1;
	s8 =	simm.s32 @!p0 $0x1BF5;
	p2 =	por !p2, p0  }
0x20: {  	[sflag:s8] =	ssyncset.s32 @!p0 $0xFFFFF086;
	s6 =	sadd.s32 @!p0 s3, s7;
	s7 =	simm.s32 @!p0 $0x108  }
0x21: {  	s3 =	sadd.s32 s3, s9;
	s6 =	sadd.s32 @!p0 $0x88, s6;
	s7 =	simm.s32 @p2 $0x1082  }
0x22: {  	[simem:s7], [sflag:s8] =	dma.local @!p0 [hbm:s6], $0xF7A  }
0x23: {  	s9 =	sor.u32 $0xD0000000, s2;
	s6 =	simm.s32 $0x108;
	_ =	swait.ge @!p0 [sflag:s8], $0x0  }
0x24: {  	s3 =	sadd.s32 $0x88, s3;
	s6 =	simm.s32 @!p1 $0x1082;
	[sflag:s4] =	ssyncset.s32 $0xFFFFF086  }
0x25: {  	[simem:s6], [sflag:s4] =	dma.local [hbm:s3], $0xF7A  }
0x26: {  	[smem:$0x3F9E] =	sst s1;
	(tag) =	ssettag s2;
	_ =	strace s9  }
0x27: {  	s1 =	sld [smem:$0x3FAE]  }
0x28: {  	s2 =	sld [smem:$0x3FAF]  }
0x29: {  	s4 =	sld [smem:$0x3FB1]  }
0x2a: {  	p0 =	seq.s32 s5, $0x0;
	s5 =	sld [smem:$0x3FB2]  }
0x2b: {  	s6 =	sld [smem:$0x3FB3]  }
0x2c: {  	s7 =	sld [smem:$0x3FB4]  }
0x2d: {  	s3 =	simm.s32 $0x108;
	s8 =	sld [smem:$0x3FB5]  }
0x2e: {  	s3 =	simm.s32 @!p0 $0x1082;
	s9 =	sld [smem:$0x3FB6]  }
0x2f: {  	lr =	sadd.s32 s0, s3;
	s0 =	sld [smem:$0x3FAD]  }
0x30: {  	s3 =	sld [smem:$0x3FB0]  }
0x31: {  	[smem:$0x3FB9] =	sst s10  }
0x32: {  	s10 =	sld [smem:$0x3FB7];
	_ =	sdelay $0x3  }
0x33: {  	p0 =	seq.s32 s10, $0x1;
	s10 =	sld [smem:$0x3FB9];
	_ =	sdelay $0x3  }
0x34: {  	[smem:$0x3FB9] =	sst s10  }
0x35: {  	s10 =	sld [smem:$0x3FB8];
	_ =	sdelay $0x3  }
0x36: {  	p1 =	seq.s32 s10, $0x1;
	s10 =	sld [smem:$0x3FB9];
	_ =	sdelay $0x3  }
0x37: {  	[smem:$0x3FB9] =	sst s10  }
0x38: {  	s10 =	sld [smem:$0x3FBA]  }
0x39: {  	_ = 	snop;
	(pc) =	sbr.ind lr, $3  }
0x3a: {  	_ = 	snop  }
0x3b: {  	_ = 	snop  }
0x3c: {  	p2 =	seq.s32 s10, $0x1;
	s10 =	sld [smem:$0x3FB9]  }
0x3d: {  	_ =	shalt  }
0x3e: {  	_ =	shalt  }
0x3f: {  	_ =	shalt  }
0x40: {  	_ =	shalt  }
0x41: {  	_ =	shalt  }
0x42: {  	_ =	shalt  }
0x43: {  	_ =	shalt  }
0x44: {  	_ =	shalt  }
0x45: {  	_ =	shalt  }
0x46: {  	_ =	shalt  }
0x47: {  	_ =	shalt  }
0x48: {  	_ =	shalt  }
0x49: {  	_ =	shalt  }
0x4a: {  	_ =	shalt  }
0x4b: {  	_ =	shalt  }
0x4c: {  	_ =	shalt  }
0x4d: {  	_ =	shalt  }
0x4e: {  	_ =	shalt  }
0x4f: {  	_ =	shalt  }
0x50: {  	_ =	shalt  }
0x51: {  	_ =	shalt  }
0x52: {  	_ =	shalt  }
0x53: {  	_ =	shalt  }
0x54: {  	_ =	shalt  }
0x55: {  	_ =	shalt  }
0x56: {  	_ =	shalt  }
0x57: {  	_ =	shalt  }
0x58: {  	_ =	shalt  }
0x59: {  	_ =	shalt  }
0x5a: {  	_ =	shalt  }
0x5b: {  	_ =	shalt  }
0x5c: {  	_ =	shalt  }
0x5d: {  	_ =	shalt  }
0x5e: {  	_ =	shalt  }
0x5f: {  	_ =	shalt  }
0x60: {  	_ =	shalt  }
0x61: {  	_ =	shalt  }
0x62: {  	_ =	shalt  }
0x63: {  	_ =	shalt  }
0x64: {  	_ =	shalt  }
0x65: {  	_ =	shalt  }
0x66: {  	_ =	shalt  }
0x67: {  	_ =	shalt  }
0x68: {  	_ =	shalt  }
0x69: {  	_ =	shalt  }
0x6a: {  	_ =	shalt  }
0x6b: {  	_ =	shalt  }
0x6c: {  	_ =	shalt  }
0x6d: {  	_ =	shalt  }
0x6e: {  	_ =	shalt  }
0x6f: {  	_ =	shalt  }
0x70: {  	_ =	shalt  }
0x71: {  	_ =	shalt  }
0x72: {  	_ =	shalt  }
0x73: {  	_ =	shalt  }
0x74: {  	_ =	shalt  }
0x75: {  	_ =	shalt  }
0x76: {  	_ =	shalt  }
0x77: {  	_ =	shalt  }
0x78: {  	_ =	shalt  }
0x79: {  	_ =	shalt  }
0x7a: {  	_ =	shalt  }
0x7b: {  	_ =	shalt  }
0x7c: {  	_ =	shalt  }
0x7d: {  	_ =	shalt  }
0x7e: {  	_ =	shalt  }
0x7f: {  	_ =	shalt  }
0x80: {  	_ =	shalt  }
0x81: {  	_ =	shalt  }
0x82: {  	_ =	shalt  }
0x83: {  	_ =	shalt  }
0x84: {  	_ =	shalt  }
0x85: {  	_ =	shalt  }
0x86: {  	_ =	shalt  }
0x87: {  	_ =	shalt  }
.Lfunc_end0:
.L_simem_size_0:
called_computation.1_lowered:
.L_overlay_start_0:
0x88: {  	s2 =	sld [smem:$0x3FD9]  }
0x89: {  	s3 =	sld [smem:$0x3FFE];
	_ =	sdelay $0x1  }
0x8a: {  	s1 =	srdreg.scid  }
0x8b: {  	s0 =	sand.u32 $0x1, s1  }
0x8c: {  	s17 =	sshll.u32 s0, $0xA;
	s2 =	sadd.s32 s3, s2  }
0x8d: {  	s2 =	sadd.s32 s2, s17  }
0x8e: {  	[smem:$0x3FC5] =	sst s2  }
0x8f: {  	_ = 	snop  }
0x90: {  	s2 =	sld [smem:$0x3FD0];
	(tm) =	ssettm $0x1  }
0x91: {  	s18 =	sld [smem:$0x3FFB];
	_ =	sdelay $0x3  }
0x92: {  	_ =	strace s18  }
0x93: {  	s3 =	sld [smem:$0x3FFC];
	_ =	sdelay $0x3  }
0x94: {  	_ =	strace s3  }
0x95: {  	s3 =	sld [smem:$0x3FFD];
	_ =	sdelay $0x3  }
0x96: {  	_ =	strace s3  }
0x97: {  	_ =	strace $0x8FFFFFFF  }
0x98: {  	s19 =	sld [smem:$0x3FDB];
	_ =	sdelay $0x1  }
0x99: {  	s4 =	simm.s32 $_scs_section_size  }
0x9a: {  	s5 =	simm.s32 $_size__tile_overlayer_lowered;
	s6 =	simm.s32 $_tile_overlayer_lowered  }
0x9b: {  	s22 =	simm.s32 $0x1BFF;
	s21 =	sshll.u32 s6, $0x1;
	s3 =	sadd.s32 s4, s19  }
0x9c: {  	s7 =	simm.s32 $0x0;
	s20 =	sshll.u32 s5, $0x1;
	s5 =	sadd.s32 s21, s3  }
0x9d: {  	[timem:s7], [sflag:s22] =	dma.local [hbm:s5], s20  }
0x9e: {  	_ =	swait.ge [sflag:s22], s20  }
0x9f: {  	s4 =	ssub.s32 $0x0, s20;
	[sflag:s22] =	ssyncset.done $0x0  }
0xa0: {  	[sflag:s22] =	ssyncadd.s32 s4;
	_ =	sdelay $0x1  }
0xa1: {  	s23 =	simm.s32 $0x1B8B  }
0xa2: {  	_ =	swait.ge [sflag:s23], $0x1  }
0xa3: {  	[sflag:s23] =	ssyncset.done $0x0  }
0xa4: {  	s25 =	simm.s32 $0x1B8E;
	s24 =	sld [smem:$0x3FFE];
	[sflag:s23] =	ssyncadd.s32 $0xFFFFFFFF  }
0xa5: {  	s26 =	simm.s32 $execute0_lowered;
	[smem:$0x3FD2] =	sst s25  }
0xa6: {  	s5 =	sshll.u32 s26, $0x1;
	_ =	strace $0x80000046;
	[dreg:$0x1] =	wrdreg $0xFFFFFFFF  }
0xa7: {  	s28 =	simm.s32 $_size_execute0_lowered;
	s3 =	sadd.s32 s3, s5;
	[dreg:$0x0] =	wrdreg $0x0  }
0xa8: {  	s5 =	sshll.u32 s28, $0x1;
	[dreg:$0x2] =	wrdreg s3  }
0xa9: {  	[dreg:$0x3] =	wrdreg s5  }
0xaa: {  	[dreg:$0x4] =	wrdreg $0xC0  }
0xab: {  	_ =	task [dreg:s7], $0x5FFFF  }
0xac: {  	[dreg:$0x1] =	wrdreg $0xFFFFFFFF  }
0xad: {  	[dreg:$0x0] =	wrdreg $0x60  }
0xae: {  	[dreg:$0x2] =	wrdreg s24  }
0xaf: {  	[dreg:$0x3] =	wrdreg s2  }
0xb0: {  	[dreg:$0x4] =	wrdreg $0x9  }
0xb1: {  	_ =	task.clear_ibuf [dreg:s7], $0x5FFFF;
	_ =	strace $0x90000046  }
0xb2: {  	s29 =	simm.s32 $0x9;
	_ =	strace $0x80000048  }
0xb3: {  	_ =	swait.ge [sflag:s29], $0x1  }
0xb4: {  	[sflag:s29] =	ssyncadd.s32 $0xFFFFFFFF  }
0xb5: {  	_ =	strace $0x90000048  }
0xb6: {  	_ =	sfence  }
0xb7: {  	s30 =	sld [smem:$0x0];
	_ =	sdelay $0x2  }
0xb8: {  	s31 =	sshll.u32 s1, $0xD;
	s1 =	sshrl.u32 s1, $0x2  }
0xb9: {  	s3 =	sand.u32 $0x4000, s31;
	s1 =	sadd.s32 s1, s30  }
0xba: {  	s0 =	sor.u32 s3, s0;
	s1 =	sshll.u32 s1, $0x11  }
0xbb: {  	s0 =	sor.u32 s1, s0  }
0xbc: {  	s0 =	sadd.s32 $0x8F2B, s0  }
0xbd: {  	[sflag:s0] =	ssyncadd.remote.s32 $0x1  }
0xbe: {  	_ =	sfence.sel $0xFFFF  }
0xbf: {  	[dreg:$0x0] =	wrdreg $0xFFFFFFFF;
	(pc) =	sbr.abs _section_cstart, $3  }
0xc0: {  	[dreg:$0x1] =	wrdreg $0xFFFFFFFF  }
0xc1: {  	_ =	task.clear_ibuf [dreg:s7], $0x2FFFF;
	_ =	strace $0x9FFFFFFF  }
0xc2: {  	(tm) =	ssettm $0x7FFFFFFF  }
0xc3: {  	_ =	shalt  }
tec
execute0_lowered:
.L_overlay_start_1:
0x0: {  	(tag) =	ssettag $0x1  }
0x1: {  	s0 =	rddreg [dreg:$0x0];
	s1 =	srdreg.scid  }
0x2: {  	s3 =	stileid.u32;
	s2 =	rddreg [dreg:$0x1];
	s9 =	simm.s32 $0x9  }
0x3: {  	s11 =	simm.s32 $0x64;
	s24 =	simm.s32 $0xCC00;
	s28 =	simm.s32 $0x1  }
0x4: {  	s29 =	simm.s32 $0xE500;
	s30 =	simm.s32 $0x2;
	s31 =	simm.s32 $0xFE00  }
0x5: {  	s10 =	simm.s32 $0x4;
	s12 =	simm.s32 $0x13000;
	s13 =	simm.s32 $0x5  }
0x6: {  	s14 =	simm.s32 $0x6;
	s15 =	simm.s32 $0x7;
	s16 =	simm.s32 $0x8  }
0x7: {  	s17 =	simm.s32 $0x0;
	s1 =	sand.u32 $0x1, s1;
	s4 =	sshll.u32 s3, $0x1  }
0x8: {  	s3 =	simm.s32 $0x0;
	s5 =	sadd.s32 $0x1AC00, s0;
	s7 =	sor.u32 s1, s4  }
.Ltmp0:
0x9: {  	[smem:$0x7FF] =	sst s3;
	s1 =	ssub.s32 $0x2, s1;
	(pc) =	sbr.rel .LBB2_1-.Ltmp0, $4  }
0xa: {  	s4 =	smul.u32 $0xD00, s7;
	_ =	strace $0x80000047;
	s8 =	sshrl.u32 s1, $0x1  }
0xb: {  	s7 =	sshll.u32 s7, $0x7;
	s26 =	ssub.s32 s1, s8;
	s1 =	simm.s32 $0x3  }
0xc: {  	s6 =	sadd.s32 s4, s0;
	s4 =	sadd.s32 $0xF43000, s0;
	s8 =	smax.u32 s26, $0x1  }
0xd: {  	s26 =	simm.s32 $0xD880;
	s0 =	simm.s32 $0x11700;
	s6 =	sadd.s32 $0xC00, s6  }
.LBB2_12:
0xe: {  	_ =	swait.ge [sflag:s13], $0x1900  }
0xf: {  	[sflag:s13] =	ssyncset.done $0x0  }
0x10: {  	[sflag:s13] =	ssyncadd.s32 $0xFFFFE700  }
0x11: {  	_ =	swait.ge [sflag:s14], $0x1900  }
0x12: {  	[sflag:s14] =	ssyncset.done $0x0  }
0x13: {  	s17 =	sadd.s32 $0x1, s17;
	[sflag:s14] =	ssyncadd.s32 $0xFFFFE700  }
0x14: {  	p0 =	sne.s32 s17, s8;
	_ =	swait.ge [sflag:s15], $0x1900  }
.Ltmp1:
0x15: {  	[sflag:s15] =	ssyncset.done $0x0;
	(pc) =	sbr.rel @!p0 .LBB2_13-.Ltmp1, $4  }
0x16: {  	[sflag:s15] =	ssyncadd.s32 $0xFFFFE700  }
0x17: {  	_ =	swait.ge [sflag:s16], $0x1900  }
0x18: {  	[sflag:s16] =	ssyncset.done $0x0  }
0x19: {  	[sflag:s16] =	ssyncadd.s32 $0xFFFFE700  }
.LBB2_1:
0x1a: {  	[tilespmem:s3], [sflag:$0x9] =	stream.linear.gather [hbm4b:s6+s3], $0x6800, $0x38;
	[tilespmem:$0x14900] =	vst v63  }
0x1b: {  	_ =	swait.ge [sflag:s9], $0x6800  }
0x1c: {  	[sflag:s9] =	ssyncset.done $0x0  }
0x1d: {  	s18 =	simm.s32 $0x6800;
	[sflag:s9] =	ssyncadd.s32 $0xFFFF9800  }
0x1e: {  	[tilespmem:s18], [sflag:$0x9] =	stream.linear.gather [hbm4b:s5+s3], $0x1900, $0x38;
	[tilespmem:$0x14900] =	vst v63  }
0x1f: {  	_ =	swait.ge [sflag:s9], $0x1900  }
0x20: {  	[sflag:s9] =	ssyncset.done $0x0  }
0x21: {  	s19 =	simm.s32 $0x8100;
	[sflag:s9] =	ssyncadd.s32 $0xFFFFE700  }
0x22: {  	[tilespmem:s19], [sflag:$0x1] =	stream.indirect.gather [hbm4b:s4+s11], $0x20, s3, s11, $0xb8;
	[tilespmem:$0x14900] =	vst v63  }
0x23: {  	s20 =	simm.s32 $0x68;
	s19 =	simm.s32 $0x8D80  }
0x24: {  	[tilespmem:s19], [sflag:$0x1] =	stream.indirect.gather [hbm4b:s4+s11], $0x20, s20, s11, $0xb8;
	[tilespmem:$0x14900] =	vst v63  }
0x25: {  	s21 =	simm.s32 $0xD0;
	s22 =	simm.s32 $0x9A00  }
0x26: {  	[tilespmem:s22], [sflag:$0x2] =	stream.indirect.gather [hbm4b:s4+s11], $0x20, s21, s11, $0xb8;
	[tilespmem:$0x14900] =	vst v63  }
0x27: {  	s23 =	simm.s32 $0x138;
	s25 =	simm.s32 $0xA680  }
0x28: {  	[tilespmem:s25], [sflag:$0x2] =	stream.indirect.gather [hbm4b:s4+s11], $0x20, s23, s11, $0xb8;
	[tilespmem:$0x14900] =	vst v63  }
0x29: {  	s19 =	simm.s32 $0x1A0;
	s20 =	simm.s32 $0xB300  }
0x2a: {  	[tilespmem:s20], [sflag:$0x3] =	stream.indirect.gather [hbm4b:s4+s11], $0x20, s19, s11, $0xb8;
	[tilespmem:$0x14900] =	vst v63  }
0x2b: {  	s21 =	simm.s32 $0x208;
	s22 =	simm.s32 $0xBF80  }
0x2c: {  	[tilespmem:s22], [sflag:$0x3] =	stream.indirect.gather [hbm4b:s4+s11], $0x20, s21, s11, $0xb8;
	[tilespmem:$0x14900] =	vst v63  }
0x2d: {  	s23 =	simm.s32 $0x270  }
0x2e: {  	[tilespmem:s24], [sflag:$0x4] =	stream.indirect.gather [hbm4b:s4+s11], $0x20, s23, s11, $0xb8;
	[tilespmem:$0x14900] =	vst v63  }
0x2f: {  	s18 =	simm.s32 $0x0;
	s25 =	simm.s32 $0x2D8  }
0x30: {  	[tilespmem:s26], [sflag:$0x4] =	stream.indirect.gather [hbm4b:s4+s11], $0x20, s25, s11, $0xb8;
	[tilespmem:$0x14900] =	vst v63  }
.LBB2_2:
0x31: {  	_ =	swait.ge [sflag:s28], $0xC80  }
0x32: {  	[sflag:s28] =	ssyncset.done $0x0  }
0x33: {  	[sflag:s28] =	ssyncadd.s32 $0xFFFFF380  }
0x34: {  	_ =	swait.ge [sflag:s28], $0xC80  }
0x35: {  	p0 =	seq.s32 s18, $0x0;
	[sflag:s28] =	ssyncset.done $0x0  }
0x36: {  	s19 =	simm.s32 @!p0 $0x5;
	[sflag:s28] =	ssyncadd.s32 $0xFFFFF380  }
0x37: {  	_ =	swait.ge @!p0 [sflag:s19], $0x1900  }
0x38: {  	[sflag:s19] =	ssyncset.done @!p0 $0x0  }
0x39: {  	s20 =	simm.s32 $0xFFFFF380;
	[sflag:s19] =	ssyncadd.s32 @!p0 $0xFFFFE700  }
0x3a: {  	v0 =	vld [tilespmem:s20+$0x9A70]  }
0x3b: {  	v1 =	vld [tilespmem:s20+$0x8170]  }
0x3c: {  	v2 =	vld [tilespmem:s20+$0x8D80]  }
0x3d: {  	v3 =	vld [tilespmem:s20+$0x7480]  }
0x3e: {  	v4 =	vld [tilespmem:s20+$0x8D90]  }
0x3f: {  	v5 =	vld [tilespmem:s20+$0x7490]  }
0x40: {  	v6 =	vld [tilespmem:s20+$0x8DA0]  }
0x41: {  	v7 =	vld [tilespmem:s20+$0x8DB0]  }
0x42: {  	v0 =	vadd.f32 v1, v0;
	v1 =	vld [tilespmem:s20+$0x74A0]  }
0x43: {  	v2 =	vadd.f32 v3, v2;
	v3 =	vld [tilespmem:s20+$0x8DC0]  }
0x44: {  	[tilespmem:s20+$0xFE70] =	vst v0;
	v0 =	vld [tilespmem:s20+$0x74B0]  }
0x45: {  	[tilespmem:s20+$0xF180] =	vst v2;
	v2 =	vadd.f32 v5, v4;
	v4 =	vld [tilespmem:s20+$0x74C0]  }
0x46: {  	v5 =	vld [tilespmem:s20+$0x74D0]  }
0x47: {  	[tilespmem:s20+$0xF190] =	vst v2;
	v2 =	vld [tilespmem:s20+$0x8DD0];
	v1 =	vadd.f32 v1, v6  }
0x48: {  	v6 =	vld [tilespmem:s20+$0x74E0]  }
0x49: {  	[tilespmem:s20+$0xF1A0] =	vst v1;
	v0 =	vadd.f32 v0, v7;
	v1 =	vld [tilespmem:s20+$0x8DE0]  }
0x4a: {  	v7 =	vld [tilespmem:s20+$0x8130]  }
0x4b: {  	[tilespmem:s20+$0xF1B0] =	vst v0;
	v0 =	vadd.f32 v4, v3;
	v3 =	vld [tilespmem:s20+$0x8DF0]  }
0x4c: {  	v4 =	vld [tilespmem:s20+$0x74F0]  }
0x4d: {  	[tilespmem:s20+$0xF1C0] =	vst v0;
	v0 =	vadd.f32 v5, v2;
	v2 =	vld [tilespmem:s20+$0x9A00]  }
0x4e: {  	v5 =	vld [tilespmem:s20+$0x8100]  }
0x4f: {  	[tilespmem:s20+$0xF1D0] =	vst v0;
	v0 =	vadd.f32 v6, v1;
	v1 =	vld [tilespmem:s20+$0x9A10]  }
0x50: {  	v6 =	vld [tilespmem:s20+$0x8110]  }
0x51: {  	[tilespmem:s20+$0xF1E0] =	vst v0;
	v0 =	vadd.f32 v4, v3;
	v3 =	vld [tilespmem:s20+$0x9A20]  }
0x52: {  	v4 =	vld [tilespmem:s20+$0x8120]  }
0x53: {  	[tilespmem:s20+$0xF1F0] =	vst v0;
	v0 =	vadd.f32 v5, v2;
	v5 =	vld [tilespmem:s20+$0x9A30]  }
0x54: {  	v8 =	vld [tilespmem:s20+$0x8140]  }
0x55: {  	[tilespmem:s20+$0xFE00] =	vst v0;
	v0 =	vadd.f32 v6, v1;
	v6 =	vld [tilespmem:s20+$0x9A40]  }
0x56: {  	v2 =	vld [tilespmem:s20+$0x9A50]  }
0x57: {  	[tilespmem:s20+$0xFE10] =	vst v0;
	v0 =	vadd.f32 v4, v3;
	v3 =	vld [tilespmem:s20+$0x8150]  }
0x58: {  	v4 =	vld [tilespmem:s20+$0x8160];
	v5 =	vadd.f32 v7, v5  }
0x59: {  	s21 =	simm.s32 $0xFFFFF400;
	[tilespmem:s20+$0xFE20] =	vst v0;
	v0 =	vld [tilespmem:s20+$0x9A60]  }
0x5a: {  	s22 =	simm.s32 $0xFFFFD200;
	s19 =	sshll.u32 s18, $0x2;
	v1 =	vld [tilespmem:s21+$0x9A70];
	[tilespmem:s20+$0xFE30] =	vst v5;
	v5 =	vadd.f32 v8, v6  }
.LBB2_3:
0x5b: {  	p1 =	sne.s32 s22, $0xFFFFFE00;
	v6 =	vld [tilespmem:s21+$0x8170]  }
0x5c: {  	v7 =	vld [tilespmem:s21+$0x8D80];
	[tilespmem:s20+$0xFE40] =	vst v5;
	v2 =	vadd.f32 v3, v2  }
0x5d: {  	v3 =	vld [tilespmem:s21+$0x7480]  }
0x5e: {  	v5 =	vld [tilespmem:s21+$0x8D90];
	[tilespmem:s20+$0xFE50] =	vst v2;
	v0 =	vadd.f32 v4, v0  }
0x5f: {  	v2 =	vld [tilespmem:s21+$0x7490]  }
0x60: {  	v4 =	vld [tilespmem:s21+$0x8DA0];
	v1 =	vadd.f32 v6, v1;
	[tilespmem:s20+$0xFE60] =	vst v0;
	s20 =	smov.u32 s21  }
0x61: {  	v0 =	vld [tilespmem:s20+$0x74A0]  }
0x62: {  	v3 =	vadd.f32 v3, v7;
	v6 =	vld [tilespmem:s20+$0x8DB0];
	[tilespmem:s20+$0xFE70] =	vst v1  }
0x63: {  	v1 =	vld [tilespmem:s20+$0x74B0]  }
0x64: {  	[tilespmem:s20+$0xF180] =	vst v3;
	v2 =	vadd.f32 v2, v5;
	v3 =	vld [tilespmem:s20+$0x8DC0]  }
0x65: {  	v5 =	vld [tilespmem:s20+$0x74C0]  }
0x66: {  	[tilespmem:s20+$0xF190] =	vst v2;
	v0 =	vadd.f32 v0, v4;
	v2 =	vld [tilespmem:s20+$0x8DD0]  }
0x67: {  	v4 =	vld [tilespmem:s20+$0x74D0]  }
0x68: {  	[tilespmem:s20+$0xF1A0] =	vst v0;
	v0 =	vadd.f32 v1, v6;
	v1 =	vld [tilespmem:s20+$0x8DE0]  }
0x69: {  	v6 =	vld [tilespmem:s20+$0x74E0]  }
0x6a: {  	[tilespmem:s20+$0xF1B0] =	vst v0;
	v0 =	vadd.f32 v5, v3;
	v3 =	vld [tilespmem:s20+$0x8DF0]  }
0x6b: {  	v5 =	vld [tilespmem:s20+$0x74F0]  }
0x6c: {  	[tilespmem:s20+$0xF1C0] =	vst v0;
	v0 =	vadd.f32 v4, v2;
	v2 =	vld [tilespmem:s20+$0x9A00]  }
0x6d: {  	v4 =	vld [tilespmem:s20+$0x8100]  }
0x6e: {  	[tilespmem:s20+$0xF1D0] =	vst v0;
	v0 =	vadd.f32 v6, v1;
	v1 =	vld [tilespmem:s20+$0x9A10]  }
0x6f: {  	v6 =	vld [tilespmem:s20+$0x8110]  }
0x70: {  	[tilespmem:s20+$0xF1E0] =	vst v0;
	v0 =	vadd.f32 v5, v3;
	v3 =	vld [tilespmem:s20+$0x9A20]  }
0x71: {  	v5 =	vld [tilespmem:s20+$0x8120]  }
0x72: {  	[tilespmem:s20+$0xF1F0] =	vst v0;
	v0 =	vadd.f32 v4, v2;
	v4 =	vld [tilespmem:s20+$0x9A30]  }
0x73: {  	v7 =	vld [tilespmem:s20+$0x8130]  }
0x74: {  	[tilespmem:s20+$0xFE00] =	vst v0;
	v0 =	vadd.f32 v6, v1;
	v6 =	vld [tilespmem:s20+$0x9A40]  }
0x75: {  	v8 =	vld [tilespmem:s20+$0x8140]  }
.Ltmp2:
0x76: {  	[tilespmem:s20+$0xFE10] =	vst v0;
	v0 =	vadd.f32 v5, v3;
	v2 =	vld [tilespmem:s20+$0x9A50];
	(pc) =	sbr.rel @p1 .LBB2_3-.Ltmp2, $4  }
0x77: {  	v3 =	vld [tilespmem:s20+$0x8150]  }
0x78: {  	[tilespmem:s20+$0xFE20] =	vst v0;
	v5 =	vadd.f32 v7, v4;
	v0 =	vld [tilespmem:s20+$0x9A60]  }
0x79: {  	s21 =	sshra.s32 s22, $0x2;
	v4 =	vld [tilespmem:s20+$0x8160]  }
0x7a: {  	s22 =	sadd.s32 $0x200, s22;
	v1 =	vld [tilespmem:s21+$0x9A70];
	[tilespmem:s20+$0xFE30] =	vst v5;
	v5 =	vadd.f32 v8, v6  }
0x7b: {  	v6 =	vld [tilespmem:s21+$0x8170]  }
0x7c: {  	v7 =	vld [tilespmem:s21+$0x8D80];
	[tilespmem:s20+$0xFE40] =	vst v5;
	v2 =	vadd.f32 v3, v2  }
0x7d: {  	v3 =	vld [tilespmem:s21+$0x7480]  }
0x7e: {  	v5 =	vld [tilespmem:s21+$0x8D90];
	[tilespmem:s20+$0xFE50] =	vst v2;
	v0 =	vadd.f32 v4, v0  }
0x7f: {  	v2 =	vld [tilespmem:s21+$0x7490]  }
0x80: {  	v4 =	vld [tilespmem:s21+$0x8DA0];
	[tilespmem:s20+$0xFE60] =	vst v0  }
0x81: {  	v0 =	vadd.f32 v6, v1;
	v1 =	vld [tilespmem:s21+$0x74A0]  }
0x82: {  	v6 =	vld [tilespmem:s21+$0x8DB0]  }
0x83: {  	v3 =	vadd.f32 v3, v7;
	[tilespmem:s21+$0xFE70] =	vst v0;
	v0 =	vld [tilespmem:s21+$0x74B0]  }
0x84: {  	v7 =	vld [tilespmem:s21+$0x8160]  }
0x85: {  	[tilespmem:s21+$0xF180] =	vst v3;
	v2 =	vadd.f32 v2, v5;
	v3 =	vld [tilespmem:s21+$0x8DC0]  }
0x86: {  	v5 =	vld [tilespmem:s21+$0x74C0]  }
0x87: {  	[tilespmem:s21+$0xF190] =	vst v2;
	v2 =	vld [tilespmem:s21+$0x8DD0]  }
0x88: {  	v1 =	vadd.f32 v1, v4;
	v4 =	vld [tilespmem:s21+$0x74D0]  }
0x89: {  	v0 =	vadd.f32 v0, v6;
	v6 =	vld [tilespmem:s21+$0x74E0]  }
0x8a: {  	[tilespmem:s21+$0xF1A0] =	vst v1;
	v1 =	vld [tilespmem:s21+$0x8DE0]  }
0x8b: {  	[tilespmem:s21+$0xF1B0] =	vst v0;
	v0 =	vadd.f32 v5, v3;
	v3 =	vld [tilespmem:s21+$0x8DF0]  }
0x8c: {  	v5 =	vld [tilespmem:s21+$0x74F0]  }
0x8d: {  	[tilespmem:s21+$0xF1C0] =	vst v0;
	v0 =	vadd.f32 v4, v2;
	v2 =	vld [tilespmem:s21+$0x9A00]  }
0x8e: {  	v4 =	vld [tilespmem:s21+$0x8100]  }
0x8f: {  	[tilespmem:s21+$0xF1D0] =	vst v0;
	v0 =	vadd.f32 v6, v1;
	v1 =	vld [tilespmem:s21+$0x9A10]  }
0x90: {  	v6 =	vld [tilespmem:s21+$0x8110]  }
0x91: {  	[tilespmem:s21+$0xF1E0] =	vst v0;
	v0 =	vadd.f32 v5, v3;
	v3 =	vld [tilespmem:s21+$0x9A20]  }
0x92: {  	v5 =	vld [tilespmem:s21+$0x8120]  }
0x93: {  	[tilespmem:s21+$0xF1F0] =	vst v0;
	v0 =	vadd.f32 v4, v2;
	v2 =	vld [tilespmem:s21+$0x9A30]  }
0x94: {  	v4 =	vld [tilespmem:s21+$0x8130]  }
0x95: {  	[tilespmem:s21+$0xFE00] =	vst v0;
	v0 =	vadd.f32 v6, v1;
	v1 =	vld [tilespmem:s21+$0x9A40]  }
0x96: {  	v6 =	vld [tilespmem:s21+$0x8140]  }
0x97: {  	[tilespmem:s21+$0xFE10] =	vst v0;
	v0 =	vadd.f32 v5, v3;
	v3 =	vld [tilespmem:s21+$0x9A50]  }
0x98: {  	v5 =	vld [tilespmem:s21+$0x8150]  }
0x99: {  	[tilespmem:s21+$0xFE20] =	vst v0;
	v0 =	vld [tilespmem:s21+$0x9A60];
	_ =	sdelay $0x1  }
0x9a: {  	v2 =	vadd.f32 v4, v2  }
0x9b: {  	v1 =	vadd.f32 v6, v1  }
0x9c: {  	s25 =	sadd.s32 s7, s19;
	[tilespmem:s21+$0xFE30] =	vst v2;
	v2 =	vadd.f32 v5, v3  }
0x9d: {  	s20 =	smul.u32 $0x320, s25;
	[tilespmem:s21+$0xFE40] =	vst v1;
	v0 =	vadd.f32 v7, v0  }
0x9e: {  	p1 =	seq.s32 s18, $0x1F;
	[tilespmem:s21+$0xFE50] =	vst v2  }
0x9f: {  	s20 =	sadd.s32 s2, s20;
	[tilespmem:s21+$0xFE60] =	vst v0;
	s21 =	smul.u32 @!p1 $0xD00, s18  }
0xa0: {  	[hbm4b:s20+s3] =	stream.linear.scatter [tilespmem:s29], [sflag:$0x5], $0x1900, $0x38;
	[tilespmem:$0x14900] =	vst v63  }
0xa1: {  	s20 =	sshra.s32 @!p1 s21, $0x2  }
0xa2: {  	s22 =	simm.s32 @!p1 $0x64;
	s23 =	simm.s32 @!p1 $0x8100;
	s21 =	sadd.s32 @!p1 $0x340, s20  }
0xa3: {  	[tilespmem:s23], [sflag:$0x1] =	stream.indirect.gather @!p1 [hbm4b:s4+s22], $0x20, s21, s22, $0xb8;
	[tilespmem:$0x14900] =	vst v63  }
0xa4: {  	s21 =	sadd.s32 @!p1 $0x3A8, s20;
	s23 =	simm.s32 @!p1 $0x8D80  }
0xa5: {  	[tilespmem:s23], [sflag:$0x1] =	stream.indirect.gather @!p1 [hbm4b:s4+s22], $0x20, s21, s22, $0xb8;
	[tilespmem:$0x14900] =	vst v63  }
0xa6: {  	_ =	swait.ge [sflag:s30], $0xC80  }
0xa7: {  	[sflag:s30] =	ssyncset.done $0x0  }
0xa8: {  	[sflag:s30] =	ssyncadd.s32 $0xFFFFF380  }
0xa9: {  	_ =	swait.ge [sflag:s30], $0xC80  }
0xaa: {  	[sflag:s30] =	ssyncset.done $0x0  }
0xab: {  	s21 =	simm.s32 @!p0 $0x6;
	[sflag:s30] =	ssyncadd.s32 $0xFFFFF380  }
0xac: {  	_ =	swait.ge @!p0 [sflag:s21], $0x1900  }
0xad: {  	[sflag:s21] =	ssyncset.done @!p0 $0x0  }
0xae: {  	[sflag:s21] =	ssyncadd.s32 @!p0 $0xFFFFE700;
	s21 =	simm.s32 $0x0  }
0xaf: {  	v0 =	vld [tilespmem:s21+$0xA6F0]  }
0xb0: {  	v1 =	vld [tilespmem:s21+$0x74F0]  }
0xb1: {  	v2 =	vld [tilespmem:s21+$0x9A00]  }
0xb2: {  	v3 =	vld [tilespmem:s21+$0x6800]  }
0xb3: {  	v4 =	vld [tilespmem:s21+$0x9A10]  }
0xb4: {  	v5 =	vld [tilespmem:s21+$0x6810]  }
0xb5: {  	v6 =	vld [tilespmem:s21+$0x9A20]  }
0xb6: {  	v7 =	vld [tilespmem:s21+$0x9A30]  }
0xb7: {  	v0 =	vadd.f32 v1, v0;
	v1 =	vld [tilespmem:s21+$0x6820]  }
0xb8: {  	v2 =	vadd.f32 v3, v2;
	v3 =	vld [tilespmem:s21+$0x9A40]  }
0xb9: {  	[tilespmem:s21+$0x10AF0] =	vst v0;
	v0 =	vld [tilespmem:s21+$0x6830]  }
0xba: {  	[tilespmem:s21+$0xFE00] =	vst v2;
	v2 =	vadd.f32 v5, v4;
	v4 =	vld [tilespmem:s21+$0x6840]  }
0xbb: {  	v5 =	vld [tilespmem:s21+$0x6850]  }
0xbc: {  	[tilespmem:s21+$0xFE10] =	vst v2;
	v2 =	vld [tilespmem:s21+$0x9A50];
	v1 =	vadd.f32 v1, v6  }
0xbd: {  	v6 =	vld [tilespmem:s21+$0x6860]  }
0xbe: {  	[tilespmem:s21+$0xFE20] =	vst v1;
	v0 =	vadd.f32 v0, v7;
	v1 =	vld [tilespmem:s21+$0x9A60]  }
0xbf: {  	v7 =	vld [tilespmem:s21+$0x74B0]  }
0xc0: {  	[tilespmem:s21+$0xFE30] =	vst v0;
	v0 =	vadd.f32 v4, v3;
	v3 =	vld [tilespmem:s21+$0x9A70]  }
0xc1: {  	v4 =	vld [tilespmem:s21+$0x6870]  }
0xc2: {  	[tilespmem:s21+$0xFE40] =	vst v0;
	v0 =	vadd.f32 v5, v2;
	v2 =	vld [tilespmem:s21+$0xA680]  }
0xc3: {  	v5 =	vld [tilespmem:s21+$0x7480]  }
0xc4: {  	[tilespmem:s21+$0xFE50] =	vst v0;
	v0 =	vadd.f32 v6, v1;
	v1 =	vld [tilespmem:s21+$0xA690]  }
0xc5: {  	v6 =	vld [tilespmem:s21+$0x7490]  }
0xc6: {  	[tilespmem:s21+$0xFE60] =	vst v0;
	v0 =	vadd.f32 v4, v3;
	v3 =	vld [tilespmem:s21+$0xA6A0]  }
0xc7: {  	v4 =	vld [tilespmem:s21+$0x74A0]  }
0xc8: {  	[tilespmem:s21+$0xFE70] =	vst v0;
	v0 =	vadd.f32 v5, v2;
	v5 =	vld [tilespmem:s21+$0xA6B0]  }
0xc9: {  	v8 =	vld [tilespmem:s21+$0x74C0]  }
0xca: {  	[tilespmem:s21+$0x10A80] =	vst v0;
	v0 =	vadd.f32 v6, v1;
	v6 =	vld [tilespmem:s21+$0xA6C0]  }
0xcb: {  	v2 =	vld [tilespmem:s21+$0xA6D0]  }
0xcc: {  	[tilespmem:s21+$0x10A90] =	vst v0;
	v0 =	vadd.f32 v4, v3;
	v3 =	vld [tilespmem:s21+$0x74D0]  }
0xcd: {  	v4 =	vld [tilespmem:s21+$0x74E0];
	v5 =	vadd.f32 v7, v5  }
0xce: {  	s23 =	simm.s32 $0x80;
	[tilespmem:s21+$0x10AA0] =	vst v0;
	v0 =	vld [tilespmem:s21+$0xA6E0]  }
0xcf: {  	s25 =	simm.s32 $0x400;
	s22 =	sor.u32 $0x1, s19;
	v1 =	vld [tilespmem:s23+$0xA6F0];
	[tilespmem:s21+$0x10AB0] =	vst v5;
	v5 =	vadd.f32 v8, v6  }
.LBB2_5:
0xd0: {  	p2 =	sne.s32 s25, $0x3000;
	v6 =	vld [tilespmem:s23+$0x74F0]  }
0xd1: {  	v7 =	vld [tilespmem:s23+$0x9A00];
	[tilespmem:s21+$0x10AC0] =	vst v5;
	v2 =	vadd.f32 v3, v2  }
0xd2: {  	v3 =	vld [tilespmem:s23+$0x6800]  }
0xd3: {  	v5 =	vld [tilespmem:s23+$0x9A10];
	[tilespmem:s21+$0x10AD0] =	vst v2;
	v0 =	vadd.f32 v4, v0  }
0xd4: {  	v2 =	vld [tilespmem:s23+$0x6810]  }
0xd5: {  	v4 =	vld [tilespmem:s23+$0x9A20];
	v1 =	vadd.f32 v6, v1;
	[tilespmem:s21+$0x10AE0] =	vst v0;
	s21 =	smov.u32 s23  }
0xd6: {  	v0 =	vld [tilespmem:s21+$0x6820]  }
0xd7: {  	v3 =	vadd.f32 v3, v7;
	v6 =	vld [tilespmem:s21+$0x9A30];
	[tilespmem:s21+$0x10AF0] =	vst v1  }
0xd8: {  	v1 =	vld [tilespmem:s21+$0x6830]  }
0xd9: {  	[tilespmem:s21+$0xFE00] =	vst v3;
	v2 =	vadd.f32 v2, v5;
	v3 =	vld [tilespmem:s21+$0x9A40]  }
0xda: {  	v5 =	vld [tilespmem:s21+$0x6840]  }
0xdb: {  	[tilespmem:s21+$0xFE10] =	vst v2;
	v0 =	vadd.f32 v0, v4;
	v2 =	vld [tilespmem:s21+$0x9A50]  }
0xdc: {  	v4 =	vld [tilespmem:s21+$0x6850]  }
0xdd: {  	[tilespmem:s21+$0xFE20] =	vst v0;
	v0 =	vadd.f32 v1, v6;
	v1 =	vld [tilespmem:s21+$0x9A60]  }
0xde: {  	v6 =	vld [tilespmem:s21+$0x6860]  }
0xdf: {  	[tilespmem:s21+$0xFE30] =	vst v0;
	v0 =	vadd.f32 v5, v3;
	v3 =	vld [tilespmem:s21+$0x9A70]  }
0xe0: {  	v5 =	vld [tilespmem:s21+$0x6870]  }
0xe1: {  	[tilespmem:s21+$0xFE40] =	vst v0;
	v0 =	vadd.f32 v4, v2;
	v2 =	vld [tilespmem:s21+$0xA680]  }
0xe2: {  	v4 =	vld [tilespmem:s21+$0x7480]  }
0xe3: {  	[tilespmem:s21+$0xFE50] =	vst v0;
	v0 =	vadd.f32 v6, v1;
	v1 =	vld [tilespmem:s21+$0xA690]  }
0xe4: {  	v6 =	vld [tilespmem:s21+$0x7490]  }
0xe5: {  	[tilespmem:s21+$0xFE60] =	vst v0;
	v0 =	vadd.f32 v5, v3;
	v3 =	vld [tilespmem:s21+$0xA6A0]  }
0xe6: {  	v5 =	vld [tilespmem:s21+$0x74A0]  }
0xe7: {  	[tilespmem:s21+$0xFE70] =	vst v0;
	v0 =	vadd.f32 v4, v2;
	v4 =	vld [tilespmem:s21+$0xA6B0]  }
0xe8: {  	v7 =	vld [tilespmem:s21+$0x74B0]  }
0xe9: {  	[tilespmem:s21+$0x10A80] =	vst v0;
	v0 =	vadd.f32 v6, v1;
	v6 =	vld [tilespmem:s21+$0xA6C0]  }
0xea: {  	v8 =	vld [tilespmem:s21+$0x74C0]  }
.Ltmp3:
0xeb: {  	[tilespmem:s21+$0x10A90] =	vst v0;
	v0 =	vadd.f32 v5, v3;
	v2 =	vld [tilespmem:s21+$0xA6D0];
	(pc) =	sbr.rel @p2 .LBB2_5-.Ltmp3, $4  }
0xec: {  	v3 =	vld [tilespmem:s21+$0x74D0]  }
0xed: {  	[tilespmem:s21+$0x10AA0] =	vst v0;
	v5 =	vadd.f32 v7, v4;
	v0 =	vld [tilespmem:s21+$0xA6E0]  }
0xee: {  	s23 =	sshra.s32 s25, $0x2;
	v4 =	vld [tilespmem:s21+$0x74E0]  }
0xef: {  	s25 =	sadd.s32 $0x200, s25;
	v1 =	vld [tilespmem:s23+$0xA6F0];
	[tilespmem:s21+$0x10AB0] =	vst v5;
	v5 =	vadd.f32 v8, v6  }
0xf0: {  	v6 =	vld [tilespmem:s23+$0x74F0]  }
0xf1: {  	v7 =	vld [tilespmem:s23+$0x9A00];
	[tilespmem:s21+$0x10AC0] =	vst v5;
	v2 =	vadd.f32 v3, v2  }
0xf2: {  	v3 =	vld [tilespmem:s23+$0x6800]  }
0xf3: {  	v5 =	vld [tilespmem:s23+$0x9A10];
	[tilespmem:s21+$0x10AD0] =	vst v2;
	v0 =	vadd.f32 v4, v0  }
0xf4: {  	v2 =	vld [tilespmem:s23+$0x6810]  }
0xf5: {  	v4 =	vld [tilespmem:s23+$0x9A20];
	[tilespmem:s21+$0x10AE0] =	vst v0  }
0xf6: {  	v0 =	vadd.f32 v6, v1;
	v1 =	vld [tilespmem:s23+$0x6820]  }
0xf7: {  	v6 =	vld [tilespmem:s23+$0x9A30]  }
0xf8: {  	v3 =	vadd.f32 v3, v7;
	[tilespmem:s23+$0x10AF0] =	vst v0;
	v0 =	vld [tilespmem:s23+$0x6830]  }
0xf9: {  	v7 =	vld [tilespmem:s23+$0x74E0]  }
0xfa: {  	[tilespmem:s23+$0xFE00] =	vst v3;
	v2 =	vadd.f32 v2, v5;
	v3 =	vld [tilespmem:s23+$0x9A40]  }
0xfb: {  	v5 =	vld [tilespmem:s23+$0x6840]  }
0xfc: {  	[tilespmem:s23+$0xFE10] =	vst v2;
	v2 =	vld [tilespmem:s23+$0x9A50]  }
0xfd: {  	v1 =	vadd.f32 v1, v4;
	v4 =	vld [tilespmem:s23+$0x6850]  }
0xfe: {  	v0 =	vadd.f32 v0, v6;
	v6 =	vld [tilespmem:s23+$0x6860]  }
0xff: {  	[tilespmem:s23+$0xFE20] =	vst v1;
	v1 =	vld [tilespmem:s23+$0x9A60]  }
0x100: {  	[tilespmem:s23+$0xFE30] =	vst v0;
	v0 =	vadd.f32 v5, v3;
	v3 =	vld [tilespmem:s23+$0x9A70]  }
0x101: {  	v5 =	vld [tilespmem:s23+$0x6870]  }
0x102: {  	[tilespmem:s23+$0xFE40] =	vst v0;
	v0 =	vadd.f32 v4, v2;
	v2 =	vld [tilespmem:s23+$0xA680]  }
0x103: {  	v4 =	vld [tilespmem:s23+$0x7480]  }
0x104: {  	[tilespmem:s23+$0xFE50] =	vst v0;
	v0 =	vadd.f32 v6, v1;
	v1 =	vld [tilespmem:s23+$0xA690]  }
0x105: {  	v6 =	vld [tilespmem:s23+$0x7490]  }
0x106: {  	[tilespmem:s23+$0xFE60] =	vst v0;
	v0 =	vadd.f32 v5, v3;
	v3 =	vld [tilespmem:s23+$0xA6A0]  }
0x107: {  	v5 =	vld [tilespmem:s23+$0x74A0]  }
0x108: {  	[tilespmem:s23+$0xFE70] =	vst v0;
	v0 =	vadd.f32 v4, v2;
	v2 =	vld [tilespmem:s23+$0xA6B0]  }
0x109: {  	v4 =	vld [tilespmem:s23+$0x74B0]  }
0x10a: {  	[tilespmem:s23+$0x10A80] =	vst v0;
	v0 =	vadd.f32 v6, v1;
	v1 =	vld [tilespmem:s23+$0xA6C0]  }
0x10b: {  	v6 =	vld [tilespmem:s23+$0x74C0]  }
0x10c: {  	[tilespmem:s23+$0x10A90] =	vst v0;
	v0 =	vadd.f32 v5, v3;
	v3 =	vld [tilespmem:s23+$0xA6D0]  }
0x10d: {  	v5 =	vld [tilespmem:s23+$0x74D0]  }
0x10e: {  	[tilespmem:s23+$0x10AA0] =	vst v0;
	v0 =	vld [tilespmem:s23+$0xA6E0];
	_ =	sdelay $0x1  }
0x10f: {  	v2 =	vadd.f32 v4, v2  }
0x110: {  	v1 =	vadd.f32 v6, v1  }
0x111: {  	s25 =	sadd.s32 s7, s22;
	[tilespmem:s23+$0x10AB0] =	vst v2;
	v2 =	vadd.f32 v5, v3  }
0x112: {  	s21 =	smul.u32 $0x320, s25;
	[tilespmem:s23+$0x10AC0] =	vst v1;
	v0 =	vadd.f32 v7, v0  }
0x113: {  	[tilespmem:s23+$0x10AD0] =	vst v2  }
0x114: {  	s21 =	sadd.s32 s2, s21;
	[tilespmem:s23+$0x10AE0] =	vst v0  }
0x115: {  	[hbm4b:s21+s3] =	stream.linear.scatter [tilespmem:s31], [sflag:$0x6], $0x1900, $0x38;
	[tilespmem:$0x14900] =	vst v63  }
0x116: {  	s22 =	simm.s32 @!p1 $0x64;
	s23 =	simm.s32 @!p1 $0x9A00;
	s21 =	sadd.s32 @!p1 $0x410, s20  }
0x117: {  	[tilespmem:s23], [sflag:$0x2] =	stream.indirect.gather @!p1 [hbm4b:s4+s22], $0x20, s21, s22, $0xb8;
	[tilespmem:$0x14900] =	vst v63  }
0x118: {  	s21 =	sadd.s32 @!p1 $0x478, s20;
	s23 =	simm.s32 @!p1 $0xA680  }
0x119: {  	[tilespmem:s23], [sflag:$0x2] =	stream.indirect.gather @!p1 [hbm4b:s4+s22], $0x20, s21, s22, $0xb8;
	[tilespmem:$0x14900] =	vst v63  }
0x11a: {  	_ =	swait.ge [sflag:s1], $0xC80  }
0x11b: {  	[sflag:s1] =	ssyncset.done $0x0  }
0x11c: {  	[sflag:s1] =	ssyncadd.s32 $0xFFFFF380  }
0x11d: {  	_ =	swait.ge [sflag:s1], $0xC80  }
0x11e: {  	[sflag:s1] =	ssyncset.done $0x0  }
0x11f: {  	s21 =	simm.s32 @!p0 $0x7;
	[sflag:s1] =	ssyncadd.s32 $0xFFFFF380  }
0x120: {  	_ =	swait.ge @!p0 [sflag:s21], $0x1900  }
0x121: {  	[sflag:s21] =	ssyncset.done @!p0 $0x0  }
0x122: {  	[sflag:s21] =	ssyncadd.s32 @!p0 $0xFFFFE700;
	s21 =	simm.s32 $0x0  }
0x123: {  	v0 =	vld [tilespmem:s21+$0xBFF0]  }
0x124: {  	v1 =	vld [tilespmem:s21+$0x74F0]  }
0x125: {  	v2 =	vld [tilespmem:s21+$0xB300]  }
0x126: {  	v3 =	vld [tilespmem:s21+$0x6800]  }
0x127: {  	v4 =	vld [tilespmem:s21+$0xB310]  }
0x128: {  	v5 =	vld [tilespmem:s21+$0x6810]  }
0x129: {  	v6 =	vld [tilespmem:s21+$0xB320]  }
0x12a: {  	v7 =	vld [tilespmem:s21+$0xB330]  }
0x12b: {  	v0 =	vadd.f32 v1, v0;
	v1 =	vld [tilespmem:s21+$0x6820]  }
0x12c: {  	v2 =	vadd.f32 v3, v2;
	v3 =	vld [tilespmem:s21+$0xB340]  }
0x12d: {  	[tilespmem:s21+$0x123F0] =	vst v0;
	v0 =	vld [tilespmem:s21+$0x6830]  }
0x12e: {  	[tilespmem:s21+$0x11700] =	vst v2;
	v2 =	vadd.f32 v5, v4;
	v4 =	vld [tilespmem:s21+$0x6840]  }
0x12f: {  	v5 =	vld [tilespmem:s21+$0x6850]  }
0x130: {  	[tilespmem:s21+$0x11710] =	vst v2;
	v2 =	vld [tilespmem:s21+$0xB350];
	v1 =	vadd.f32 v1, v6  }
0x131: {  	v6 =	vld [tilespmem:s21+$0x6860]  }
0x132: {  	[tilespmem:s21+$0x11720] =	vst v1;
	v0 =	vadd.f32 v0, v7;
	v1 =	vld [tilespmem:s21+$0xB360]  }
0x133: {  	v7 =	vld [tilespmem:s21+$0x74B0]  }
0x134: {  	[tilespmem:s21+$0x11730] =	vst v0;
	v0 =	vadd.f32 v4, v3;
	v3 =	vld [tilespmem:s21+$0xB370]  }
0x135: {  	v4 =	vld [tilespmem:s21+$0x6870]  }
0x136: {  	[tilespmem:s21+$0x11740] =	vst v0;
	v0 =	vadd.f32 v5, v2;
	v2 =	vld [tilespmem:s21+$0xBF80]  }
0x137: {  	v5 =	vld [tilespmem:s21+$0x7480]  }
0x138: {  	[tilespmem:s21+$0x11750] =	vst v0;
	v0 =	vadd.f32 v6, v1;
	v1 =	vld [tilespmem:s21+$0xBF90]  }
0x139: {  	v6 =	vld [tilespmem:s21+$0x7490]  }
0x13a: {  	[tilespmem:s21+$0x11760] =	vst v0;
	v0 =	vadd.f32 v4, v3;
	v3 =	vld [tilespmem:s21+$0xBFA0]  }
0x13b: {  	v4 =	vld [tilespmem:s21+$0x74A0]  }
0x13c: {  	[tilespmem:s21+$0x11770] =	vst v0;
	v0 =	vadd.f32 v5, v2;
	v5 =	vld [tilespmem:s21+$0xBFB0]  }
0x13d: {  	v8 =	vld [tilespmem:s21+$0x74C0]  }
0x13e: {  	[tilespmem:s21+$0x12380] =	vst v0;
	v0 =	vadd.f32 v6, v1;
	v6 =	vld [tilespmem:s21+$0xBFC0]  }
0x13f: {  	v2 =	vld [tilespmem:s21+$0xBFD0]  }
0x140: {  	[tilespmem:s21+$0x12390] =	vst v0;
	v0 =	vadd.f32 v4, v3;
	v3 =	vld [tilespmem:s21+$0x74D0]  }
0x141: {  	v4 =	vld [tilespmem:s21+$0x74E0];
	v5 =	vadd.f32 v7, v5  }
0x142: {  	s23 =	simm.s32 $0x80;
	[tilespmem:s21+$0x123A0] =	vst v0;
	v0 =	vld [tilespmem:s21+$0xBFE0]  }
0x143: {  	s25 =	simm.s32 $0x400;
	s22 =	sor.u32 $0x2, s19;
	v1 =	vld [tilespmem:s23+$0xBFF0];
	[tilespmem:s21+$0x123B0] =	vst v5;
	v5 =	vadd.f32 v8, v6  }
.LBB2_7:
0x144: {  	p2 =	sne.s32 s25, $0x3000;
	v6 =	vld [tilespmem:s23+$0x74F0]  }
0x145: {  	v7 =	vld [tilespmem:s23+$0xB300];
	[tilespmem:s21+$0x123C0] =	vst v5;
	v2 =	vadd.f32 v3, v2  }
0x146: {  	v3 =	vld [tilespmem:s23+$0x6800]  }
0x147: {  	v5 =	vld [tilespmem:s23+$0xB310];
	[tilespmem:s21+$0x123D0] =	vst v2;
	v0 =	vadd.f32 v4, v0  }
0x148: {  	v2 =	vld [tilespmem:s23+$0x6810]  }
0x149: {  	v4 =	vld [tilespmem:s23+$0xB320];
	v1 =	vadd.f32 v6, v1;
	[tilespmem:s21+$0x123E0] =	vst v0;
	s21 =	smov.u32 s23  }
0x14a: {  	v0 =	vld [tilespmem:s21+$0x6820]  }
0x14b: {  	v3 =	vadd.f32 v3, v7;
	v6 =	vld [tilespmem:s21+$0xB330];
	[tilespmem:s21+$0x123F0] =	vst v1  }
0x14c: {  	v1 =	vld [tilespmem:s21+$0x6830]  }
0x14d: {  	[tilespmem:s21+$0x11700] =	vst v3;
	v2 =	vadd.f32 v2, v5;
	v3 =	vld [tilespmem:s21+$0xB340]  }
0x14e: {  	v5 =	vld [tilespmem:s21+$0x6840]  }
0x14f: {  	[tilespmem:s21+$0x11710] =	vst v2;
	v0 =	vadd.f32 v0, v4;
	v2 =	vld [tilespmem:s21+$0xB350]  }
0x150: {  	v4 =	vld [tilespmem:s21+$0x6850]  }
0x151: {  	[tilespmem:s21+$0x11720] =	vst v0;
	v0 =	vadd.f32 v1, v6;
	v1 =	vld [tilespmem:s21+$0xB360]  }
0x152: {  	v6 =	vld [tilespmem:s21+$0x6860]  }
0x153: {  	[tilespmem:s21+$0x11730] =	vst v0;
	v0 =	vadd.f32 v5, v3;
	v3 =	vld [tilespmem:s21+$0xB370]  }
0x154: {  	v5 =	vld [tilespmem:s21+$0x6870]  }
0x155: {  	[tilespmem:s21+$0x11740] =	vst v0;
	v0 =	vadd.f32 v4, v2;
	v2 =	vld [tilespmem:s21+$0xBF80]  }
0x156: {  	v4 =	vld [tilespmem:s21+$0x7480]  }
0x157: {  	[tilespmem:s21+$0x11750] =	vst v0;
	v0 =	vadd.f32 v6, v1;
	v1 =	vld [tilespmem:s21+$0xBF90]  }
0x158: {  	v6 =	vld [tilespmem:s21+$0x7490]  }
0x159: {  	[tilespmem:s21+$0x11760] =	vst v0;
	v0 =	vadd.f32 v5, v3;
	v3 =	vld [tilespmem:s21+$0xBFA0]  }
0x15a: {  	v5 =	vld [tilespmem:s21+$0x74A0]  }
0x15b: {  	[tilespmem:s21+$0x11770] =	vst v0;
	v0 =	vadd.f32 v4, v2;
	v4 =	vld [tilespmem:s21+$0xBFB0]  }
0x15c: {  	v7 =	vld [tilespmem:s21+$0x74B0]  }
0x15d: {  	[tilespmem:s21+$0x12380] =	vst v0;
	v0 =	vadd.f32 v6, v1;
	v6 =	vld [tilespmem:s21+$0xBFC0]  }
0x15e: {  	v8 =	vld [tilespmem:s21+$0x74C0]  }
.Ltmp4:
0x15f: {  	[tilespmem:s21+$0x12390] =	vst v0;
	v0 =	vadd.f32 v5, v3;
	v2 =	vld [tilespmem:s21+$0xBFD0];
	(pc) =	sbr.rel @p2 .LBB2_7-.Ltmp4, $4  }
0x160: {  	v3 =	vld [tilespmem:s21+$0x74D0]  }
0x161: {  	[tilespmem:s21+$0x123A0] =	vst v0;
	v5 =	vadd.f32 v7, v4;
	v0 =	vld [tilespmem:s21+$0xBFE0]  }
0x162: {  	s23 =	sshra.s32 s25, $0x2;
	v4 =	vld [tilespmem:s21+$0x74E0]  }
0x163: {  	s25 =	sadd.s32 $0x200, s25;
	v1 =	vld [tilespmem:s23+$0xBFF0];
	[tilespmem:s21+$0x123B0] =	vst v5;
	v5 =	vadd.f32 v8, v6  }
0x164: {  	v6 =	vld [tilespmem:s23+$0x74F0]  }
0x165: {  	v7 =	vld [tilespmem:s23+$0xB300];
	[tilespmem:s21+$0x123C0] =	vst v5;
	v2 =	vadd.f32 v3, v2  }
0x166: {  	v3 =	vld [tilespmem:s23+$0x6800]  }
0x167: {  	v5 =	vld [tilespmem:s23+$0xB310];
	[tilespmem:s21+$0x123D0] =	vst v2;
	v0 =	vadd.f32 v4, v0  }
0x168: {  	v2 =	vld [tilespmem:s23+$0x6810]  }
0x169: {  	v4 =	vld [tilespmem:s23+$0xB320];
	[tilespmem:s21+$0x123E0] =	vst v0  }
0x16a: {  	v0 =	vadd.f32 v6, v1;
	v1 =	vld [tilespmem:s23+$0x6820]  }
0x16b: {  	v6 =	vld [tilespmem:s23+$0xB330]  }
0x16c: {  	v3 =	vadd.f32 v3, v7;
	[tilespmem:s23+$0x123F0] =	vst v0;
	v0 =	vld [tilespmem:s23+$0x6830]  }
0x16d: {  	v7 =	vld [tilespmem:s23+$0x74E0]  }
0x16e: {  	[tilespmem:s23+$0x11700] =	vst v3;
	v2 =	vadd.f32 v2, v5;
	v3 =	vld [tilespmem:s23+$0xB340]  }
0x16f: {  	v5 =	vld [tilespmem:s23+$0x6840]  }
0x170: {  	[tilespmem:s23+$0x11710] =	vst v2;
	v2 =	vld [tilespmem:s23+$0xB350]  }
0x171: {  	v1 =	vadd.f32 v1, v4;
	v4 =	vld [tilespmem:s23+$0x6850]  }
0x172: {  	v0 =	vadd.f32 v0, v6;
	v6 =	vld [tilespmem:s23+$0x6860]  }
0x173: {  	[tilespmem:s23+$0x11720] =	vst v1;
	v1 =	vld [tilespmem:s23+$0xB360]  }
0x174: {  	[tilespmem:s23+$0x11730] =	vst v0;
	v0 =	vadd.f32 v5, v3;
	v3 =	vld [tilespmem:s23+$0xB370]  }
0x175: {  	v5 =	vld [tilespmem:s23+$0x6870]  }
0x176: {  	[tilespmem:s23+$0x11740] =	vst v0;
	v0 =	vadd.f32 v4, v2;
	v2 =	vld [tilespmem:s23+$0xBF80]  }
0x177: {  	v4 =	vld [tilespmem:s23+$0x7480]  }
0x178: {  	[tilespmem:s23+$0x11750] =	vst v0;
	v0 =	vadd.f32 v6, v1;
	v1 =	vld [tilespmem:s23+$0xBF90]  }
0x179: {  	v6 =	vld [tilespmem:s23+$0x7490]  }
0x17a: {  	[tilespmem:s23+$0x11760] =	vst v0;
	v0 =	vadd.f32 v5, v3;
	v3 =	vld [tilespmem:s23+$0xBFA0]  }
0x17b: {  	v5 =	vld [tilespmem:s23+$0x74A0]  }
0x17c: {  	[tilespmem:s23+$0x11770] =	vst v0;
	v0 =	vadd.f32 v4, v2;
	v2 =	vld [tilespmem:s23+$0xBFB0]  }
0x17d: {  	v4 =	vld [tilespmem:s23+$0x74B0]  }
0x17e: {  	[tilespmem:s23+$0x12380] =	vst v0;
	v0 =	vadd.f32 v6, v1;
	v1 =	vld [tilespmem:s23+$0xBFC0]  }
0x17f: {  	v6 =	vld [tilespmem:s23+$0x74C0]  }
0x180: {  	[tilespmem:s23+$0x12390] =	vst v0;
	v0 =	vadd.f32 v5, v3;
	v3 =	vld [tilespmem:s23+$0xBFD0]  }
0x181: {  	v5 =	vld [tilespmem:s23+$0x74D0]  }
0x182: {  	[tilespmem:s23+$0x123A0] =	vst v0;
	v0 =	vld [tilespmem:s23+$0xBFE0];
	_ =	sdelay $0x1  }
0x183: {  	v2 =	vadd.f32 v4, v2  }
0x184: {  	v1 =	vadd.f32 v6, v1  }
0x185: {  	s25 =	sadd.s32 s7, s22;
	[tilespmem:s23+$0x123B0] =	vst v2;
	v2 =	vadd.f32 v5, v3  }
0x186: {  	s21 =	smul.u32 $0x320, s25;
	[tilespmem:s23+$0x123C0] =	vst v1;
	v0 =	vadd.f32 v7, v0  }
0x187: {  	[tilespmem:s23+$0x123D0] =	vst v2  }
0x188: {  	s21 =	sadd.s32 s2, s21;
	[tilespmem:s23+$0x123E0] =	vst v0  }
0x189: {  	[hbm4b:s21+s3] =	stream.linear.scatter [tilespmem:s0], [sflag:$0x7], $0x1900, $0x38;
	[tilespmem:$0x14900] =	vst v63  }
0x18a: {  	s22 =	simm.s32 @!p1 $0x64;
	s23 =	simm.s32 @!p1 $0xB300;
	s21 =	sadd.s32 @!p1 $0x4E0, s20  }
0x18b: {  	[tilespmem:s23], [sflag:$0x3] =	stream.indirect.gather @!p1 [hbm4b:s4+s22], $0x20, s21, s22, $0xb8;
	[tilespmem:$0x14900] =	vst v63  }
0x18c: {  	s20 =	sadd.s32 @!p1 $0x548, s20;
	s21 =	simm.s32 @!p1 $0xBF80  }
0x18d: {  	[tilespmem:s21], [sflag:$0x3] =	stream.indirect.gather @!p1 [hbm4b:s4+s22], $0x20, s20, s22, $0xb8;
	[tilespmem:$0x14900] =	vst v63  }
0x18e: {  	_ =	swait.ge [sflag:s10], $0xC80  }
0x18f: {  	[sflag:s10] =	ssyncset.done $0x0  }
0x190: {  	[sflag:s10] =	ssyncadd.s32 $0xFFFFF380  }
0x191: {  	_ =	swait.ge [sflag:s10], $0xC80  }
0x192: {  	[sflag:s10] =	ssyncset.done $0x0  }
0x193: {  	s20 =	simm.s32 @!p0 $0x8;
	[sflag:s10] =	ssyncadd.s32 $0xFFFFF380  }
0x194: {  	_ =	swait.ge @!p0 [sflag:s20], $0x1900  }
0x195: {  	[sflag:s20] =	ssyncset.done @!p0 $0x0  }
0x196: {  	[sflag:s20] =	ssyncadd.s32 @!p0 $0xFFFFE700;
	s20 =	simm.s32 $0x0  }
0x197: {  	v0 =	vld [tilespmem:s20+$0xD8F0]  }
0x198: {  	v1 =	vld [tilespmem:s20+$0x74F0]  }
0x199: {  	v2 =	vld [tilespmem:s20+$0xCC00]  }
0x19a: {  	v3 =	vld [tilespmem:s20+$0x6800]  }
0x19b: {  	v4 =	vld [tilespmem:s20+$0xCC10]  }
0x19c: {  	v5 =	vld [tilespmem:s20+$0x6810]  }
0x19d: {  	v6 =	vld [tilespmem:s20+$0xCC20]  }
0x19e: {  	v7 =	vld [tilespmem:s20+$0xCC30]  }
0x19f: {  	v0 =	vadd.f32 v1, v0;
	v1 =	vld [tilespmem:s20+$0x6820]  }
0x1a0: {  	v2 =	vadd.f32 v3, v2;
	v3 =	vld [tilespmem:s20+$0xCC40]  }
0x1a1: {  	[tilespmem:s20+$0x13CF0] =	vst v0;
	v0 =	vld [tilespmem:s20+$0x6830]  }
0x1a2: {  	[tilespmem:s20+$0x13000] =	vst v2;
	v2 =	vadd.f32 v5, v4;
	v4 =	vld [tilespmem:s20+$0x6840]  }
0x1a3: {  	v5 =	vld [tilespmem:s20+$0x6850]  }
0x1a4: {  	[tilespmem:s20+$0x13010] =	vst v2;
	v2 =	vld [tilespmem:s20+$0xCC50];
	v1 =	vadd.f32 v1, v6  }
0x1a5: {  	v6 =	vld [tilespmem:s20+$0x6860]  }
0x1a6: {  	[tilespmem:s20+$0x13020] =	vst v1;
	v0 =	vadd.f32 v0, v7;
	v1 =	vld [tilespmem:s20+$0xCC60]  }
0x1a7: {  	v7 =	vld [tilespmem:s20+$0x74B0]  }
0x1a8: {  	[tilespmem:s20+$0x13030] =	vst v0;
	v0 =	vadd.f32 v4, v3;
	v3 =	vld [tilespmem:s20+$0xCC70]  }
0x1a9: {  	v4 =	vld [tilespmem:s20+$0x6870]  }
0x1aa: {  	[tilespmem:s20+$0x13040] =	vst v0;
	v0 =	vadd.f32 v5, v2;
	v2 =	vld [tilespmem:s20+$0xD880]  }
0x1ab: {  	v5 =	vld [tilespmem:s20+$0x7480]  }
0x1ac: {  	[tilespmem:s20+$0x13050] =	vst v0;
	v0 =	vadd.f32 v6, v1;
	v1 =	vld [tilespmem:s20+$0xD890]  }
0x1ad: {  	v6 =	vld [tilespmem:s20+$0x7490]  }
0x1ae: {  	[tilespmem:s20+$0x13060] =	vst v0;
	v0 =	vadd.f32 v4, v3;
	v3 =	vld [tilespmem:s20+$0xD8A0]  }
0x1af: {  	v4 =	vld [tilespmem:s20+$0x74A0]  }
0x1b0: {  	[tilespmem:s20+$0x13070] =	vst v0;
	v0 =	vadd.f32 v5, v2;
	v5 =	vld [tilespmem:s20+$0xD8B0]  }
0x1b1: {  	v8 =	vld [tilespmem:s20+$0x74C0]  }
0x1b2: {  	[tilespmem:s20+$0x13C80] =	vst v0;
	v0 =	vadd.f32 v6, v1;
	v6 =	vld [tilespmem:s20+$0xD8C0]  }
0x1b3: {  	v2 =	vld [tilespmem:s20+$0xD8D0]  }
0x1b4: {  	[tilespmem:s20+$0x13C90] =	vst v0;
	v0 =	vadd.f32 v4, v3;
	v3 =	vld [tilespmem:s20+$0x74D0]  }
0x1b5: {  	v4 =	vld [tilespmem:s20+$0x74E0];
	v5 =	vadd.f32 v7, v5  }
0x1b6: {  	s21 =	simm.s32 $0x80;
	[tilespmem:s20+$0x13CA0] =	vst v0;
	v0 =	vld [tilespmem:s20+$0xD8E0]  }
0x1b7: {  	s19 =	sor.u32 $0x3, s19;
	s22 =	simm.s32 $0x400;
	v1 =	vld [tilespmem:s21+$0xD8F0];
	[tilespmem:s20+$0x13CB0] =	vst v5;
	v5 =	vadd.f32 v8, v6  }
.LBB2_9:
0x1b8: {  	p0 =	sne.s32 s22, $0x3000;
	v6 =	vld [tilespmem:s21+$0x74F0]  }
0x1b9: {  	v7 =	vld [tilespmem:s21+$0xCC00];
	[tilespmem:s20+$0x13CC0] =	vst v5;
	v2 =	vadd.f32 v3, v2  }
0x1ba: {  	v3 =	vld [tilespmem:s21+$0x6800]  }
0x1bb: {  	v5 =	vld [tilespmem:s21+$0xCC10];
	[tilespmem:s20+$0x13CD0] =	vst v2;
	v0 =	vadd.f32 v4, v0  }
0x1bc: {  	v2 =	vld [tilespmem:s21+$0x6810]  }
0x1bd: {  	v4 =	vld [tilespmem:s21+$0xCC20];
	v1 =	vadd.f32 v6, v1;
	[tilespmem:s20+$0x13CE0] =	vst v0;
	s20 =	smov.u32 s21  }
0x1be: {  	v0 =	vld [tilespmem:s20+$0x6820]  }
0x1bf: {  	v3 =	vadd.f32 v3, v7;
	v6 =	vld [tilespmem:s20+$0xCC30];
	[tilespmem:s20+$0x13CF0] =	vst v1  }
0x1c0: {  	v1 =	vld [tilespmem:s20+$0x6830]  }
0x1c1: {  	[tilespmem:s20+$0x13000] =	vst v3;
	v2 =	vadd.f32 v2, v5;
	v3 =	vld [tilespmem:s20+$0xCC40]  }
0x1c2: {  	v5 =	vld [tilespmem:s20+$0x6840]  }
0x1c3: {  	[tilespmem:s20+$0x13010] =	vst v2;
	v0 =	vadd.f32 v0, v4;
	v2 =	vld [tilespmem:s20+$0xCC50]  }
0x1c4: {  	v4 =	vld [tilespmem:s20+$0x6850]  }
0x1c5: {  	[tilespmem:s20+$0x13020] =	vst v0;
	v0 =	vadd.f32 v1, v6;
	v1 =	vld [tilespmem:s20+$0xCC60]  }
0x1c6: {  	v6 =	vld [tilespmem:s20+$0x6860]  }
0x1c7: {  	[tilespmem:s20+$0x13030] =	vst v0;
	v0 =	vadd.f32 v5, v3;
	v3 =	vld [tilespmem:s20+$0xCC70]  }
0x1c8: {  	v5 =	vld [tilespmem:s20+$0x6870]  }
0x1c9: {  	[tilespmem:s20+$0x13040] =	vst v0;
	v0 =	vadd.f32 v4, v2;
	v2 =	vld [tilespmem:s20+$0xD880]  }
0x1ca: {  	v4 =	vld [tilespmem:s20+$0x7480]  }
0x1cb: {  	[tilespmem:s20+$0x13050] =	vst v0;
	v0 =	vadd.f32 v6, v1;
	v1 =	vld [tilespmem:s20+$0xD890]  }
0x1cc: {  	v6 =	vld [tilespmem:s20+$0x7490]  }
0x1cd: {  	[tilespmem:s20+$0x13060] =	vst v0;
	v0 =	vadd.f32 v5, v3;
	v3 =	vld [tilespmem:s20+$0xD8A0]  }
0x1ce: {  	v5 =	vld [tilespmem:s20+$0x74A0]  }
0x1cf: {  	[tilespmem:s20+$0x13070] =	vst v0;
	v0 =	vadd.f32 v4, v2;
	v4 =	vld [tilespmem:s20+$0xD8B0]  }
0x1d0: {  	v7 =	vld [tilespmem:s20+$0x74B0]  }
0x1d1: {  	[tilespmem:s20+$0x13C80] =	vst v0;
	v0 =	vadd.f32 v6, v1;
	v6 =	vld [tilespmem:s20+$0xD8C0]  }
0x1d2: {  	v8 =	vld [tilespmem:s20+$0x74C0]  }
.Ltmp5:
0x1d3: {  	[tilespmem:s20+$0x13C90] =	vst v0;
	v0 =	vadd.f32 v5, v3;
	v2 =	vld [tilespmem:s20+$0xD8D0];
	(pc) =	sbr.rel @p0 .LBB2_9-.Ltmp5, $4  }
0x1d4: {  	v3 =	vld [tilespmem:s20+$0x74D0]  }
0x1d5: {  	[tilespmem:s20+$0x13CA0] =	vst v0;
	v5 =	vadd.f32 v7, v4;
	v0 =	vld [tilespmem:s20+$0xD8E0]  }
0x1d6: {  	s21 =	sshra.s32 s22, $0x2;
	v4 =	vld [tilespmem:s20+$0x74E0]  }
0x1d7: {  	s22 =	sadd.s32 $0x200, s22;
	v1 =	vld [tilespmem:s21+$0xD8F0];
	[tilespmem:s20+$0x13CB0] =	vst v5;
	v5 =	vadd.f32 v8, v6  }
0x1d8: {  	v6 =	vld [tilespmem:s21+$0x74F0]  }
0x1d9: {  	v7 =	vld [tilespmem:s21+$0xCC00];
	[tilespmem:s20+$0x13CC0] =	vst v5;
	v2 =	vadd.f32 v3, v2  }
0x1da: {  	v28 =	vld [tilespmem:s21+$0x6800]  }
0x1db: {  	v5 =	vld [tilespmem:s21+$0xCC10];
	[tilespmem:s20+$0x13CD0] =	vst v2;
	v0 =	vadd.f32 v4, v0  }
0x1dc: {  	v2 =	vld [tilespmem:s21+$0x6810]  }
0x1dd: {  	v29 =	vld [tilespmem:s21+$0xCC20];
	[tilespmem:s20+$0x13CE0] =	vst v0  }
0x1de: {  	v31 =	vld [tilespmem:s21+$0x6820]  }
0x1df: {  	v32 =	vld [tilespmem:s21+$0xCC30]  }
0x1e0: {  	v33 =	vld [tilespmem:s21+$0x6830]  }
0x1e1: {  	v34 =	vld [tilespmem:s21+$0xCC40]  }
0x1e2: {  	v35 =	vld [tilespmem:s21+$0x6840]  }
0x1e3: {  	v36 =	vld [tilespmem:s21+$0xCC50]  }
0x1e4: {  	v37 =	vld [tilespmem:s21+$0x6850]  }
0x1e5: {  	v38 =	vld [tilespmem:s21+$0xCC60]  }
0x1e6: {  	v39 =	vld [tilespmem:s21+$0x6860]  }
0x1e7: {  	v41 =	vld [tilespmem:s21+$0xCC70]  }
0x1e8: {  	v42 =	vld [tilespmem:s21+$0x6870]  }
0x1e9: {  	v44 =	vld [tilespmem:s21+$0xD880]  }
0x1ea: {  	v45 =	vld [tilespmem:s21+$0x7480]  }
0x1eb: {  	v47 =	vld [tilespmem:s21+$0xD890]  }
0x1ec: {  	v30 =	vadd.f32 v6, v1;
	v48 =	vld [tilespmem:s21+$0x7490]  }
0x1ed: {  	v50 =	vld [tilespmem:s21+$0xD8A0];
	v3 =	vadd.f32 v28, v7  }
0x1ee: {  	v51 =	vld [tilespmem:s21+$0x74A0];
	[tilespmem:s21+$0x13CF0] =	vst v30;
	v2 =	vadd.f32 v2, v5  }
0x1ef: {  	v53 =	vld [tilespmem:s21+$0xD8B0];
	[tilespmem:s21+$0x13000] =	vst v3;
	v1 =	vadd.f32 v31, v29  }
0x1f0: {  	v54 =	vld [tilespmem:s21+$0x74B0];
	[tilespmem:s21+$0x13010] =	vst v2;
	v0 =	vadd.f32 v33, v32  }
0x1f1: {  	v56 =	vld [tilespmem:s21+$0xD8C0];
	v40 =	vadd.f32 v35, v34;
	[tilespmem:s21+$0x13020] =	vst v1  }
0x1f2: {  	v57 =	vld [tilespmem:s21+$0x74C0];
	v43 =	vadd.f32 v37, v36;
	[tilespmem:s21+$0x13030] =	vst v0  }
0x1f3: {  	v59 =	vld [tilespmem:s21+$0xD8D0];
	v46 =	vadd.f32 v39, v38;
	[tilespmem:s21+$0x13040] =	vst v40  }
0x1f4: {  	v60 =	vld [tilespmem:s21+$0x74D0];
	v49 =	vadd.f32 v42, v41;
	[tilespmem:s21+$0x13050] =	vst v43  }
0x1f5: {  	v61 =	vld [tilespmem:s21+$0xD8E0];
	v52 =	vadd.f32 v45, v44;
	[tilespmem:s21+$0x13060] =	vst v46  }
0x1f6: {  	v62 =	vld [tilespmem:s21+$0x74E0];
	v55 =	vadd.f32 v48, v47;
	[tilespmem:s21+$0x13070] =	vst v49  }
0x1f7: {  	v58 =	vadd.f32 v51, v50;
	[tilespmem:s21+$0x13C80] =	vst v52  }
0x1f8: {  	v2 =	vadd.f32 v54, v53;
	[tilespmem:s21+$0x13C90] =	vst v55  }
0x1f9: {  	v63 =	vadd.f32 v60, v59;
	[tilespmem:s21+$0x13CA0] =	vst v58  }
.Ltmp6:
0x1fa: {  	s19 =	sadd.s32 s7, s19;
	v1 =	vadd.f32 v57, v56;
	[tilespmem:s21+$0x13CB0] =	vst v2;
	(pc) =	sbr.rel @p1 .LBB2_12-.Ltmp6, $4  }
0x1fb: {  	s19 =	smul.u32 $0x320, s19;
	v0 =	vadd.f32 v62, v61;
	[tilespmem:s21+$0x13CD0] =	vst v63  }
0x1fc: {  	[tilespmem:s21+$0x13CC0] =	vst v1  }
0x1fd: {  	s19 =	sadd.s32 s2, s19;
	[tilespmem:s21+$0x13CE0] =	vst v0  }
0x1fe: {  	[hbm4b:s19+s3] =	stream.linear.scatter [tilespmem:s12], [sflag:$0x8], $0x1900, $0x38;
	[tilespmem:$0x14900] =	vst v63  }
0x1ff: {  	s19 =	smul.u32 $0xD00, s18;
	_ =	sdelay $0x1  }
.Ltmp7:
0x200: {  	s19 =	sshra.s32 s19, $0x2;
	(pc) =	sbr.rel .LBB2_2-.Ltmp7, $4  }
0x201: {  	s20 =	sadd.s32 $0x5B0, s19  }
0x202: {  	[tilespmem:s24], [sflag:$0x4] =	stream.indirect.gather [hbm4b:s4+s11], $0x20, s20, s11, $0xb8;
	[tilespmem:$0x14900] =	vst v63  }
0x203: {  	s18 =	sadd.s32 $0x1, s18;
	s19 =	sadd.s32 $0x618, s19  }
0x204: {  	[tilespmem:s26], [sflag:$0x4] =	stream.indirect.gather [hbm4b:s4+s11], $0x20, s19, s11, $0xb8;
	[tilespmem:$0x14900] =	vst v63  }
.LBB2_13:
0x205: {  	_ =	sfence.sel $0x180000  }
0x206: {  	[bflag:$0x0] =	sbarrier.arrive $0xFFFF  }
0x207: {  	_ =	strace $0x90000047  }
0x208: {  	s0 =	stileid.u32;
	[bflag:$0x2] =	sbarrier.arrive $0xFFFF  }
0x209: {  	p0 =	sne.s32 s0, $0x0;
	s0 =	rddreg [dreg:$0x2]  }
0x20a: {  	s0 =	sadd.s32 @!p0 $0x100000, s0  }
0x20b: {  	[sflag:s0] =	ssyncadd.tile.s32 @!p0 $0x1;
	_ =	shalt  }
.Lfunc_end2:
_tile_overlayer_lowered:
.L_overlay_start_2:
0x20c: {  	(tag) =	ssettag $0x2  }
0x20d: {  	s0 =	rddreg [dreg:$0x0];
	s2 =	stileid.u32  }
0x20e: {  	s1 =	rddreg [dreg:$0x1];
	p0 =	sne.s32 s2, $0x0  }
0x20f: {  	s3 =	rddreg [dreg:$0x2];
	[bflag:$0x3] =	sbarrier.arrive $0xFFFF;
	s2 =	simm.s32 @!p0 $0x1C09  }
0x210: {  	[timem:s3], [sflag:s2] =	dma.local @!p0 [hbm:s0], s1  }
0x211: {  	s0 =	simm.s32 @!p0 $0x9  }
0x212: {  	_ =	swait.ge @!p0 [sflag:s0], s1  }
0x213: {  	s1 =	ssub.s32 @!p0 $0x0, s1;
	[sflag:s0] =	ssyncset.done @!p0 $0x0  }
0x214: {  	[sflag:s0] =	ssyncadd.s32 @!p0 s1  }
0x215: {  	[bflag:$0x3] =	sbarrier.arrive $0xFFFF  }
0x216: {  	_ =	shalt  }

// kernel: sparse-core-data-format-call.cloned.1.call-start
scs
called_computation_lowered:
.L_overlay_start_0:
0x0: {  	s2 =	sld [smem:$0x3FD9]  }
0x1: {  	s3 =	sld [smem:$0x3FFE];
	_ =	sdelay $0x1  }
0x2: {  	s1 =	srdreg.scid  }
0x3: {  	s0 =	sand.u32 $0x1, s1  }
0x4: {  	s18 =	sshll.u32 s0, $0xA;
	s2 =	sadd.s32 s3, s2  }
0x5: {  	s2 =	sadd.s32 s2, s18  }
0x6: {  	[smem:$0x3FC5] =	sst s2  }
0x7: {  	_ = 	snop  }
0x8: {  	s2 =	sld [smem:$0x3FD0];
	(tm) =	ssettm $0x1  }
0x9: {  	s19 =	sld [smem:$0x3FFB];
	_ =	sdelay $0x3  }
0xa: {  	_ =	strace s19  }
0xb: {  	s3 =	sld [smem:$0x3FFC];
	_ =	sdelay $0x3  }
0xc: {  	_ =	strace s3  }
0xd: {  	s3 =	sld [smem:$0x3FFD];
	_ =	sdelay $0x3  }
0xe: {  	_ =	strace s3  }
0xf: {  	_ =	strace $0x8FFFFFFF  }
0x10: {  	s20 =	sld [smem:$0x3FDB];
	_ =	sdelay $0x1  }
0x11: {  	s4 =	simm.s32 $_scs_section_size  }
0x12: {  	s5 =	simm.s32 $_size__tile_overlayer_lowered;
	s6 =	simm.s32 $_tile_overlayer_lowered  }
0x13: {  	s23 =	simm.s32 $0x1BFF;
	s22 =	sshll.u32 s6, $0x1;
	s3 =	sadd.s32 s4, s20  }
0x14: {  	s7 =	simm.s32 $0x0;
	s21 =	sshll.u32 s5, $0x1;
	s5 =	sadd.s32 s22, s3  }
0x15: {  	[timem:s7], [sflag:s23] =	dma.local [hbm:s5], s21  }
0x16: {  	_ =	swait.ge [sflag:s23], s21  }
0x17: {  	s4 =	ssub.s32 $0x0, s21;
	[sflag:s23] =	ssyncset.done $0x0  }
0x18: {  	[sflag:s23] =	ssyncadd.s32 s4;
	_ =	sdelay $0x1  }
0x19: {  	s24 =	simm.s32 $0x1B8B  }
0x1a: {  	_ =	swait.ge [sflag:s24], $0x1  }
0x1b: {  	[sflag:s24] =	ssyncset.done $0x0  }
0x1c: {  	s26 =	simm.s32 $0x1B8E;
	s25 =	sld [smem:$0x3FFE];
	[sflag:s24] =	ssyncadd.s32 $0xFFFFFFFF  }
0x1d: {  	s27 =	simm.s32 $execute0_lowered;
	[smem:$0x3FD2] =	sst s26  }
0x1e: {  	s5 =	sshll.u32 s27, $0x1;
	_ =	strace $0x80000049;
	[dreg:$0x1] =	wrdreg $0xFFFFFFFF  }
0x1f: {  	s28 =	simm.s32 $_size_execute0_lowered;
	s3 =	sadd.s32 s3, s5;
	[dreg:$0x0] =	wrdreg $0x0  }
0x20: {  	s5 =	sshll.u32 s28, $0x1;
	[dreg:$0x2] =	wrdreg s3  }
0x21: {  	[dreg:$0x3] =	wrdreg s5  }
0x22: {  	[dreg:$0x4] =	wrdreg $0xC0  }
0x23: {  	_ =	task [dreg:s7], $0x5FFFF  }
0x24: {  	[dreg:$0x1] =	wrdreg $0xFFFFFFFF  }
0x25: {  	[dreg:$0x0] =	wrdreg $0x60  }
0x26: {  	[dreg:$0x2] =	wrdreg s25  }
0x27: {  	[dreg:$0x3] =	wrdreg s2  }
0x28: {  	[dreg:$0x4] =	wrdreg $0x9  }
0x29: {  	_ =	task.clear_ibuf [dreg:s7], $0x5FFFF;
	_ =	strace $0x90000049  }
0x2a: {  	s29 =	simm.s32 $0x9;
	_ =	strace $0x8000004B  }
0x2b: {  	_ =	swait.ge [sflag:s29], $0x1  }
0x2c: {  	[sflag:s29] =	ssyncadd.s32 $0xFFFFFFFF  }
0x2d: {  	_ =	strace $0x9000004B  }
0x2e: {  	_ =	sfence  }
0x2f: {  	s30 =	sld [smem:$0x0];
	_ =	sdelay $0x2  }
0x30: {  	s31 =	sshll.u32 s1, $0xD;
	s1 =	sshrl.u32 s1, $0x2  }
0x31: {  	s3 =	sand.u32 $0x4000, s31;
	s1 =	sadd.s32 s1, s30  }
0x32: {  	s0 =	sor.u32 s3, s0;
	s1 =	sshll.u32 s1, $0x11  }
0x33: {  	s0 =	sor.u32 s1, s0  }
0x34: {  	s0 =	sadd.s32 $0x8F2B, s0  }
0x35: {  	[sflag:s0] =	ssyncadd.remote.s32 $0x1  }
0x36: {  	_ =	sfence.sel $0xFFFF  }
0x37: {  	[dreg:$0x0] =	wrdreg $0xFFFFFFFF;
	(pc) =	sbr.abs _section_cstart, $3  }
0x38: {  	[dreg:$0x1] =	wrdreg $0xFFFFFFFF  }
0x39: {  	_ =	task.clear_ibuf [dreg:s7], $0x2FFFF;
	_ =	strace $0x9FFFFFFF  }
0x3a: {  	(tm) =	ssettm $0x7FFFFFFF  }
0x3b: {  	_ =	shalt  }
tec
execute0_lowered:
.L_overlay_start_1:
0x0: {  	(tag) =	ssettag $0x1  }
0x1: {  	s0 =	srdreg.scid  }
0x2: {  	s1 =	sshll.u32 s0, $0x4  }
0x3: {  	s0 =	stileid.u32;
	s1 =	sand.u32 $0x10, s1  }
0x4: {  	s1 =	sor.u32 s0, s1  }
0x5: {  	s6 =	rddreg [dreg:$0x0];
	s4 =	simm.s32 $0x1;
	s2 =	sshll.u32 s1, $0x7  }
0x6: {  	s7 =	simm.s32 $0x2;
	s12 =	simm.s32 $0x0;
	s1 =	ssub.s32 $0x1000, s2  }
0x7: {  	s8 =	simm.s32 $0x8000;
	s13 =	simm.s32 $0x0;
	s3 =	sand.u32 $0xF80, s1  }
0x8: {  	s9 =	simm.s32 $0x0;
	s5 =	sshrl.u32 s1, $0xC;
	p0 =	sne.s32 s3, $0x0  }
.Ltmp0:
0x9: {  	s1 =	rddreg [dreg:$0x2];
	s4 =	simm.s32 @!p0 $0x0;
	(pc) =	sbr.rel .LBB1_1-.Ltmp0, $4  }
0xa: {  	s11 =	simm.s32 $0x0;
	s3 =	rddreg [dreg:$0x1];
	s5 =	sadd.s32 s4, s5  }
0xb: {  	_ =	strace $0x8000004A;
	s4 =	simm.s32 $0x1;
	s5 =	smul.u32 $0xC8, s5  }
0xc: {  	s6 =	sadd.s32 $0xC00, s6;
	s10 =	smov.u32 s2;
	[sflag:s4] =	ssyncpa.u1 $0x0  }
0xd: {  	p0 =	por $0x0, $0x0;
	[sflag:s7] =	ssyncpa.u1 $0x0;
	s7 =	sor.u32 $0x1, s5  }
.LBB1_4:
0xe: {  	s16 =	sshll.u32 s13, $0x3;
	s17 =	sand.u32 $0x78, s13  }
0xf: {  	s30 =	sand.u32 $0x3E00, s13;
	s12 =	sshll.u32 s12, $0xE;
	s16 =	sand.u32 $0xC00, s16  }
0x10: {  	s31 =	sand.u32 $0x7, s13;
	s16 =	sor.u32 s17, s16;
	s17 =	sadd.s32 s3, s30  }
0x11: {  	s13 =	sshll.u32 s31, $0x12;
	s16 =	sshrl.u32 s16, $0x3;
	s12 =	sadd.s32 s12, s17  }
0x12: {  	[tilespmem:s15+$0x0 ss:$0x81] =	vst.msk $0xffff, v0;
	s13 =	sor.u32 $0x400, s13;
	s12 =	sadd.s32 s16, s12  }
0x13: {  	[hbm4b:s12+s13] =	stream.strided.scatter [tilespmem:s14], [sflag:$0x2], $0x1000, s8, s13, $0x20;
	[tilespmem:$0x4040] =	vst v63  }
.LBB1_5:
0x14: {  	s14 =	sadd.s32 $0x1, s9  }
0x15: {  	s12 =	sadd.s32 $0x1000, s10;
	s16 =	smov.u32 s10;
	p2 =	sgt.s32 s14, $0xC7  }
0x16: {  	s16 =	smov.u32 @p2 s12  }
0x17: {  	s14 =	simm.s32 @p2 $0x0;
	p2 =	sgt.s32 s16, $0xFFF  }
0x18: {  	s16 =	smov.u32 @p2 s2;
	p2 =	sne.s32 s11, s7  }
.Ltmp1:
0x19: {  	p1 =	slt.u32 s11, $0x2;
	(pc) =	sbr.rel @!p2 .LBB1_6-.Ltmp1, $4  }
0x1a: {  	s15 =	simm.s32 @!p1 $0x2  }
0x1b: {  	s13 =	smov.u32 s10;
	p0 =	por !p0, !p0;
	_ =	swait.ge @!p1 [sflag:s15], $0x1000  }
0x1c: {  	s12 =	smov.u32 s9;
	[sflag:s15] =	ssyncset.done @!p1 $0x0;
	s9 =	smov.u32 s14  }
0x1d: {  	s11 =	sadd.s32 $0x1, s11;
	[sflag:s15] =	ssyncadd.s32 @!p1 $0xFFFFF000;
	s10 =	smov.u32 s16  }
.LBB1_1:
0x1e: {  	p1 =	sge.u32 s11, s5  }
0x1f: {  	s14 =	sand.u32 @!p1 $0x1FFFFFF, s9  }
0x20: {  	s15 =	smulhi.u32 @!p1 $0x147AE15, s14;
	_ =	sdelay $0x1  }
0x21: {  	s15 =	smul.u32 @!p1 $0xC8, s15  }
0x22: {  	s16 =	sxor.u32 @!p1 $0xFFFFFFFF, s11;
	s17 =	smul.u32 @!p1 $0xC80, s10  }
0x23: {  	s31 =	sadd.s32 $0xFFFFFFFF, s11;
	s16 =	sshll.u32 @!p1 s16, $0xC;
	s14 =	ssub.s32 @!p1 s14, s15  }
0x24: {  	s15 =	sand.u32 @!p1 $0x1000, s16;
	s16 =	sadd.s32 @!p1 s6, s17;
	s14 =	sshll.u32 @!p1 s14, $0x4  }
0x25: {  	s17 =	simm.s32 @!p1 $0x6400;
	s14 =	sadd.s32 @!p1 s14, s16;
	s16 =	simm.s32 @!p1 $0x20  }
0x26: {  	[tilespmem:s15], [sflag:$0x1] =	stream.strided.gather @!p1 [hbm4b:s14+s16], $0x1000, s17, s16, $0x38;
	[tilespmem:$0x4040] =	vst v63  }
0x27: {  	p1 =	sge.u32 s31, s5  }
.Ltmp2:
0x28: {  	_ = 	snop;
	(pc) =	sbr.rel @p1 .LBB1_5-.Ltmp2, $1  }
0x29: {  	_ =	sdelay $0x3  }
0x2a: {  	s14 =	simm.s32 $0x1  }
0x2b: {  	_ =	swait.ge [sflag:s4], $0x1000;
	s14 =	simm.s32 @!p0 $0x0  }
0x2c: {  	[sflag:s4] =	ssyncset.done $0x0;
	s15 =	sshll.u32 s14, $0xC  }
0x2d: {  	[sflag:s4] =	ssyncadd.s32 $0xFFFFF000;
	s18 =	sor.u32 $0x10, s15  }
0x2e: {  	s14 =	smul.u32 $0x4080, s14;
	v1 =	vld [tilespmem:s18+$0x0]  }
0x2f: {  	s30 =	sand.u32 $0x1, s11;
	v0 =	vld [tilespmem:s18+$0xFFFFFFF0]  }
0x30: {  	s15 =	smul.u32 $0x4080, s30;
	s14 =	sshrl.u32 s14, $0x2  }
0x31: {  	s16 =	sor.u32 $0x2000, s14  }
0x32: {  	s31 =	sshrl.u32 s15, $0x2;
	s15 =	sadd.s32 $0x0, s16  }
0x33: {  	s17 =	simm.s32 $0x4;
	s18 =	sadd.s32 $0x20, s18;
	s14 =	sor.u32 $0x2000, s31;
	[tilespmem:s15+$0x810 ss:$0x81] =	vst.msk $0xffff, v1  }
.LBB1_3:
0x34: {  	v1 =	vld [tilespmem:s18+$0x0];
	p1 =	sne.s32 s17, $0x1FC;
	[tilespmem:s15+$0x0 ss:$0x81] =	vst.msk $0xffff, v0;
	s15 =	smov.u32 s17;
	s17 =	sadd.s32 $0x4, s17  }
.Ltmp3:
0x35: {  	v0 =	vld [tilespmem:s18+$0xFFFFFFF0];
	(pc) =	sbr.rel @p1 .LBB1_3-.Ltmp3, $4  }
0x36: {  	_ = 	snop  }
0x37: {  	s15 =	sshra.s32 s15, $0x2  }
0x38: {  	s15 =	sadd.s32 s15, s16  }
0x39: {  	s18 =	sadd.s32 $0x20, s18;
	[tilespmem:s15+$0x810 ss:$0x81] =	vst.msk $0xffff, v1  }
.Ltmp4:
0x3a: {  	_ = 	snop;
	(pc) =	sbr.rel .LBB1_4-.Ltmp4, $1  }
0x3b: {  	_ =	sdelay $0x3  }
.LBB1_6:
0x3c: {  	_ =	sfence.sel $0x180000  }
0x3d: {  	s2 =	simm.s32 $0x1;
	[bflag:$0x0] =	sbarrier.arrive $0xFFFF  }
0x3e: {  	s31 =	simm.s32 $0x2;
	[sflag:s2] =	ssyncpa.u1 $0x1  }
0x3f: {  	[sflag:s31] =	ssyncpa.u1 $0x1  }
0x40: {  	p0 =	sne.s32 s0, $0x0;
	_ =	strace $0x9000004A  }
0x41: {  	s0 =	sadd.s32 @!p0 $0x100000, s1;
	[bflag:$0x2] =	sbarrier.arrive $0xFFFF  }
0x42: {  	[sflag:s0] =	ssyncadd.tile.s32 @!p0 $0x1;
	_ =	shalt  }
.Lfunc_end1:
_tile_overlayer_lowered:
.L_overlay_start_2:
0x43: {  	(tag) =	ssettag $0x2  }
0x44: {  	s0 =	rddreg [dreg:$0x0];
	s2 =	stileid.u32  }
0x45: {  	s1 =	rddreg [dreg:$0x1];
	p0 =	sne.s32 s2, $0x0  }
0x46: {  	s3 =	rddreg [dreg:$0x2];
	[bflag:$0x3] =	sbarrier.arrive $0xFFFF;
	s2 =	simm.s32 @!p0 $0x1C01  }
0x47: {  	[timem:s3], [sflag:s2] =	dma.local @!p0 [hbm:s0], s1  }
0x48: {  	s0 =	simm.s32 @!p0 $0x1  }
0x49: {  	_ =	swait.ge @!p0 [sflag:s0], s1  }
0x4a: {  	s1 =	ssub.s32 @!p0 $0x0, s1;
	[sflag:s0] =	ssyncset.done @!p0 $0x0  }
0x4b: {  	[sflag:s0] =	ssyncadd.s32 @!p0 s1  }
0x4c: {  	[bflag:$0x3] =	sbarrier.arrive $0xFFFF  }
0x4d: {  	_ =	shalt  }

</sc_bundles>
